<compile_context>
chip_gen: v7x
topology: tpu7x:2x2x1
jax: 0.10.2.dev20260603
libtpu: 0.0.44.dev20260713+nightly
codegen_flags: <defaults>
</compile_context>

<pallas_src>
import functools

import jax
import jax.numpy as jnp
from jax import lax
from jax.experimental import pallas as pl
from jax.experimental.pallas import tpu as pltpu
from jax.experimental.pallas import tpu_sc as plsc

_R = 0.86
_L = 16
_NW = 32
_CH = 512
_NB = 2048
_HPAD = 2052
_NCAND = 520
_LN2 = 0.6931471805599453


def _ilog_poly(s):
    bits = plsc.bitcast(s, jnp.int32)
    ex = lax.shift_right_logical(bits, 23) - 127
    mb = lax.bitwise_or(lax.bitwise_and(bits, 0x7FFFFF), 0x3F800000)
    m = plsc.bitcast(mb, jnp.float32)
    z = (m - 1.0) / (m + 1.0)
    z2 = z * z
    p = 1.0 / 9.0 + z2 * 0.0
    p = 1.0 / 7.0 + z2 * p
    p = 1.0 / 5.0 + z2 * p
    p = 1.0 / 3.0 + z2 * p
    p = 1.0 + z2 * p
    return ex.astype(jnp.float32) * _LN2 + 2.0 * z * p


def _search(hist, col, a0, target, nbins):
    lo = jnp.zeros((_L,), jnp.int32)
    hi = jnp.full((_L,), nbins - 1, jnp.int32)
    steps = nbins.bit_length() - 1

    def step(_, carry):
        lo, hi = carry
        mid = lax.shift_right_logical(lo + hi + 1, 1)
        sv = plsc.load_gather(hist, [mid, col])
        c = (a0 + sv) >= target
        return jnp.where(c, mid, lo), jnp.where(c, hi, mid - 1)

    lo, hi = lax.fori_loop(0, steps, step, (lo, hi))
    anext = a0 + plsc.load_gather(hist, [lo + 1, col])
    return lo, anext


def _zero_hist2(hist, nrows):

    @plsc.parallel_loop(0, nrows, unroll=8)
    def z(j):
        hist[j, pl.ds(0, _L)] = jnp.zeros((_L,), jnp.float32)
        hist[j, pl.ds(_L, _L)] = jnp.zeros((_L,), jnp.float32)


def _zero_hist1(hist, g, nrows):
    @plsc.parallel_loop(0, nrows, unroll=8)
    def z(j):
        hist[j, pl.ds(g * _L, _L)] = jnp.zeros((_L,), jnp.float32)


def _suffix_sum2(hist, nbins):

    def sfx(j, accs):
        a0, a1 = accs
        jr = nbins - 1 - j
        a0 = a0 + hist[jr, pl.ds(0, _L)]
        a1 = a1 + hist[jr, pl.ds(_L, _L)]
        hist[jr, pl.ds(0, _L)] = a0
        hist[jr, pl.ds(_L, _L)] = a1
        return a0, a1

    zero = jnp.zeros((_L,), jnp.float32)
    return lax.fori_loop(0, nbins, sfx, (zero, zero), unroll=4)


def _suffix_sum1(hist, g, nbins):
    def sfx(j, acc):
        jr = nbins - 1 - j
        acc = acc + hist[jr, pl.ds(g * _L, _L)]
        hist[jr, pl.ds(g * _L, _L)] = acc
        return acc

    return lax.fori_loop(0, nbins, sfx, jnp.zeros((_L,), jnp.float32),
                         unroll=4)


def _sc_body(x_hbm, o_hbm, buf, hist, cand_e, cand_k):
    wid = lax.axis_index("s") * 2 + lax.axis_index("c")
    lane = lax.iota(jnp.int32, _L)
    B, V, C = x_hbm.shape
    nchunks = V // _CH

    def run_unit(t, _):
        bidx = t * _NW + wid

        _zero_hist2(hist, _HPAD)

        def scan1_chunk(ci, _):
            pltpu.sync_copy(x_hbm.at[bidx, pl.ds(ci * _CH, _CH)], buf)

            @plsc.parallel_loop(0, _CH, unroll=8)
            def row(i):
                e0 = jnp.exp(buf[i, pl.ds(0, _L)])
                e1 = jnp.exp(buf[i, pl.ds(_L, _L)])
                k0 = plsc.bitcast(e0, jnp.int32)
                k1 = plsc.bitcast(e1, jnp.int32)
                plsc.addupdate_scatter(
                    hist, [lax.shift_right_logical(k0, 20), lane], e0)
                plsc.addupdate_scatter(
                    hist, [lax.shift_right_logical(k1, 20), lane + _L], e1)

            return 0

        lax.fori_loop(0, nchunks, scan1_chunk, 0)

        s0, s1 = _suffix_sum2(hist, _NB)
        tg0, tg1 = _R * s0, _R * s1
        zero = jnp.zeros((_L,), jnp.float32)
        b1s0, a10 = _search(hist, lane, zero, tg0, _NB)
        b1s1, a11 = _search(hist, lane + _L, zero, tg1, _NB)

        def scan2_chunk(ci, cnts):
            pltpu.sync_copy(x_hbm.at[bidx, pl.ds(ci * _CH, _CH)], buf)

            @plsc.parallel_loop(0, _CH, unroll=8, carry=cnts)
            def row(i, cnts):
                c0, c1 = cnts
                e0 = jnp.exp(buf[i, pl.ds(0, _L)])
                e1 = jnp.exp(buf[i, pl.ds(_L, _L)])
                k0 = plsc.bitcast(e0, jnp.int32)
                k1 = plsc.bitcast(e1, jnp.int32)
                m0 = (lax.shift_right_logical(k0, 20) == b1s0) & (c0 < _NCAND)
                m1 = (lax.shift_right_logical(k1, 20) == b1s1) & (c1 < _NCAND)
                plsc.store_scatter(cand_e, [c0, lane], e0, mask=m0)
                plsc.store_scatter(cand_k, [c0, lane], k0, mask=m0)
                plsc.store_scatter(cand_e, [c1, lane + _L], e1, mask=m1)
                plsc.store_scatter(cand_k, [c1, lane + _L], k1, mask=m1)
                return (c0 + jnp.where(m0, 1, 0), c1 + jnp.where(m1, 1, 0))

            return row

        czero = jnp.zeros((_L,), jnp.int32)
        cnt0, cnt1 = lax.fori_loop(0, nchunks, scan2_chunk, (czero, czero))

        taus = []
        for g, (b1s, a1, cnt, tgt) in enumerate(
                ((b1s0, a10, cnt0, tg0), (b1s1, a11, cnt1, tg1))):
            col = lane + g * _L
            nmax = jnp.max(cnt)

            _zero_hist1(hist, g, 1028)

            def r2(j, _, cnt=cnt, col=col, g=g):
                valid = (lane * 0 + j) < cnt
                k = cand_k[j, pl.ds(g * _L, _L)]
                b2 = lax.bitwise_and(lax.shift_right_logical(k, 10), 0x3FF)
                plsc.addupdate_scatter(
                    hist, [b2, col], cand_e[j, pl.ds(g * _L, _L)], mask=valid)
                return 0

            lax.fori_loop(0, nmax, r2, 0)
            _suffix_sum1(hist, g, 1024)
            b2s, a2 = _search(hist, col, a1, tgt, 1024)

            _zero_hist1(hist, g, 1028)

            def r3(j, _, cnt=cnt, col=col, g=g, b2s=b2s):
                k = cand_k[j, pl.ds(g * _L, _L)]
                valid = ((lane * 0 + j) < cnt) & (
                    lax.bitwise_and(lax.shift_right_logical(k, 10), 0x3FF)
                    == b2s)
                b3 = lax.bitwise_and(k, 0x3FF)
                plsc.addupdate_scatter(
                    hist, [b3, col], cand_e[j, pl.ds(g * _L, _L)], mask=valid)
                return 0

            lax.fori_loop(0, nmax, r3, 0)
            _suffix_sum1(hist, g, 1024)
            b3s, _ = _search(hist, col, a2, tgt, 1024)

            tau_k = lax.bitwise_or(
                lax.bitwise_or(lax.shift_left(b1s, 20),
                               lax.shift_left(b2s, 10)), b3s)
            taus.append(plsc.bitcast(tau_k, jnp.float32))

        tau0, tau1 = taus
        logz0 = _ilog_poly(s0)
        logz1 = _ilog_poly(s1)

        def scan3_chunk(ci, _):
            pltpu.sync_copy(x_hbm.at[bidx, pl.ds(ci * _CH, _CH)], buf)

            @plsc.parallel_loop(0, _CH, unroll=8)
            def row(i):
                v0 = buf[i, pl.ds(0, _L)]
                v1 = buf[i, pl.ds(_L, _L)]
                e0 = jnp.exp(v0)
                e1 = jnp.exp(v1)
                cand_e[i, pl.ds(0, _L)] = jnp.where(
                    e0 >= tau0, v0 - logz0, -70.0)
                cand_e[i, pl.ds(_L, _L)] = jnp.where(
                    e1 >= tau1, v1 - logz1, -70.0)
            pltpu.sync_copy(cand_e.at[pl.ds(0, _CH)],
                            o_hbm.at[bidx, pl.ds(ci * _CH, _CH)])
            return 0

        lax.fori_loop(0, nchunks, scan3_chunk, 0)
        return 0

    lax.fori_loop(0, B // _NW, run_unit, 0)


def _sc_part(x):
    B, V, C = x.shape
    mesh = plsc.VectorSubcoreMesh(
        core_axis_name="c", subcore_axis_name="s", num_cores=2, num_subcores=16)
    f = pl.kernel(
        functools.partial(_sc_body),
        out_type=jax.ShapeDtypeStruct((B, V, C), jnp.float32),
        mesh=mesh,
        compiler_params=pltpu.CompilerParams(
            use_tc_tiling_on_sc=False, needs_layout_passes=False),
        scratch_types=[
            pltpu.VMEM((_CH, C), jnp.float32),
            pltpu.VMEM((_HPAD, C), jnp.float32),
            pltpu.VMEM((_NCAND, C), jnp.float32),
            pltpu.VMEM((_NCAND, C), jnp.int32),
        ],
    )
    return f(x)


def kernel(logits):
    return _sc_part(logits)

# --- scband reference (transcript-rebuilt; emitter-appended) ---
"""Pipeline reference for scband-text2-vec-61804579389777 (READ-ONLY COPY).

The authoritative reference and input builder live on the scoring server;
editing this copy changes nothing except your own understanding.
"""

import jax, jax.numpy as jnp
import numpy as np

TRUNCATION_R = 0.86


def setup_inputs(seed: int = 0) -> dict:
    key = jax.random.key(seed)
    logits = jax.random.normal(key, (64, 8192, 32), dtype=jnp.float32)
    return {"logits": logits}


def reference(logits):
    # predict_start output: log-probs over the codebook (dim=1)
    out = jax.nn.log_softmax(logits, axis=1)
    # torch.sort(out, 1, descending=True) -> values temp, indices
    order = jnp.argsort(-out, axis=1)
    temp = jnp.take_along_axis(out, order, axis=1)
    # nucleus (top-r) mask construction, faithful to the original
    temp1 = jnp.exp(temp)
    temp2 = jnp.cumsum(temp1, axis=1)
    temp3 = temp2 < TRUNCATION_R
    new_temp = jnp.ones_like(temp3[:, 0:1, :])  # full_like(..., True)
    temp6 = jnp.concatenate((new_temp, temp3), axis=1)
    temp3 = temp6[:, :-1, :]
    # temp3.gather(1, indices.argsort(1)) -> scatter mask back to original order
    inv = jnp.argsort(order, axis=1)
    temp4 = jnp.take_along_axis(temp3, inv, axis=1).astype(out.dtype)
    # keep kept log-probs, set the rest to -70
    probs = temp4 * out + (1.0 - temp4) * (-70.0)
    return probs

if __name__ == "__main__":
    import jax
    _d = setup_inputs()
    print(jax.jit(kernel)(*tuple(_d.values())))

</pallas_src>

<mosaic_0001>
#map = affine_map<(d0, d1) -> (0, 0, 0)>
module attributes {stable_mosaic.version = 14 : i64} {
  func.func @_sc_body(%arg0: i32, %arg1: i32, %arg2: memref<64x8192x32xf32, #tpu.memory_space<hbm>>, %arg3: memref<64x8192x32xf32, #tpu.memory_space<hbm>>, %arg4: memref<512x32xf32, #tpu.memory_space<vmem>>, %arg5: memref<2052x32xf32, #tpu.memory_space<vmem>>, %arg6: memref<520x32xf32, #tpu.memory_space<vmem>>, %arg7: memref<520x32xi32, #tpu.memory_space<vmem>>) attributes {dimension_semantics = [#tpu.dimension_semantics<core_parallel>, #tpu.dimension_semantics<subcore_parallel>], iteration_bounds = array<i64: 2, 16>, scalar_prefetch = 0 : i64, scratch_operands = 4 : i64, tpu.core_type = #tpu.core_type<sc_vector_subcore>, window_params = [{transform_indices = #map}, {transform_indices = #map}]} {
    %mul3A = arith.constant 2 : i32
    %mul3A_0 = arith.muli %arg1, %mul3A : i32
    %add3A = arith.addi %mul3A_0, %arg0 : i32
    %iota3A = tpu.iota {dimensions = array<i32: 0>} : vector<16xi32>
    %scan3A = arith.constant 0 : i32
    %scan3A_1 = arith.constant 0 : i32
    %scan3A_2 = arith.constant 2 : i32
    %scan3A_3 = arith.addi %scan3A_1, %scan3A_2 : i32
    %scan3A_4 = arith.constant 1 : i32
    %scan3A_5 = scf.for %scan3A_7 = %scan3A_1 to %scan3A_3 step %scan3A_4 iter_args(%scan3A_8 = %scan3A) -> (i32)  : i32 {
      %mul3A_9 = arith.constant 32 : i32
      %mul3A_10 = arith.muli %scan3A_7, %mul3A_9 : i32
      %add3A_11 = arith.addi %mul3A_10, %add3A : i32
      %parallel_loop3A = arith.constant 0 : i32
      %parallel_loop3A_12 = arith.constant 2052 : i32
      %parallel_loop3A_13 = arith.constant 1 : i32
      scf.for %parallel_loop3A_372 = %parallel_loop3A to %parallel_loop3A_12 step %parallel_loop3A_13  : i32 {
        %parallel_loop3A_373 = arith.constant 0.000000e+00 : f32
        %parallel_loop3A_374 = vector.broadcast %parallel_loop3A_373 : f32 to vector<16xf32>
        %parallel_loop3A_375 = arith.index_cast %parallel_loop3A_372 : i32 to index
        %parallel_loop3A_376 = arith.constant 0 : index
        %parallel_loop3A_377 = tpu.vector_load %arg5[%parallel_loop3A_375, %parallel_loop3A_376] {strides = array<i32>} : memref<2052x32xf32, #tpu.memory_space<vmem>>, vector<16xf32>,
        tpu.vector_store %arg5[%parallel_loop3A_375, %parallel_loop3A_376], %parallel_loop3A_374 {strides = array<i32>} : memref<2052x32xf32, #tpu.memory_space<vmem>>, vector<16xf32>,
        %parallel_loop3A_378 = arith.constant 0.000000e+00 : f32
        %parallel_loop3A_379 = vector.broadcast %parallel_loop3A_378 : f32 to vector<16xf32>
        %parallel_loop3A_380 = arith.index_cast %parallel_loop3A_372 : i32 to index
        %parallel_loop3A_381 = arith.constant 16 : index
        %parallel_loop3A_382 = tpu.vector_load %arg5[%parallel_loop3A_380, %parallel_loop3A_381] {strides = array<i32>} : memref<2052x32xf32, #tpu.memory_space<vmem>>, vector<16xf32>,
        tpu.vector_store %arg5[%parallel_loop3A_380, %parallel_loop3A_381], %parallel_loop3A_379 {strides = array<i32>} : memref<2052x32xf32, #tpu.memory_space<vmem>>, vector<16xf32>,
      } {sc.loop_unroll_factor = 8 : i64, sc.parallel_access}
      %scan3A_14 = arith.constant 0 : i32
      %scan3A_15 = arith.constant 0 : i32
      %scan3A_16 = arith.constant 16 : i32
      %scan3A_17 = arith.addi %scan3A_15, %scan3A_16 : i32
      %scan3A_18 = arith.constant 1 : i32
      %scan3A_19 = scf.for %scan3A_372 = %scan3A_15 to %scan3A_17 step %scan3A_18 iter_args(%scan3A_373 = %scan3A_14) -> (i32)  : i32 {
        %mul3A_374 = arith.constant 512 : i32
        %mul3A_375 = arith.muli %scan3A_372, %mul3A_374 : i32
        "tpu.region"() ({
          %run_scoped3A = tpu.sem_alloc : memref<!tpu.dma_semaphore, #tpu.memory_space<semaphore_mem>>
          %dma_start3A = arith.constant 0 : i32
          %dma_start3A_380 = tpu.memref_slice %arg2[%add3A_11, %mul3A_375, %dma_start3A] : memref<64x8192x32xf32, #tpu.memory_space<hbm>> -> memref<1x512x32xf32, #tpu.memory_space<hbm>>
          %dma_start3A_381 = tpu.memref_squeeze %dma_start3A_380 : memref<1x512x32xf32, #tpu.memory_space<hbm>> -> memref<512x32xf32, #tpu.memory_space<hbm>>
          %dma_start3A_382 = arith.constant 0 : i32
          %dma_start3A_383 = tpu.memref_slice %arg2[%add3A_11, %mul3A_375, %dma_start3A_382] : memref<64x8192x32xf32, #tpu.memory_space<hbm>> -> memref<1x512x32xf32, #tpu.memory_space<hbm>>
          %dma_start3A_384 = tpu.memref_squeeze %dma_start3A_383 : memref<1x512x32xf32, #tpu.memory_space<hbm>> -> memref<512x32xf32, #tpu.memory_space<hbm>>
          tpu.enqueue_dma source(%dma_start3A_384 : memref<512x32xf32, #tpu.memory_space<hbm>>) target(%arg4 : memref<512x32xf32, #tpu.memory_space<vmem>>) target_semaphore(%run_scoped3A : memref<!tpu.dma_semaphore, #tpu.memory_space<semaphore_mem>>)
          %dma_wait3A = arith.constant 0 : i32
          %dma_wait3A_385 = tpu.memref_slice %arg2[%add3A_11, %mul3A_375, %dma_wait3A] : memref<64x8192x32xf32, #tpu.memory_space<hbm>> -> memref<1x512x32xf32, #tpu.memory_space<hbm>>
          %dma_wait3A_386 = tpu.memref_squeeze %dma_wait3A_385 : memref<1x512x32xf32, #tpu.memory_space<hbm>> -> memref<512x32xf32, #tpu.memory_space<hbm>>
          %dma_wait3A_387 = arith.constant 0 : i32
          %dma_wait3A_388 = tpu.memref_slice %arg2[%add3A_11, %mul3A_375, %dma_wait3A_387] : memref<64x8192x32xf32, #tpu.memory_space<hbm>> -> memref<1x512x32xf32, #tpu.memory_space<hbm>>
          %dma_wait3A_389 = tpu.memref_squeeze %dma_wait3A_388 : memref<1x512x32xf32, #tpu.memory_space<hbm>> -> memref<512x32xf32, #tpu.memory_space<hbm>>
          tpu.wait_dma2 semaphore(%run_scoped3A : memref<!tpu.dma_semaphore, #tpu.memory_space<semaphore_mem>>) src(%dma_wait3A_389 : memref<512x32xf32, #tpu.memory_space<hbm>>) dst(%arg4 : memref<512x32xf32, #tpu.memory_space<vmem>>)
          tpu.yield
        }) : () -> ()
        %parallel_loop3A_376 = arith.constant 0 : i32
        %parallel_loop3A_377 = arith.constant 512 : i32
        %parallel_loop3A_378 = arith.constant 1 : i32
        scf.for %parallel_loop3A_380 = %parallel_loop3A_376 to %parallel_loop3A_377 step %parallel_loop3A_378  : i32 {
          %parallel_loop3A_381 = arith.index_cast %parallel_loop3A_380 : i32 to index
          %parallel_loop3A_382 = arith.constant 0 : index
          %parallel_loop3A_383 = tpu.vector_load %arg4[%parallel_loop3A_381, %parallel_loop3A_382] {strides = array<i32>} : memref<512x32xf32, #tpu.memory_space<vmem>>, vector<16xf32>,
          %parallel_loop3A_384 = math.exp %parallel_loop3A_383 : vector<16xf32>
          %parallel_loop3A_385 = arith.index_cast %parallel_loop3A_380 : i32 to index
          %parallel_loop3A_386 = arith.constant 16 : index
          %parallel_loop3A_387 = tpu.vector_load %arg4[%parallel_loop3A_385, %parallel_loop3A_386] {strides = array<i32>} : memref<512x32xf32, #tpu.memory_space<vmem>>, vector<16xf32>,
          %parallel_loop3A_388 = math.exp %parallel_loop3A_387 : vector<16xf32>
          %parallel_loop3A_389 = vector.bitcast %parallel_loop3A_384 : vector<16xf32> to vector<16xi32>
          %parallel_loop3A_390 = vector.bitcast %parallel_loop3A_388 : vector<16xf32> to vector<16xi32>
          %parallel_loop3A_391 = arith.constant 20 : i32
          %parallel_loop3A_392 = vector.broadcast %parallel_loop3A_391 : i32 to vector<16xi32>
          %parallel_loop3A_393 = arith.shrui %parallel_loop3A_389, %parallel_loop3A_392 : vector<16xi32>
          tpu.vector_store_idx %arg5[%parallel_loop3A_393, %iota3A], %parallel_loop3A_384 {add = true} : memref<2052x32xf32, #tpu.memory_space<vmem>>[vector<16xi32>, vector<16xi32>], vector<16xf32>,
          %parallel_loop3A_394 = arith.constant 20 : i32
          %parallel_loop3A_395 = vector.broadcast %parallel_loop3A_394 : i32 to vector<16xi32>
          %parallel_loop3A_396 = arith.shrui %parallel_loop3A_390, %parallel_loop3A_395 : vector<16xi32>
          %parallel_loop3A_397 = arith.constant 16 : i32
          %parallel_loop3A_398 = vector.broadcast %parallel_loop3A_397 : i32 to vector<16xi32>
          %parallel_loop3A_399 = arith.addi %iota3A, %parallel_loop3A_398 : vector<16xi32>
          tpu.vector_store_idx %arg5[%parallel_loop3A_396, %parallel_loop3A_399], %parallel_loop3A_388 {add = true} : memref<2052x32xf32, #tpu.memory_space<vmem>>[vector<16xi32>, vector<16xi32>], vector<16xf32>,
        } {sc.loop_unroll_factor = 8 : i64, sc.parallel_access}
        %scan3A_379 = arith.constant 0 : i32
        scf.yield %scan3A_379 : i32
      }
      %scan3A_20 = arith.constant 16 : i32
      %broadcast_in_dim3A = arith.constant 0.000000e+00 : f32
      %broadcast_in_dim3A_21 = vector.broadcast %broadcast_in_dim3A : f32 to vector<16xf32>
      %scan3A_22 = arith.constant 0 : i32
      %scan3A_23 = arith.constant 2048 : i32
      %scan3A_24 = arith.addi %scan3A_22, %scan3A_23 : i32
      %scan3A_25 = arith.constant 4 : i32
      %scan3A_26:2 = scf.for %scan3A_372 = %scan3A_22 to %scan3A_24 step %scan3A_25 iter_args(%scan3A_373 = %broadcast_in_dim3A_21, %scan3A_374 = %broadcast_in_dim3A_21) -> (vector<16xf32>, vector<16xf32>)  : i32 {
        %sub3A_375 = arith.constant 2047 : i32
        %sub3A_376 = arith.subi %sub3A_375, %scan3A_372 : i32
        %get3A = arith.index_cast %sub3A_376 : i32 to index
        %get3A_377 = arith.constant 0 : index
        %get3A_378 = tpu.vector_load %arg5[%get3A, %get3A_377] {strides = array<i32>} : memref<2052x32xf32, #tpu.memory_space<vmem>>, vector<16xf32>,
        %add3A_379 = arith.addf %scan3A_373, %get3A_378 : vector<16xf32>
        %get3A_380 = arith.index_cast %sub3A_376 : i32 to index
        %get3A_381 = arith.constant 16 : index
        %get3A_382 = tpu.vector_load %arg5[%get3A_380, %get3A_381] {strides = array<i32>} : memref<2052x32xf32, #tpu.memory_space<vmem>>, vector<16xf32>,
        %add3A_383 = arith.addf %scan3A_374, %get3A_382 : vector<16xf32>
        %swap3A = arith.index_cast %sub3A_376 : i32 to index
        %swap3A_384 = arith.constant 0 : index
        %swap3A_385 = tpu.vector_load %arg5[%swap3A, %swap3A_384] {strides = array<i32>} : memref<2052x32xf32, #tpu.memory_space<vmem>>, vector<16xf32>,
        tpu.vector_store %arg5[%swap3A, %swap3A_384], %add3A_379 {strides = array<i32>} : memref<2052x32xf32, #tpu.memory_space<vmem>>, vector<16xf32>,
        %swap3A_386 = arith.index_cast %sub3A_376 : i32 to index
        %swap3A_387 = arith.constant 16 : index
        %swap3A_388 = tpu.vector_load %arg5[%swap3A_386, %swap3A_387] {strides = array<i32>} : memref<2052x32xf32, #tpu.memory_space<vmem>>, vector<16xf32>,
        tpu.vector_store %arg5[%swap3A_386, %swap3A_387], %add3A_383 {strides = array<i32>} : memref<2052x32xf32, #tpu.memory_space<vmem>>, vector<16xf32>,
        %scan3A_389 = arith.constant 1 : i32
        %scan3A_390 = arith.addi %scan3A_372, %scan3A_389 : i32
        %sub3A_391 = arith.constant 2047 : i32
        %sub3A_392 = arith.subi %sub3A_391, %scan3A_390 : i32
        %get3A_393 = arith.index_cast %sub3A_392 : i32 to index
        %get3A_394 = arith.constant 0 : index
        %get3A_395 = tpu.vector_load %arg5[%get3A_393, %get3A_394] {strides = array<i32>} : memref<2052x32xf32, #tpu.memory_space<vmem>>, vector<16xf32>,
        %add3A_396 = arith.addf %add3A_379, %get3A_395 : vector<16xf32>
        %get3A_397 = arith.index_cast %sub3A_392 : i32 to index
        %get3A_398 = arith.constant 16 : index
        %get3A_399 = tpu.vector_load %arg5[%get3A_397, %get3A_398] {strides = array<i32>} : memref<2052x32xf32, #tpu.memory_space<vmem>>, vector<16xf32>,
        %add3A_400 = arith.addf %add3A_383, %get3A_399 : vector<16xf32>
        %swap3A_401 = arith.index_cast %sub3A_392 : i32 to index
        %swap3A_402 = arith.constant 0 : index
        %swap3A_403 = tpu.vector_load %arg5[%swap3A_401, %swap3A_402] {strides = array<i32>} : memref<2052x32xf32, #tpu.memory_space<vmem>>, vector<16xf32>,
        tpu.vector_store %arg5[%swap3A_401, %swap3A_402], %add3A_396 {strides = array<i32>} : memref<2052x32xf32, #tpu.memory_space<vmem>>, vector<16xf32>,
        %swap3A_404 = arith.index_cast %sub3A_392 : i32 to index
        %swap3A_405 = arith.constant 16 : index
        %swap3A_406 = tpu.vector_load %arg5[%swap3A_404, %swap3A_405] {strides = array<i32>} : memref<2052x32xf32, #tpu.memory_space<vmem>>, vector<16xf32>,
        tpu.vector_store %arg5[%swap3A_404, %swap3A_405], %add3A_400 {strides = array<i32>} : memref<2052x32xf32, #tpu.memory_space<vmem>>, vector<16xf32>,
        %scan3A_407 = arith.constant 2 : i32
        %scan3A_408 = arith.addi %scan3A_372, %scan3A_407 : i32
        %sub3A_409 = arith.constant 2047 : i32
        %sub3A_410 = arith.subi %sub3A_409, %scan3A_408 : i32
        %get3A_411 = arith.index_cast %sub3A_410 : i32 to index
        %get3A_412 = arith.constant 0 : index
        %get3A_413 = tpu.vector_load %arg5[%get3A_411, %get3A_412] {strides = array<i32>} : memref<2052x32xf32, #tpu.memory_space<vmem>>, vector<16xf32>,
        %add3A_414 = arith.addf %add3A_396, %get3A_413 : vector<16xf32>
        %get3A_415 = arith.index_cast %sub3A_410 : i32 to index
        %get3A_416 = arith.constant 16 : index
        %get3A_417 = tpu.vector_load %arg5[%get3A_415, %get3A_416] {strides = array<i32>} : memref<2052x32xf32, #tpu.memory_space<vmem>>, vector<16xf32>,
        %add3A_418 = arith.addf %add3A_400, %get3A_417 : vector<16xf32>
        %swap3A_419 = arith.index_cast %sub3A_410 : i32 to index
        %swap3A_420 = arith.constant 0 : index
        %swap3A_421 = tpu.vector_load %arg5[%swap3A_419, %swap3A_420] {strides = array<i32>} : memref<2052x32xf32, #tpu.memory_space<vmem>>, vector<16xf32>,
        tpu.vector_store %arg5[%swap3A_419, %swap3A_420], %add3A_414 {strides = array<i32>} : memref<2052x32xf32, #tpu.memory_space<vmem>>, vector<16xf32>,
        %swap3A_422 = arith.index_cast %sub3A_410 : i32 to index
        %swap3A_423 = arith.constant 16 : index
        %swap3A_424 = tpu.vector_load %arg5[%swap3A_422, %swap3A_423] {strides = array<i32>} : memref<2052x32xf32, #tpu.memory_space<vmem>>, vector<16xf32>,
        tpu.vector_store %arg5[%swap3A_422, %swap3A_423], %add3A_418 {strides = array<i32>} : memref<2052x32xf32, #tpu.memory_space<vmem>>, vector<16xf32>,
        %scan3A_425 = arith.constant 3 : i32
        %scan3A_426 = arith.addi %scan3A_372, %scan3A_425 : i32
        %sub3A_427 = arith.constant 2047 : i32
        %sub3A_428 = arith.subi %sub3A_427, %scan3A_426 : i32
        %get3A_429 = arith.index_cast %sub3A_428 : i32 to index
        %get3A_430 = arith.constant 0 : index
        %get3A_431 = tpu.vector_load %arg5[%get3A_429, %get3A_430] {strides = array<i32>} : memref<2052x32xf32, #tpu.memory_space<vmem>>, vector<16xf32>,
        %add3A_432 = arith.addf %add3A_414, %get3A_431 : vector<16xf32>
        %get3A_433 = arith.index_cast %sub3A_428 : i32 to index
        %get3A_434 = arith.constant 16 : index
        %get3A_435 = tpu.vector_load %arg5[%get3A_433, %get3A_434] {strides = array<i32>} : memref<2052x32xf32, #tpu.memory_space<vmem>>, vector<16xf32>,
        %add3A_436 = arith.addf %add3A_418, %get3A_435 : vector<16xf32>
        %swap3A_437 = arith.index_cast %sub3A_428 : i32 to index
        %swap3A_438 = arith.constant 0 : index
        %swap3A_439 = tpu.vector_load %arg5[%swap3A_437, %swap3A_438] {strides = array<i32>} : memref<2052x32xf32, #tpu.memory_space<vmem>>, vector<16xf32>,
        tpu.vector_store %arg5[%swap3A_437, %swap3A_438], %add3A_432 {strides = array<i32>} : memref<2052x32xf32, #tpu.memory_space<vmem>>, vector<16xf32>,
        %swap3A_440 = arith.index_cast %sub3A_428 : i32 to index
        %swap3A_441 = arith.constant 16 : index
        %swap3A_442 = tpu.vector_load %arg5[%swap3A_440, %swap3A_441] {strides = array<i32>} : memref<2052x32xf32, #tpu.memory_space<vmem>>, vector<16xf32>,
        tpu.vector_store %arg5[%swap3A_440, %swap3A_441], %add3A_436 {strides = array<i32>} : memref<2052x32xf32, #tpu.memory_space<vmem>>, vector<16xf32>,
        scf.yield %add3A_432, %add3A_436 : vector<16xf32>, vector<16xf32>
      }
      %scan3A_27 = arith.constant 2048 : i32
      %mul3A_28 = arith.constant 8.600000e-01 : f32
      %mul3A_29 = vector.broadcast %mul3A_28 : f32 to vector<16xf32>
      %mul3A_30 = arith.mulf %mul3A_29, %scan3A_26#0 : vector<16xf32>
      %mul3A_31 = arith.constant 8.600000e-01 : f32
      %mul3A_32 = vector.broadcast %mul3A_31 : f32 to vector<16xf32>
      %mul3A_33 = arith.mulf %mul3A_32, %scan3A_26#1 : vector<16xf32>
      %broadcast_in_dim3A_34 = arith.constant 0.000000e+00 : f32
      %broadcast_in_dim3A_35 = vector.broadcast %broadcast_in_dim3A_34 : f32 to vector<16xf32>
      %broadcast_in_dim3A_36 = arith.constant 0 : i32
      %broadcast_in_dim3A_37 = vector.broadcast %broadcast_in_dim3A_36 : i32 to vector<16xi32>
      %broadcast_in_dim3A_38 = arith.constant 2047 : i32
      %broadcast_in_dim3A_39 = vector.broadcast %broadcast_in_dim3A_38 : i32 to vector<16xi32>
      %scan3A_40 = arith.constant 0 : i32
      %scan3A_41 = arith.constant 11 : i32
      %scan3A_42 = arith.addi %scan3A_40, %scan3A_41 : i32
      %scan3A_43 = arith.constant 1 : i32
      %scan3A_44:2 = scf.for %scan3A_372 = %scan3A_40 to %scan3A_42 step %scan3A_43 iter_args(%scan3A_373 = %broadcast_in_dim3A_37, %scan3A_374 = %broadcast_in_dim3A_39) -> (vector<16xi32>, vector<16xi32>)  : i32 {
        %add3A_375 = arith.addi %scan3A_373, %scan3A_374 : vector<16xi32>
        %add3A_376 = arith.constant 1 : i32
        %add3A_377 = vector.broadcast %add3A_376 : i32 to vector<16xi32>
        %add3A_378 = arith.addi %add3A_375, %add3A_377 : vector<16xi32>
        %shift_right_logical3A_379 = arith.constant 1 : i32
        %shift_right_logical3A_380 = vector.broadcast %shift_right_logical3A_379 : i32 to vector<16xi32>
        %shift_right_logical3A_381 = arith.shrui %add3A_378, %shift_right_logical3A_380 : vector<16xi32>
        %gather3A_382 = tpu.vector_load_idx %arg5[%shift_right_logical3A_381, %iota3A] : memref<2052x32xf32, #tpu.memory_space<vmem>>[vector<16xi32>, vector<16xi32>], vector<16xf32>,
        %add3A_383 = arith.addf %broadcast_in_dim3A_35, %gather3A_382 : vector<16xf32>
        %ge3A = arith.cmpf oge, %add3A_383, %mul3A_30 : vector<16xf32>
        %select_n3A = arith.select %ge3A, %shift_right_logical3A_381, %scan3A_373 : vector<16xi1>, vector<16xi32>
        %sub3A_384 = arith.constant 1 : i32
        %sub3A_385 = vector.broadcast %sub3A_384 : i32 to vector<16xi32>
        %sub3A_386 = arith.subi %shift_right_logical3A_381, %sub3A_385 : vector<16xi32>
        %select_n3A_387 = arith.select %ge3A, %scan3A_374, %sub3A_386 : vector<16xi1>, vector<16xi32>
        scf.yield %select_n3A, %select_n3A_387 : vector<16xi32>, vector<16xi32>
      }
      %scan3A_45 = arith.constant 11 : i32
      %add3A_46 = arith.constant 1 : i32
      %add3A_47 = vector.broadcast %add3A_46 : i32 to vector<16xi32>
      %add3A_48 = arith.addi %scan3A_44#0, %add3A_47 : vector<16xi32>
      %gather3A = tpu.vector_load_idx %arg5[%add3A_48, %iota3A] : memref<2052x32xf32, #tpu.memory_space<vmem>>[vector<16xi32>, vector<16xi32>], vector<16xf32>,
      %add3A_49 = arith.addf %broadcast_in_dim3A_35, %gather3A : vector<16xf32>
      %add3A_50 = arith.constant 16 : i32
      %add3A_51 = vector.broadcast %add3A_50 : i32 to vector<16xi32>
      %add3A_52 = arith.addi %iota3A, %add3A_51 : vector<16xi32>
      %broadcast_in_dim3A_53 = arith.constant 0 : i32
      %broadcast_in_dim3A_54 = vector.broadcast %broadcast_in_dim3A_53 : i32 to vector<16xi32>
      %broadcast_in_dim3A_55 = arith.constant 2047 : i32
      %broadcast_in_dim3A_56 = vector.broadcast %broadcast_in_dim3A_55 : i32 to vector<16xi32>
      %scan3A_57 = arith.constant 0 : i32
      %scan3A_58 = arith.constant 11 : i32
      %scan3A_59 = arith.addi %scan3A_57, %scan3A_58 : i32
      %scan3A_60 = arith.constant 1 : i32
      %scan3A_61:2 = scf.for %scan3A_372 = %scan3A_57 to %scan3A_59 step %scan3A_60 iter_args(%scan3A_373 = %broadcast_in_dim3A_54, %scan3A_374 = %broadcast_in_dim3A_56) -> (vector<16xi32>, vector<16xi32>)  : i32 {
        %add3A_375 = arith.addi %scan3A_373, %scan3A_374 : vector<16xi32>
        %add3A_376 = arith.constant 1 : i32
        %add3A_377 = vector.broadcast %add3A_376 : i32 to vector<16xi32>
        %add3A_378 = arith.addi %add3A_375, %add3A_377 : vector<16xi32>
        %shift_right_logical3A_379 = arith.constant 1 : i32
        %shift_right_logical3A_380 = vector.broadcast %shift_right_logical3A_379 : i32 to vector<16xi32>
        %shift_right_logical3A_381 = arith.shrui %add3A_378, %shift_right_logical3A_380 : vector<16xi32>
        %gather3A_382 = tpu.vector_load_idx %arg5[%shift_right_logical3A_381, %add3A_52] : memref<2052x32xf32, #tpu.memory_space<vmem>>[vector<16xi32>, vector<16xi32>], vector<16xf32>,
        %add3A_383 = arith.addf %broadcast_in_dim3A_35, %gather3A_382 : vector<16xf32>
        %ge3A = arith.cmpf oge, %add3A_383, %mul3A_33 : vector<16xf32>
        %select_n3A = arith.select %ge3A, %shift_right_logical3A_381, %scan3A_373 : vector<16xi1>, vector<16xi32>
        %sub3A_384 = arith.constant 1 : i32
        %sub3A_385 = vector.broadcast %sub3A_384 : i32 to vector<16xi32>
        %sub3A_386 = arith.subi %shift_right_logical3A_381, %sub3A_385 : vector<16xi32>
        %select_n3A_387 = arith.select %ge3A, %scan3A_374, %sub3A_386 : vector<16xi1>, vector<16xi32>
        scf.yield %select_n3A, %select_n3A_387 : vector<16xi32>, vector<16xi32>
      }
      %scan3A_62 = arith.constant 11 : i32
      %add3A_63 = arith.constant 1 : i32
      %add3A_64 = vector.broadcast %add3A_63 : i32 to vector<16xi32>
      %add3A_65 = arith.addi %scan3A_61#0, %add3A_64 : vector<16xi32>
      %gather3A_66 = tpu.vector_load_idx %arg5[%add3A_65, %add3A_52] : memref<2052x32xf32, #tpu.memory_space<vmem>>[vector<16xi32>, vector<16xi32>], vector<16xf32>,
      %add3A_67 = arith.addf %broadcast_in_dim3A_35, %gather3A_66 : vector<16xf32>
      %broadcast_in_dim3A_68 = arith.constant 0 : i32
      %broadcast_in_dim3A_69 = vector.broadcast %broadcast_in_dim3A_68 : i32 to vector<16xi32>
      %scan3A_70 = arith.constant 0 : i32
      %scan3A_71 = arith.constant 16 : i32
      %scan3A_72 = arith.addi %scan3A_70, %scan3A_71 : i32
      %scan3A_73 = arith.constant 1 : i32
      %scan3A_74:2 = scf.for %scan3A_372 = %scan3A_70 to %scan3A_72 step %scan3A_73 iter_args(%scan3A_373 = %broadcast_in_dim3A_69, %scan3A_374 = %broadcast_in_dim3A_69) -> (vector<16xi32>, vector<16xi32>)  : i32 {
        %mul3A_375 = arith.constant 512 : i32
        %mul3A_376 = arith.muli %scan3A_372, %mul3A_375 : i32
        "tpu.region"() ({
          %run_scoped3A = tpu.sem_alloc : memref<!tpu.dma_semaphore, #tpu.memory_space<semaphore_mem>>
          %dma_start3A = arith.constant 0 : i32
          %dma_start3A_381 = tpu.memref_slice %arg2[%add3A_11, %mul3A_376, %dma_start3A] : memref<64x8192x32xf32, #tpu.memory_space<hbm>> -> memref<1x512x32xf32, #tpu.memory_space<hbm>>
          %dma_start3A_382 = tpu.memref_squeeze %dma_start3A_381 : memref<1x512x32xf32, #tpu.memory_space<hbm>> -> memref<512x32xf32, #tpu.memory_space<hbm>>
          %dma_start3A_383 = arith.constant 0 : i32
          %dma_start3A_384 = tpu.memref_slice %arg2[%add3A_11, %mul3A_376, %dma_start3A_383] : memref<64x8192x32xf32, #tpu.memory_space<hbm>> -> memref<1x512x32xf32, #tpu.memory_space<hbm>>
          %dma_start3A_385 = tpu.memref_squeeze %dma_start3A_384 : memref<1x512x32xf32, #tpu.memory_space<hbm>> -> memref<512x32xf32, #tpu.memory_space<hbm>>
          tpu.enqueue_dma source(%dma_start3A_385 : memref<512x32xf32, #tpu.memory_space<hbm>>) target(%arg4 : memref<512x32xf32, #tpu.memory_space<vmem>>) target_semaphore(%run_scoped3A : memref<!tpu.dma_semaphore, #tpu.memory_space<semaphore_mem>>)
          %dma_wait3A = arith.constant 0 : i32
          %dma_wait3A_386 = tpu.memref_slice %arg2[%add3A_11, %mul3A_376, %dma_wait3A] : memref<64x8192x32xf32, #tpu.memory_space<hbm>> -> memref<1x512x32xf32, #tpu.memory_space<hbm>>
          %dma_wait3A_387 = tpu.memref_squeeze %dma_wait3A_386 : memref<1x512x32xf32, #tpu.memory_space<hbm>> -> memref<512x32xf32, #tpu.memory_space<hbm>>
          %dma_wait3A_388 = arith.constant 0 : i32
          %dma_wait3A_389 = tpu.memref_slice %arg2[%add3A_11, %mul3A_376, %dma_wait3A_388] : memref<64x8192x32xf32, #tpu.memory_space<hbm>> -> memref<1x512x32xf32, #tpu.memory_space<hbm>>
          %dma_wait3A_390 = tpu.memref_squeeze %dma_wait3A_389 : memref<1x512x32xf32, #tpu.memory_space<hbm>> -> memref<512x32xf32, #tpu.memory_space<hbm>>
          tpu.wait_dma2 semaphore(%run_scoped3A : memref<!tpu.dma_semaphore, #tpu.memory_space<semaphore_mem>>) src(%dma_wait3A_390 : memref<512x32xf32, #tpu.memory_space<hbm>>) dst(%arg4 : memref<512x32xf32, #tpu.memory_space<vmem>>)
          tpu.yield
        }) : () -> ()
        %parallel_loop3A_377 = arith.constant 0 : i32
        %parallel_loop3A_378 = arith.constant 512 : i32
        %parallel_loop3A_379 = arith.constant 1 : i32
        %parallel_loop3A_380:2 = scf.for %parallel_loop3A_381 = %parallel_loop3A_377 to %parallel_loop3A_378 step %parallel_loop3A_379 iter_args(%parallel_loop3A_382 = %scan3A_373, %parallel_loop3A_383 = %scan3A_374) -> (vector<16xi32>, vector<16xi32>)  : i32 {
          %parallel_loop3A_384 = arith.index_cast %parallel_loop3A_381 : i32 to index
          %parallel_loop3A_385 = arith.constant 0 : index
          %parallel_loop3A_386 = tpu.vector_load %arg4[%parallel_loop3A_384, %parallel_loop3A_385] {strides = array<i32>} : memref<512x32xf32, #tpu.memory_space<vmem>>, vector<16xf32>,
          %parallel_loop3A_387 = math.exp %parallel_loop3A_386 : vector<16xf32>
          %parallel_loop3A_388 = arith.index_cast %parallel_loop3A_381 : i32 to index
          %parallel_loop3A_389 = arith.constant 16 : index
          %parallel_loop3A_390 = tpu.vector_load %arg4[%parallel_loop3A_388, %parallel_loop3A_389] {strides = array<i32>} : memref<512x32xf32, #tpu.memory_space<vmem>>, vector<16xf32>,
          %parallel_loop3A_391 = math.exp %parallel_loop3A_390 : vector<16xf32>
          %parallel_loop3A_392 = vector.bitcast %parallel_loop3A_387 : vector<16xf32> to vector<16xi32>
          %parallel_loop3A_393 = vector.bitcast %parallel_loop3A_391 : vector<16xf32> to vector<16xi32>
          %parallel_loop3A_394 = arith.constant 20 : i32
          %parallel_loop3A_395 = vector.broadcast %parallel_loop3A_394 : i32 to vector<16xi32>
          %parallel_loop3A_396 = arith.shrui %parallel_loop3A_392, %parallel_loop3A_395 : vector<16xi32>
          %parallel_loop3A_397 = arith.cmpi eq, %parallel_loop3A_396, %scan3A_44#0 : vector<16xi32>
          %parallel_loop3A_398 = arith.constant 520 : i32
          %parallel_loop3A_399 = vector.broadcast %parallel_loop3A_398 : i32 to vector<16xi32>
          %parallel_loop3A_400 = arith.cmpi slt, %parallel_loop3A_382, %parallel_loop3A_399 : vector<16xi32>
          %parallel_loop3A_401 = arith.andi %parallel_loop3A_397, %parallel_loop3A_400 : vector<16xi1>
          %parallel_loop3A_402 = arith.constant 20 : i32
          %parallel_loop3A_403 = vector.broadcast %parallel_loop3A_402 : i32 to vector<16xi32>
          %parallel_loop3A_404 = arith.shrui %parallel_loop3A_393, %parallel_loop3A_403 : vector<16xi32>
          %parallel_loop3A_405 = arith.cmpi eq, %parallel_loop3A_404, %scan3A_61#0 : vector<16xi32>
          %parallel_loop3A_406 = arith.constant 520 : i32
          %parallel_loop3A_407 = vector.broadcast %parallel_loop3A_406 : i32 to vector<16xi32>
          %parallel_loop3A_408 = arith.cmpi slt, %parallel_loop3A_383, %parallel_loop3A_407 : vector<16xi32>
          %parallel_loop3A_409 = arith.andi %parallel_loop3A_405, %parallel_loop3A_408 : vector<16xi1>
          tpu.vector_store_idx %arg6[%parallel_loop3A_382, %iota3A], %parallel_loop3A_387 masked %parallel_loop3A_401 : memref<520x32xf32, #tpu.memory_space<vmem>>[vector<16xi32>, vector<16xi32>], vector<16xf32>, vector<16xi1>
          tpu.vector_store_idx %arg7[%parallel_loop3A_382, %iota3A], %parallel_loop3A_392 masked %parallel_loop3A_401 : memref<520x32xi32, #tpu.memory_space<vmem>>[vector<16xi32>, vector<16xi32>], vector<16xi32>, vector<16xi1>
          %parallel_loop3A_410 = arith.constant 16 : i32
          %parallel_loop3A_411 = vector.broadcast %parallel_loop3A_410 : i32 to vector<16xi32>
          %parallel_loop3A_412 = arith.addi %iota3A, %parallel_loop3A_411 : vector<16xi32>
          tpu.vector_store_idx %arg6[%parallel_loop3A_383, %parallel_loop3A_412], %parallel_loop3A_391 masked %parallel_loop3A_409 : memref<520x32xf32, #tpu.memory_space<vmem>>[vector<16xi32>, vector<16xi32>], vector<16xf32>, vector<16xi1>
          %parallel_loop3A_413 = arith.constant 16 : i32
          %parallel_loop3A_414 = vector.broadcast %parallel_loop3A_413 : i32 to vector<16xi32>
          %parallel_loop3A_415 = arith.addi %iota3A, %parallel_loop3A_414 : vector<16xi32>
          tpu.vector_store_idx %arg7[%parallel_loop3A_383, %parallel_loop3A_415], %parallel_loop3A_393 masked %parallel_loop3A_409 : memref<520x32xi32, #tpu.memory_space<vmem>>[vector<16xi32>, vector<16xi32>], vector<16xi32>, vector<16xi1>
          %parallel_loop3A_416 = arith.constant 1 : i32
          %parallel_loop3A_417 = arith.constant 0 : i32
          %parallel_loop3A_418 = vector.broadcast %parallel_loop3A_416 : i32 to vector<16xi32>
          %parallel_loop3A_419 = vector.broadcast %parallel_loop3A_417 : i32 to vector<16xi32>
          %parallel_loop3A_420 = arith.select %parallel_loop3A_401, %parallel_loop3A_418, %parallel_loop3A_419 : vector<16xi1>, vector<16xi32>
          %parallel_loop3A_421 = arith.addi %parallel_loop3A_382, %parallel_loop3A_420 : vector<16xi32>
          %parallel_loop3A_422 = arith.constant 1 : i32
          %parallel_loop3A_423 = arith.constant 0 : i32
          %parallel_loop3A_424 = vector.broadcast %parallel_loop3A_422 : i32 to vector<16xi32>
          %parallel_loop3A_425 = vector.broadcast %parallel_loop3A_423 : i32 to vector<16xi32>
          %parallel_loop3A_426 = arith.select %parallel_loop3A_409, %parallel_loop3A_424, %parallel_loop3A_425 : vector<16xi1>, vector<16xi32>
          %parallel_loop3A_427 = arith.addi %parallel_loop3A_383, %parallel_loop3A_426 : vector<16xi32>
          scf.yield %parallel_loop3A_421, %parallel_loop3A_427 : vector<16xi32>, vector<16xi32>
        } {sc.loop_unroll_factor = 8 : i64, sc.parallel_access}
        scf.yield %parallel_loop3A_380#0, %parallel_loop3A_380#1 : vector<16xi32>, vector<16xi32>
      }
      %scan3A_75 = arith.constant 16 : i32
      %add3A_76 = arith.constant 0 : i32
      %add3A_77 = vector.broadcast %add3A_76 : i32 to vector<16xi32>
      %add3A_78 = arith.addi %iota3A, %add3A_77 : vector<16xi32>
      %reduce_max3A = arith.constant true
      %reduce_max3A_79 = vector.broadcast %reduce_max3A : i1 to vector<16xi1>
      %reduce_max3A_80 = arith.constant -2147483648 : i32
      %reduce_max3A_81 = vector.broadcast %reduce_max3A_80 : i32 to vector<16xi32>
      %reduce_max3A_82 = arith.xori %scan3A_74#0, %reduce_max3A_81 : vector<16xi32>
      %reduce_max3A_83 = tpu.scan <max>, %reduce_max3A_82 masked %reduce_max3A_79 : vector<16xi32>, vector<16xi1> -> vector<16xi32>
      %reduce_max3A_84 = arith.xori %reduce_max3A_83, %reduce_max3A_81 : vector<16xi32>
      %reduce_max3A_85 = vector.extract %reduce_max3A_84[15] : i32 from vector<16xi32>
      %parallel_loop3A_86 = arith.constant 0 : i32
      %parallel_loop3A_87 = arith.constant 1028 : i32
      %parallel_loop3A_88 = arith.constant 1 : i32
      scf.for %parallel_loop3A_372 = %parallel_loop3A_86 to %parallel_loop3A_87 step %parallel_loop3A_88  : i32 {
        %parallel_loop3A_373 = arith.constant 0.000000e+00 : f32
        %parallel_loop3A_374 = vector.broadcast %parallel_loop3A_373 : f32 to vector<16xf32>
        %parallel_loop3A_375 = arith.index_cast %parallel_loop3A_372 : i32 to index
        %parallel_loop3A_376 = arith.constant 0 : index
        %parallel_loop3A_377 = tpu.vector_load %arg5[%parallel_loop3A_375, %parallel_loop3A_376] {strides = array<i32>} : memref<2052x32xf32, #tpu.memory_space<vmem>>, vector<16xf32>,
        tpu.vector_store %arg5[%parallel_loop3A_375, %parallel_loop3A_376], %parallel_loop3A_374 {strides = array<i32>} : memref<2052x32xf32, #tpu.memory_space<vmem>>, vector<16xf32>,
      } {sc.loop_unroll_factor = 8 : i64, sc.parallel_access}
      %while3A = arith.constant 0 : i32
      %while3A_89 = arith.constant 0 : i32
      %while3A_90 = arith.subi %reduce_max3A_85, %while3A : i32
      %while3A_91 = arith.addi %while3A, %while3A_90 : i32
      %while3A_92 = arith.constant 1 : i32
      %while3A_93 = arith.divsi %while3A_90, %while3A_92 : i32
      %while3A_94 = arith.muli %while3A_93, %while3A_92 : i32
      %while3A_95 = arith.addi %while3A, %while3A_94 : i32
      %while3A_96 = arith.constant 1 : i32
      %while3A_97 = scf.for %while3A_372 = %while3A to %while3A_95 step %while3A_96 iter_args(%while3A_373 = %while3A_89) -> (i32)  : i32 {
        %mul3A_374 = arith.constant 0 : i32
        %mul3A_375 = vector.broadcast %mul3A_374 : i32 to vector<16xi32>
        %mul3A_376 = arith.muli %iota3A, %mul3A_375 : vector<16xi32>
        %add3A_377 = vector.broadcast %while3A_372 : i32 to vector<16xi32>
        %add3A_378 = arith.addi %mul3A_376, %add3A_377 : vector<16xi32>
        %lt3A = arith.cmpi slt, %add3A_378, %scan3A_74#0 : vector<16xi32>
        %get3A = arith.index_cast %while3A_372 : i32 to index
        %get3A_379 = arith.constant 0 : index
        %get3A_380 = tpu.vector_load %arg7[%get3A, %get3A_379] {strides = array<i32>} : memref<520x32xi32, #tpu.memory_space<vmem>>, vector<16xi32>,
        %shift_right_logical3A_381 = arith.constant 10 : i32
        %shift_right_logical3A_382 = vector.broadcast %shift_right_logical3A_381 : i32 to vector<16xi32>
        %shift_right_logical3A_383 = arith.shrui %get3A_380, %shift_right_logical3A_382 : vector<16xi32>
        %and3A_384 = arith.constant 1023 : i32
        %and3A_385 = vector.broadcast %and3A_384 : i32 to vector<16xi32>
        %and3A_386 = arith.andi %shift_right_logical3A_383, %and3A_385 : vector<16xi32>
        %get3A_387 = arith.index_cast %while3A_372 : i32 to index
        %get3A_388 = arith.constant 0 : index
        %get3A_389 = tpu.vector_load %arg6[%get3A_387, %get3A_388] {strides = array<i32>} : memref<520x32xf32, #tpu.memory_space<vmem>>, vector<16xf32>,
        tpu.vector_store_idx %arg5[%and3A_386, %add3A_78], %get3A_389 masked %lt3A {add = true} : memref<2052x32xf32, #tpu.memory_space<vmem>>[vector<16xi32>, vector<16xi32>], vector<16xf32>, vector<16xi1>
        %while3A_390 = arith.constant 0 : i32
        scf.yield %while3A_390 : i32
      }
      %while3A_98 = arith.constant 1 : i32
      %while3A_99 = scf.for %while3A_372 = %while3A_95 to %while3A_91 step %while3A_98 iter_args(%while3A_373 = %while3A_97) -> (i32)  : i32 {
        %mul3A_374 = arith.constant 0 : i32
        %mul3A_375 = vector.broadcast %mul3A_374 : i32 to vector<16xi32>
        %mul3A_376 = arith.muli %iota3A, %mul3A_375 : vector<16xi32>
        %add3A_377 = vector.broadcast %while3A_372 : i32 to vector<16xi32>
        %add3A_378 = arith.addi %mul3A_376, %add3A_377 : vector<16xi32>
        %lt3A = arith.cmpi slt, %add3A_378, %scan3A_74#0 : vector<16xi32>
        %get3A = arith.index_cast %while3A_372 : i32 to index
        %get3A_379 = arith.constant 0 : index
        %get3A_380 = tpu.vector_load %arg7[%get3A, %get3A_379] {strides = array<i32>} : memref<520x32xi32, #tpu.memory_space<vmem>>, vector<16xi32>,
        %shift_right_logical3A_381 = arith.constant 10 : i32
        %shift_right_logical3A_382 = vector.broadcast %shift_right_logical3A_381 : i32 to vector<16xi32>
        %shift_right_logical3A_383 = arith.shrui %get3A_380, %shift_right_logical3A_382 : vector<16xi32>
        %and3A_384 = arith.constant 1023 : i32
        %and3A_385 = vector.broadcast %and3A_384 : i32 to vector<16xi32>
        %and3A_386 = arith.andi %shift_right_logical3A_383, %and3A_385 : vector<16xi32>
        %get3A_387 = arith.index_cast %while3A_372 : i32 to index
        %get3A_388 = arith.constant 0 : index
        %get3A_389 = tpu.vector_load %arg6[%get3A_387, %get3A_388] {strides = array<i32>} : memref<520x32xf32, #tpu.memory_space<vmem>>, vector<16xf32>,
        tpu.vector_store_idx %arg5[%and3A_386, %add3A_78], %get3A_389 masked %lt3A {add = true} : memref<2052x32xf32, #tpu.memory_space<vmem>>[vector<16xi32>, vector<16xi32>], vector<16xf32>, vector<16xi1>
        %while3A_390 = arith.constant 0 : i32
        scf.yield %while3A_390 : i32
      }
      %broadcast_in_dim3A_100 = arith.constant 0.000000e+00 : f32
      %broadcast_in_dim3A_101 = vector.broadcast %broadcast_in_dim3A_100 : f32 to vector<16xf32>
      %scan3A_102 = arith.constant 0 : i32
      %scan3A_103 = arith.constant 1024 : i32
      %scan3A_104 = arith.addi %scan3A_102, %scan3A_103 : i32
      %scan3A_105 = arith.constant 4 : i32
      %scan3A_106 = scf.for %scan3A_372 = %scan3A_102 to %scan3A_104 step %scan3A_105 iter_args(%scan3A_373 = %broadcast_in_dim3A_101) -> (vector<16xf32>)  : i32 {
        %sub3A_374 = arith.constant 1023 : i32
        %sub3A_375 = arith.subi %sub3A_374, %scan3A_372 : i32
        %get3A = arith.index_cast %sub3A_375 : i32 to index
        %get3A_376 = arith.constant 0 : index
        %get3A_377 = tpu.vector_load %arg5[%get3A, %get3A_376] {strides = array<i32>} : memref<2052x32xf32, #tpu.memory_space<vmem>>, vector<16xf32>,
        %add3A_378 = arith.addf %scan3A_373, %get3A_377 : vector<16xf32>
        %swap3A = arith.index_cast %sub3A_375 : i32 to index
        %swap3A_379 = arith.constant 0 : index
        %swap3A_380 = tpu.vector_load %arg5[%swap3A, %swap3A_379] {strides = array<i32>} : memref<2052x32xf32, #tpu.memory_space<vmem>>, vector<16xf32>,
        tpu.vector_store %arg5[%swap3A, %swap3A_379], %add3A_378 {strides = array<i32>} : memref<2052x32xf32, #tpu.memory_space<vmem>>, vector<16xf32>,
        %scan3A_381 = arith.constant 1 : i32
        %scan3A_382 = arith.addi %scan3A_372, %scan3A_381 : i32
        %sub3A_383 = arith.constant 1023 : i32
        %sub3A_384 = arith.subi %sub3A_383, %scan3A_382 : i32
        %get3A_385 = arith.index_cast %sub3A_384 : i32 to index
        %get3A_386 = arith.constant 0 : index
        %get3A_387 = tpu.vector_load %arg5[%get3A_385, %get3A_386] {strides = array<i32>} : memref<2052x32xf32, #tpu.memory_space<vmem>>, vector<16xf32>,
        %add3A_388 = arith.addf %add3A_378, %get3A_387 : vector<16xf32>
        %swap3A_389 = arith.index_cast %sub3A_384 : i32 to index
        %swap3A_390 = arith.constant 0 : index
        %swap3A_391 = tpu.vector_load %arg5[%swap3A_389, %swap3A_390] {strides = array<i32>} : memref<2052x32xf32, #tpu.memory_space<vmem>>, vector<16xf32>,
        tpu.vector_store %arg5[%swap3A_389, %swap3A_390], %add3A_388 {strides = array<i32>} : memref<2052x32xf32, #tpu.memory_space<vmem>>, vector<16xf32>,
        %scan3A_392 = arith.constant 2 : i32
        %scan3A_393 = arith.addi %scan3A_372, %scan3A_392 : i32
        %sub3A_394 = arith.constant 1023 : i32
        %sub3A_395 = arith.subi %sub3A_394, %scan3A_393 : i32
        %get3A_396 = arith.index_cast %sub3A_395 : i32 to index
        %get3A_397 = arith.constant 0 : index
        %get3A_398 = tpu.vector_load %arg5[%get3A_396, %get3A_397] {strides = array<i32>} : memref<2052x32xf32, #tpu.memory_space<vmem>>, vector<16xf32>,
        %add3A_399 = arith.addf %add3A_388, %get3A_398 : vector<16xf32>
        %swap3A_400 = arith.index_cast %sub3A_395 : i32 to index
        %swap3A_401 = arith.constant 0 : index
        %swap3A_402 = tpu.vector_load %arg5[%swap3A_400, %swap3A_401] {strides = array<i32>} : memref<2052x32xf32, #tpu.memory_space<vmem>>, vector<16xf32>,
        tpu.vector_store %arg5[%swap3A_400, %swap3A_401], %add3A_399 {strides = array<i32>} : memref<2052x32xf32, #tpu.memory_space<vmem>>, vector<16xf32>,
        %scan3A_403 = arith.constant 3 : i32
        %scan3A_404 = arith.addi %scan3A_372, %scan3A_403 : i32
        %sub3A_405 = arith.constant 1023 : i32
        %sub3A_406 = arith.subi %sub3A_405, %scan3A_404 : i32
        %get3A_407 = arith.index_cast %sub3A_406 : i32 to index
        %get3A_408 = arith.constant 0 : index
        %get3A_409 = tpu.vector_load %arg5[%get3A_407, %get3A_408] {strides = array<i32>} : memref<2052x32xf32, #tpu.memory_space<vmem>>, vector<16xf32>,
        %add3A_410 = arith.addf %add3A_399, %get3A_409 : vector<16xf32>
        %swap3A_411 = arith.index_cast %sub3A_406 : i32 to index
        %swap3A_412 = arith.constant 0 : index
        %swap3A_413 = tpu.vector_load %arg5[%swap3A_411, %swap3A_412] {strides = array<i32>} : memref<2052x32xf32, #tpu.memory_space<vmem>>, vector<16xf32>,
        tpu.vector_store %arg5[%swap3A_411, %swap3A_412], %add3A_410 {strides = array<i32>} : memref<2052x32xf32, #tpu.memory_space<vmem>>, vector<16xf32>,
        scf.yield %add3A_410 : vector<16xf32>
      }
      %scan3A_107 = arith.constant 1024 : i32
      %broadcast_in_dim3A_108 = arith.constant 0 : i32
      %broadcast_in_dim3A_109 = vector.broadcast %broadcast_in_dim3A_108 : i32 to vector<16xi32>
      %broadcast_in_dim3A_110 = arith.constant 1023 : i32
      %broadcast_in_dim3A_111 = vector.broadcast %broadcast_in_dim3A_110 : i32 to vector<16xi32>
      %scan3A_112 = arith.constant 0 : i32
      %scan3A_113 = arith.constant 10 : i32
      %scan3A_114 = arith.addi %scan3A_112, %scan3A_113 : i32
      %scan3A_115 = arith.constant 1 : i32
      %scan3A_116:2 = scf.for %scan3A_372 = %scan3A_112 to %scan3A_114 step %scan3A_115 iter_args(%scan3A_373 = %broadcast_in_dim3A_109, %scan3A_374 = %broadcast_in_dim3A_111) -> (vector<16xi32>, vector<16xi32>)  : i32 {
        %add3A_375 = arith.addi %scan3A_373, %scan3A_374 : vector<16xi32>
        %add3A_376 = arith.constant 1 : i32
        %add3A_377 = vector.broadcast %add3A_376 : i32 to vector<16xi32>
        %add3A_378 = arith.addi %add3A_375, %add3A_377 : vector<16xi32>
        %shift_right_logical3A_379 = arith.constant 1 : i32
        %shift_right_logical3A_380 = vector.broadcast %shift_right_logical3A_379 : i32 to vector<16xi32>
        %shift_right_logical3A_381 = arith.shrui %add3A_378, %shift_right_logical3A_380 : vector<16xi32>
        %gather3A_382 = tpu.vector_load_idx %arg5[%shift_right_logical3A_381, %add3A_78] : memref<2052x32xf32, #tpu.memory_space<vmem>>[vector<16xi32>, vector<16xi32>], vector<16xf32>,
        %add3A_383 = arith.addf %add3A_49, %gather3A_382 : vector<16xf32>
        %ge3A = arith.cmpf oge, %add3A_383, %mul3A_30 : vector<16xf32>
        %select_n3A = arith.select %ge3A, %shift_right_logical3A_381, %scan3A_373 : vector<16xi1>, vector<16xi32>
        %sub3A_384 = arith.constant 1 : i32
        %sub3A_385 = vector.broadcast %sub3A_384 : i32 to vector<16xi32>
        %sub3A_386 = arith.subi %shift_right_logical3A_381, %sub3A_385 : vector<16xi32>
        %select_n3A_387 = arith.select %ge3A, %scan3A_374, %sub3A_386 : vector<16xi1>, vector<16xi32>
        scf.yield %select_n3A, %select_n3A_387 : vector<16xi32>, vector<16xi32>
      }
      %scan3A_117 = arith.constant 10 : i32
      %add3A_118 = arith.constant 1 : i32
      %add3A_119 = vector.broadcast %add3A_118 : i32 to vector<16xi32>
      %add3A_120 = arith.addi %scan3A_116#0, %add3A_119 : vector<16xi32>
      %gather3A_121 = tpu.vector_load_idx %arg5[%add3A_120, %add3A_78] : memref<2052x32xf32, #tpu.memory_space<vmem>>[vector<16xi32>, vector<16xi32>], vector<16xf32>,
      %add3A_122 = arith.addf %add3A_49, %gather3A_121 : vector<16xf32>
      %parallel_loop3A_123 = arith.constant 0 : i32
      %parallel_loop3A_124 = arith.constant 1028 : i32
      %parallel_loop3A_125 = arith.constant 1 : i32
      scf.for %parallel_loop3A_372 = %parallel_loop3A_123 to %parallel_loop3A_124 step %parallel_loop3A_125  : i32 {
        %parallel_loop3A_373 = arith.constant 0.000000e+00 : f32
        %parallel_loop3A_374 = vector.broadcast %parallel_loop3A_373 : f32 to vector<16xf32>
        %parallel_loop3A_375 = arith.index_cast %parallel_loop3A_372 : i32 to index
        %parallel_loop3A_376 = arith.constant 0 : index
        %parallel_loop3A_377 = tpu.vector_load %arg5[%parallel_loop3A_375, %parallel_loop3A_376] {strides = array<i32>} : memref<2052x32xf32, #tpu.memory_space<vmem>>, vector<16xf32>,
        tpu.vector_store %arg5[%parallel_loop3A_375, %parallel_loop3A_376], %parallel_loop3A_374 {strides = array<i32>} : memref<2052x32xf32, #tpu.memory_space<vmem>>, vector<16xf32>,
      } {sc.loop_unroll_factor = 8 : i64, sc.parallel_access}
      %while3A_126 = arith.constant 0 : i32
      %while3A_127 = arith.constant 0 : i32
      %while3A_128 = arith.subi %reduce_max3A_85, %while3A_126 : i32
      %while3A_129 = arith.addi %while3A_126, %while3A_128 : i32
      %while3A_130 = arith.constant 1 : i32
      %while3A_131 = arith.divsi %while3A_128, %while3A_130 : i32
      %while3A_132 = arith.muli %while3A_131, %while3A_130 : i32
      %while3A_133 = arith.addi %while3A_126, %while3A_132 : i32
      %while3A_134 = arith.constant 1 : i32
      %while3A_135 = scf.for %while3A_372 = %while3A_126 to %while3A_133 step %while3A_134 iter_args(%while3A_373 = %while3A_127) -> (i32)  : i32 {
        %get3A = arith.index_cast %while3A_372 : i32 to index
        %get3A_374 = arith.constant 0 : index
        %get3A_375 = tpu.vector_load %arg7[%get3A, %get3A_374] {strides = array<i32>} : memref<520x32xi32, #tpu.memory_space<vmem>>, vector<16xi32>,
        %mul3A_376 = arith.constant 0 : i32
        %mul3A_377 = vector.broadcast %mul3A_376 : i32 to vector<16xi32>
        %mul3A_378 = arith.muli %iota3A, %mul3A_377 : vector<16xi32>
        %add3A_379 = vector.broadcast %while3A_372 : i32 to vector<16xi32>
        %add3A_380 = arith.addi %mul3A_378, %add3A_379 : vector<16xi32>
        %lt3A = arith.cmpi slt, %add3A_380, %scan3A_74#0 : vector<16xi32>
        %shift_right_logical3A_381 = arith.constant 10 : i32
        %shift_right_logical3A_382 = vector.broadcast %shift_right_logical3A_381 : i32 to vector<16xi32>
        %shift_right_logical3A_383 = arith.shrui %get3A_375, %shift_right_logical3A_382 : vector<16xi32>
        %and3A_384 = arith.constant 1023 : i32
        %and3A_385 = vector.broadcast %and3A_384 : i32 to vector<16xi32>
        %and3A_386 = arith.andi %shift_right_logical3A_383, %and3A_385 : vector<16xi32>
        %eq3A = arith.cmpi eq, %and3A_386, %scan3A_116#0 : vector<16xi32>
        %and3A_387 = arith.andi %lt3A, %eq3A : vector<16xi1>
        %and3A_388 = arith.constant 1023 : i32
        %and3A_389 = vector.broadcast %and3A_388 : i32 to vector<16xi32>
        %and3A_390 = arith.andi %get3A_375, %and3A_389 : vector<16xi32>
        %get3A_391 = arith.index_cast %while3A_372 : i32 to index
        %get3A_392 = arith.constant 0 : index
        %get3A_393 = tpu.vector_load %arg6[%get3A_391, %get3A_392] {strides = array<i32>} : memref<520x32xf32, #tpu.memory_space<vmem>>, vector<16xf32>,
        tpu.vector_store_idx %arg5[%and3A_390, %add3A_78], %get3A_393 masked %and3A_387 {add = true} : memref<2052x32xf32, #tpu.memory_space<vmem>>[vector<16xi32>, vector<16xi32>], vector<16xf32>, vector<16xi1>
        %while3A_394 = arith.constant 0 : i32
        scf.yield %while3A_394 : i32
      }
      %while3A_136 = arith.constant 1 : i32
      %while3A_137 = scf.for %while3A_372 = %while3A_133 to %while3A_129 step %while3A_136 iter_args(%while3A_373 = %while3A_135) -> (i32)  : i32 {
        %get3A = arith.index_cast %while3A_372 : i32 to index
        %get3A_374 = arith.constant 0 : index
        %get3A_375 = tpu.vector_load %arg7[%get3A, %get3A_374] {strides = array<i32>} : memref<520x32xi32, #tpu.memory_space<vmem>>, vector<16xi32>,
        %mul3A_376 = arith.constant 0 : i32
        %mul3A_377 = vector.broadcast %mul3A_376 : i32 to vector<16xi32>
        %mul3A_378 = arith.muli %iota3A, %mul3A_377 : vector<16xi32>
        %add3A_379 = vector.broadcast %while3A_372 : i32 to vector<16xi32>
        %add3A_380 = arith.addi %mul3A_378, %add3A_379 : vector<16xi32>
        %lt3A = arith.cmpi slt, %add3A_380, %scan3A_74#0 : vector<16xi32>
        %shift_right_logical3A_381 = arith.constant 10 : i32
        %shift_right_logical3A_382 = vector.broadcast %shift_right_logical3A_381 : i32 to vector<16xi32>
        %shift_right_logical3A_383 = arith.shrui %get3A_375, %shift_right_logical3A_382 : vector<16xi32>
        %and3A_384 = arith.constant 1023 : i32
        %and3A_385 = vector.broadcast %and3A_384 : i32 to vector<16xi32>
        %and3A_386 = arith.andi %shift_right_logical3A_383, %and3A_385 : vector<16xi32>
        %eq3A = arith.cmpi eq, %and3A_386, %scan3A_116#0 : vector<16xi32>
        %and3A_387 = arith.andi %lt3A, %eq3A : vector<16xi1>
        %and3A_388 = arith.constant 1023 : i32
        %and3A_389 = vector.broadcast %and3A_388 : i32 to vector<16xi32>
        %and3A_390 = arith.andi %get3A_375, %and3A_389 : vector<16xi32>
        %get3A_391 = arith.index_cast %while3A_372 : i32 to index
        %get3A_392 = arith.constant 0 : index
        %get3A_393 = tpu.vector_load %arg6[%get3A_391, %get3A_392] {strides = array<i32>} : memref<520x32xf32, #tpu.memory_space<vmem>>, vector<16xf32>,
        tpu.vector_store_idx %arg5[%and3A_390, %add3A_78], %get3A_393 masked %and3A_387 {add = true} : memref<2052x32xf32, #tpu.memory_space<vmem>>[vector<16xi32>, vector<16xi32>], vector<16xf32>, vector<16xi1>
        %while3A_394 = arith.constant 0 : i32
        scf.yield %while3A_394 : i32
      }
      %broadcast_in_dim3A_138 = arith.constant 0.000000e+00 : f32
      %broadcast_in_dim3A_139 = vector.broadcast %broadcast_in_dim3A_138 : f32 to vector<16xf32>
      %scan3A_140 = arith.constant 0 : i32
      %scan3A_141 = arith.constant 1024 : i32
      %scan3A_142 = arith.addi %scan3A_140, %scan3A_141 : i32
      %scan3A_143 = arith.constant 4 : i32
      %scan3A_144 = scf.for %scan3A_372 = %scan3A_140 to %scan3A_142 step %scan3A_143 iter_args(%scan3A_373 = %broadcast_in_dim3A_139) -> (vector<16xf32>)  : i32 {
        %sub3A_374 = arith.constant 1023 : i32
        %sub3A_375 = arith.subi %sub3A_374, %scan3A_372 : i32
        %get3A = arith.index_cast %sub3A_375 : i32 to index
        %get3A_376 = arith.constant 0 : index
        %get3A_377 = tpu.vector_load %arg5[%get3A, %get3A_376] {strides = array<i32>} : memref<2052x32xf32, #tpu.memory_space<vmem>>, vector<16xf32>,
        %add3A_378 = arith.addf %scan3A_373, %get3A_377 : vector<16xf32>
        %swap3A = arith.index_cast %sub3A_375 : i32 to index
        %swap3A_379 = arith.constant 0 : index
        %swap3A_380 = tpu.vector_load %arg5[%swap3A, %swap3A_379] {strides = array<i32>} : memref<2052x32xf32, #tpu.memory_space<vmem>>, vector<16xf32>,
        tpu.vector_store %arg5[%swap3A, %swap3A_379], %add3A_378 {strides = array<i32>} : memref<2052x32xf32, #tpu.memory_space<vmem>>, vector<16xf32>,
        %scan3A_381 = arith.constant 1 : i32
        %scan3A_382 = arith.addi %scan3A_372, %scan3A_381 : i32
        %sub3A_383 = arith.constant 1023 : i32
        %sub3A_384 = arith.subi %sub3A_383, %scan3A_382 : i32
        %get3A_385 = arith.index_cast %sub3A_384 : i32 to index
        %get3A_386 = arith.constant 0 : index
        %get3A_387 = tpu.vector_load %arg5[%get3A_385, %get3A_386] {strides = array<i32>} : memref<2052x32xf32, #tpu.memory_space<vmem>>, vector<16xf32>,
        %add3A_388 = arith.addf %add3A_378, %get3A_387 : vector<16xf32>
        %swap3A_389 = arith.index_cast %sub3A_384 : i32 to index
        %swap3A_390 = arith.constant 0 : index
        %swap3A_391 = tpu.vector_load %arg5[%swap3A_389, %swap3A_390] {strides = array<i32>} : memref<2052x32xf32, #tpu.memory_space<vmem>>, vector<16xf32>,
        tpu.vector_store %arg5[%swap3A_389, %swap3A_390], %add3A_388 {strides = array<i32>} : memref<2052x32xf32, #tpu.memory_space<vmem>>, vector<16xf32>,
        %scan3A_392 = arith.constant 2 : i32
        %scan3A_393 = arith.addi %scan3A_372, %scan3A_392 : i32
        %sub3A_394 = arith.constant 1023 : i32
        %sub3A_395 = arith.subi %sub3A_394, %scan3A_393 : i32
        %get3A_396 = arith.index_cast %sub3A_395 : i32 to index
        %get3A_397 = arith.constant 0 : index
        %get3A_398 = tpu.vector_load %arg5[%get3A_396, %get3A_397] {strides = array<i32>} : memref<2052x32xf32, #tpu.memory_space<vmem>>, vector<16xf32>,
        %add3A_399 = arith.addf %add3A_388, %get3A_398 : vector<16xf32>
        %swap3A_400 = arith.index_cast %sub3A_395 : i32 to index
        %swap3A_401 = arith.constant 0 : index
        %swap3A_402 = tpu.vector_load %arg5[%swap3A_400, %swap3A_401] {strides = array<i32>} : memref<2052x32xf32, #tpu.memory_space<vmem>>, vector<16xf32>,
        tpu.vector_store %arg5[%swap3A_400, %swap3A_401], %add3A_399 {strides = array<i32>} : memref<2052x32xf32, #tpu.memory_space<vmem>>, vector<16xf32>,
        %scan3A_403 = arith.constant 3 : i32
        %scan3A_404 = arith.addi %scan3A_372, %scan3A_403 : i32
        %sub3A_405 = arith.constant 1023 : i32
        %sub3A_406 = arith.subi %sub3A_405, %scan3A_404 : i32
        %get3A_407 = arith.index_cast %sub3A_406 : i32 to index
        %get3A_408 = arith.constant 0 : index
        %get3A_409 = tpu.vector_load %arg5[%get3A_407, %get3A_408] {strides = array<i32>} : memref<2052x32xf32, #tpu.memory_space<vmem>>, vector<16xf32>,
        %add3A_410 = arith.addf %add3A_399, %get3A_409 : vector<16xf32>
        %swap3A_411 = arith.index_cast %sub3A_406 : i32 to index
        %swap3A_412 = arith.constant 0 : index
        %swap3A_413 = tpu.vector_load %arg5[%swap3A_411, %swap3A_412] {strides = array<i32>} : memref<2052x32xf32, #tpu.memory_space<vmem>>, vector<16xf32>,
        tpu.vector_store %arg5[%swap3A_411, %swap3A_412], %add3A_410 {strides = array<i32>} : memref<2052x32xf32, #tpu.memory_space<vmem>>, vector<16xf32>,
        scf.yield %add3A_410 : vector<16xf32>
      }
      %scan3A_145 = arith.constant 1024 : i32
      %broadcast_in_dim3A_146 = arith.constant 0 : i32
      %broadcast_in_dim3A_147 = vector.broadcast %broadcast_in_dim3A_146 : i32 to vector<16xi32>
      %broadcast_in_dim3A_148 = arith.constant 1023 : i32
      %broadcast_in_dim3A_149 = vector.broadcast %broadcast_in_dim3A_148 : i32 to vector<16xi32>
      %scan3A_150 = arith.constant 0 : i32
      %scan3A_151 = arith.constant 10 : i32
      %scan3A_152 = arith.addi %scan3A_150, %scan3A_151 : i32
      %scan3A_153 = arith.constant 1 : i32
      %scan3A_154:2 = scf.for %scan3A_372 = %scan3A_150 to %scan3A_152 step %scan3A_153 iter_args(%scan3A_373 = %broadcast_in_dim3A_147, %scan3A_374 = %broadcast_in_dim3A_149) -> (vector<16xi32>, vector<16xi32>)  : i32 {
        %add3A_375 = arith.addi %scan3A_373, %scan3A_374 : vector<16xi32>
        %add3A_376 = arith.constant 1 : i32
        %add3A_377 = vector.broadcast %add3A_376 : i32 to vector<16xi32>
        %add3A_378 = arith.addi %add3A_375, %add3A_377 : vector<16xi32>
        %shift_right_logical3A_379 = arith.constant 1 : i32
        %shift_right_logical3A_380 = vector.broadcast %shift_right_logical3A_379 : i32 to vector<16xi32>
        %shift_right_logical3A_381 = arith.shrui %add3A_378, %shift_right_logical3A_380 : vector<16xi32>
        %gather3A_382 = tpu.vector_load_idx %arg5[%shift_right_logical3A_381, %add3A_78] : memref<2052x32xf32, #tpu.memory_space<vmem>>[vector<16xi32>, vector<16xi32>], vector<16xf32>,
        %add3A_383 = arith.addf %add3A_122, %gather3A_382 : vector<16xf32>
        %ge3A = arith.cmpf oge, %add3A_383, %mul3A_30 : vector<16xf32>
        %select_n3A = arith.select %ge3A, %shift_right_logical3A_381, %scan3A_373 : vector<16xi1>, vector<16xi32>
        %sub3A_384 = arith.constant 1 : i32
        %sub3A_385 = vector.broadcast %sub3A_384 : i32 to vector<16xi32>
        %sub3A_386 = arith.subi %shift_right_logical3A_381, %sub3A_385 : vector<16xi32>
        %select_n3A_387 = arith.select %ge3A, %scan3A_374, %sub3A_386 : vector<16xi1>, vector<16xi32>
        scf.yield %select_n3A, %select_n3A_387 : vector<16xi32>, vector<16xi32>
      }
      %scan3A_155 = arith.constant 10 : i32
      %add3A_156 = arith.constant 1 : i32
      %add3A_157 = vector.broadcast %add3A_156 : i32 to vector<16xi32>
      %add3A_158 = arith.addi %scan3A_154#0, %add3A_157 : vector<16xi32>
      %gather3A_159 = tpu.vector_load_idx %arg5[%add3A_158, %add3A_78] : memref<2052x32xf32, #tpu.memory_space<vmem>>[vector<16xi32>, vector<16xi32>], vector<16xf32>,
      %add3A_160 = arith.addf %add3A_122, %gather3A_159 : vector<16xf32>
      %shift_left3A = arith.constant 20 : i32
      %shift_left3A_161 = vector.broadcast %shift_left3A : i32 to vector<16xi32>
      %shift_left3A_162 = arith.shli %scan3A_44#0, %shift_left3A_161 : vector<16xi32>
      %shift_left3A_163 = arith.constant 10 : i32
      %shift_left3A_164 = vector.broadcast %shift_left3A_163 : i32 to vector<16xi32>
      %shift_left3A_165 = arith.shli %scan3A_116#0, %shift_left3A_164 : vector<16xi32>
      %or3A = arith.ori %shift_left3A_162, %shift_left3A_165 : vector<16xi32>
      %or3A_166 = arith.ori %or3A, %scan3A_154#0 : vector<16xi32>
      %bitcast3A = vector.bitcast %or3A_166 : vector<16xi32> to vector<16xf32>
      %add3A_167 = arith.constant 16 : i32
      %add3A_168 = vector.broadcast %add3A_167 : i32 to vector<16xi32>
      %add3A_169 = arith.addi %iota3A, %add3A_168 : vector<16xi32>
      %reduce_max3A_170 = arith.constant true
      %reduce_max3A_171 = vector.broadcast %reduce_max3A_170 : i1 to vector<16xi1>
      %reduce_max3A_172 = arith.constant -2147483648 : i32
      %reduce_max3A_173 = vector.broadcast %reduce_max3A_172 : i32 to vector<16xi32>
      %reduce_max3A_174 = arith.xori %scan3A_74#1, %reduce_max3A_173 : vector<16xi32>
      %reduce_max3A_175 = tpu.scan <max>, %reduce_max3A_174 masked %reduce_max3A_171 : vector<16xi32>, vector<16xi1> -> vector<16xi32>
      %reduce_max3A_176 = arith.xori %reduce_max3A_175, %reduce_max3A_173 : vector<16xi32>
      %reduce_max3A_177 = vector.extract %reduce_max3A_176[15] : i32 from vector<16xi32>
      %parallel_loop3A_178 = arith.constant 0 : i32
      %parallel_loop3A_179 = arith.constant 1028 : i32
      %parallel_loop3A_180 = arith.constant 1 : i32
      scf.for %parallel_loop3A_372 = %parallel_loop3A_178 to %parallel_loop3A_179 step %parallel_loop3A_180  : i32 {
        %parallel_loop3A_373 = arith.constant 0.000000e+00 : f32
        %parallel_loop3A_374 = vector.broadcast %parallel_loop3A_373 : f32 to vector<16xf32>
        %parallel_loop3A_375 = arith.index_cast %parallel_loop3A_372 : i32 to index
        %parallel_loop3A_376 = arith.constant 16 : index
        %parallel_loop3A_377 = tpu.vector_load %arg5[%parallel_loop3A_375, %parallel_loop3A_376] {strides = array<i32>} : memref<2052x32xf32, #tpu.memory_space<vmem>>, vector<16xf32>,
        tpu.vector_store %arg5[%parallel_loop3A_375, %parallel_loop3A_376], %parallel_loop3A_374 {strides = array<i32>} : memref<2052x32xf32, #tpu.memory_space<vmem>>, vector<16xf32>,
      } {sc.loop_unroll_factor = 8 : i64, sc.parallel_access}
      %while3A_181 = arith.constant 0 : i32
      %while3A_182 = arith.constant 0 : i32
      %while3A_183 = arith.subi %reduce_max3A_177, %while3A_181 : i32
      %while3A_184 = arith.addi %while3A_181, %while3A_183 : i32
      %while3A_185 = arith.constant 1 : i32
      %while3A_186 = arith.divsi %while3A_183, %while3A_185 : i32
      %while3A_187 = arith.muli %while3A_186, %while3A_185 : i32
      %while3A_188 = arith.addi %while3A_181, %while3A_187 : i32
      %while3A_189 = arith.constant 1 : i32
      %while3A_190 = scf.for %while3A_372 = %while3A_181 to %while3A_188 step %while3A_189 iter_args(%while3A_373 = %while3A_182) -> (i32)  : i32 {
        %mul3A_374 = arith.constant 0 : i32
        %mul3A_375 = vector.broadcast %mul3A_374 : i32 to vector<16xi32>
        %mul3A_376 = arith.muli %iota3A, %mul3A_375 : vector<16xi32>
        %add3A_377 = vector.broadcast %while3A_372 : i32 to vector<16xi32>
        %add3A_378 = arith.addi %mul3A_376, %add3A_377 : vector<16xi32>
        %lt3A = arith.cmpi slt, %add3A_378, %scan3A_74#1 : vector<16xi32>
        %get3A = arith.index_cast %while3A_372 : i32 to index
        %get3A_379 = arith.constant 16 : index
        %get3A_380 = tpu.vector_load %arg7[%get3A, %get3A_379] {strides = array<i32>} : memref<520x32xi32, #tpu.memory_space<vmem>>, vector<16xi32>,
        %shift_right_logical3A_381 = arith.constant 10 : i32
        %shift_right_logical3A_382 = vector.broadcast %shift_right_logical3A_381 : i32 to vector<16xi32>
        %shift_right_logical3A_383 = arith.shrui %get3A_380, %shift_right_logical3A_382 : vector<16xi32>
        %and3A_384 = arith.constant 1023 : i32
        %and3A_385 = vector.broadcast %and3A_384 : i32 to vector<16xi32>
        %and3A_386 = arith.andi %shift_right_logical3A_383, %and3A_385 : vector<16xi32>
        %get3A_387 = arith.index_cast %while3A_372 : i32 to index
        %get3A_388 = arith.constant 16 : index
        %get3A_389 = tpu.vector_load %arg6[%get3A_387, %get3A_388] {strides = array<i32>} : memref<520x32xf32, #tpu.memory_space<vmem>>, vector<16xf32>,
        tpu.vector_store_idx %arg5[%and3A_386, %add3A_169], %get3A_389 masked %lt3A {add = true} : memref<2052x32xf32, #tpu.memory_space<vmem>>[vector<16xi32>, vector<16xi32>], vector<16xf32>, vector<16xi1>
        %while3A_390 = arith.constant 0 : i32
        scf.yield %while3A_390 : i32
      }
      %while3A_191 = arith.constant 1 : i32
      %while3A_192 = scf.for %while3A_372 = %while3A_188 to %while3A_184 step %while3A_191 iter_args(%while3A_373 = %while3A_190) -> (i32)  : i32 {
        %mul3A_374 = arith.constant 0 : i32
        %mul3A_375 = vector.broadcast %mul3A_374 : i32 to vector<16xi32>
        %mul3A_376 = arith.muli %iota3A, %mul3A_375 : vector<16xi32>
        %add3A_377 = vector.broadcast %while3A_372 : i32 to vector<16xi32>
        %add3A_378 = arith.addi %mul3A_376, %add3A_377 : vector<16xi32>
        %lt3A = arith.cmpi slt, %add3A_378, %scan3A_74#1 : vector<16xi32>
        %get3A = arith.index_cast %while3A_372 : i32 to index
        %get3A_379 = arith.constant 16 : index
        %get3A_380 = tpu.vector_load %arg7[%get3A, %get3A_379] {strides = array<i32>} : memref<520x32xi32, #tpu.memory_space<vmem>>, vector<16xi32>,
        %shift_right_logical3A_381 = arith.constant 10 : i32
        %shift_right_logical3A_382 = vector.broadcast %shift_right_logical3A_381 : i32 to vector<16xi32>
        %shift_right_logical3A_383 = arith.shrui %get3A_380, %shift_right_logical3A_382 : vector<16xi32>
        %and3A_384 = arith.constant 1023 : i32
        %and3A_385 = vector.broadcast %and3A_384 : i32 to vector<16xi32>
        %and3A_386 = arith.andi %shift_right_logical3A_383, %and3A_385 : vector<16xi32>
        %get3A_387 = arith.index_cast %while3A_372 : i32 to index
        %get3A_388 = arith.constant 16 : index
        %get3A_389 = tpu.vector_load %arg6[%get3A_387, %get3A_388] {strides = array<i32>} : memref<520x32xf32, #tpu.memory_space<vmem>>, vector<16xf32>,
        tpu.vector_store_idx %arg5[%and3A_386, %add3A_169], %get3A_389 masked %lt3A {add = true} : memref<2052x32xf32, #tpu.memory_space<vmem>>[vector<16xi32>, vector<16xi32>], vector<16xf32>, vector<16xi1>
        %while3A_390 = arith.constant 0 : i32
        scf.yield %while3A_390 : i32
      }
      %broadcast_in_dim3A_193 = arith.constant 0.000000e+00 : f32
      %broadcast_in_dim3A_194 = vector.broadcast %broadcast_in_dim3A_193 : f32 to vector<16xf32>
      %scan3A_195 = arith.constant 0 : i32
      %scan3A_196 = arith.constant 1024 : i32
      %scan3A_197 = arith.addi %scan3A_195, %scan3A_196 : i32
      %scan3A_198 = arith.constant 4 : i32
      %scan3A_199 = scf.for %scan3A_372 = %scan3A_195 to %scan3A_197 step %scan3A_198 iter_args(%scan3A_373 = %broadcast_in_dim3A_194) -> (vector<16xf32>)  : i32 {
        %sub3A_374 = arith.constant 1023 : i32
        %sub3A_375 = arith.subi %sub3A_374, %scan3A_372 : i32
        %get3A = arith.index_cast %sub3A_375 : i32 to index
        %get3A_376 = arith.constant 16 : index
        %get3A_377 = tpu.vector_load %arg5[%get3A, %get3A_376] {strides = array<i32>} : memref<2052x32xf32, #tpu.memory_space<vmem>>, vector<16xf32>,
        %add3A_378 = arith.addf %scan3A_373, %get3A_377 : vector<16xf32>
        %swap3A = arith.index_cast %sub3A_375 : i32 to index
        %swap3A_379 = arith.constant 16 : index
        %swap3A_380 = tpu.vector_load %arg5[%swap3A, %swap3A_379] {strides = array<i32>} : memref<2052x32xf32, #tpu.memory_space<vmem>>, vector<16xf32>,
        tpu.vector_store %arg5[%swap3A, %swap3A_379], %add3A_378 {strides = array<i32>} : memref<2052x32xf32, #tpu.memory_space<vmem>>, vector<16xf32>,
        %scan3A_381 = arith.constant 1 : i32
        %scan3A_382 = arith.addi %scan3A_372, %scan3A_381 : i32
        %sub3A_383 = arith.constant 1023 : i32
        %sub3A_384 = arith.subi %sub3A_383, %scan3A_382 : i32
        %get3A_385 = arith.index_cast %sub3A_384 : i32 to index
        %get3A_386 = arith.constant 16 : index
        %get3A_387 = tpu.vector_load %arg5[%get3A_385, %get3A_386] {strides = array<i32>} : memref<2052x32xf32, #tpu.memory_space<vmem>>, vector<16xf32>,
        %add3A_388 = arith.addf %add3A_378, %get3A_387 : vector<16xf32>
        %swap3A_389 = arith.index_cast %sub3A_384 : i32 to index
        %swap3A_390 = arith.constant 16 : index
        %swap3A_391 = tpu.vector_load %arg5[%swap3A_389, %swap3A_390] {strides = array<i32>} : memref<2052x32xf32, #tpu.memory_space<vmem>>, vector<16xf32>,
        tpu.vector_store %arg5[%swap3A_389, %swap3A_390], %add3A_388 {strides = array<i32>} : memref<2052x32xf32, #tpu.memory_space<vmem>>, vector<16xf32>,
        %scan3A_392 = arith.constant 2 : i32
        %scan3A_393 = arith.addi %scan3A_372, %scan3A_392 : i32
        %sub3A_394 = arith.constant 1023 : i32
        %sub3A_395 = arith.subi %sub3A_394, %scan3A_393 : i32
        %get3A_396 = arith.index_cast %sub3A_395 : i32 to index
        %get3A_397 = arith.constant 16 : index
        %get3A_398 = tpu.vector_load %arg5[%get3A_396, %get3A_397] {strides = array<i32>} : memref<2052x32xf32, #tpu.memory_space<vmem>>, vector<16xf32>,
        %add3A_399 = arith.addf %add3A_388, %get3A_398 : vector<16xf32>
        %swap3A_400 = arith.index_cast %sub3A_395 : i32 to index
        %swap3A_401 = arith.constant 16 : index
        %swap3A_402 = tpu.vector_load %arg5[%swap3A_400, %swap3A_401] {strides = array<i32>} : memref<2052x32xf32, #tpu.memory_space<vmem>>, vector<16xf32>,
        tpu.vector_store %arg5[%swap3A_400, %swap3A_401], %add3A_399 {strides = array<i32>} : memref<2052x32xf32, #tpu.memory_space<vmem>>, vector<16xf32>,
        %scan3A_403 = arith.constant 3 : i32
        %scan3A_404 = arith.addi %scan3A_372, %scan3A_403 : i32
        %sub3A_405 = arith.constant 1023 : i32
        %sub3A_406 = arith.subi %sub3A_405, %scan3A_404 : i32
        %get3A_407 = arith.index_cast %sub3A_406 : i32 to index
        %get3A_408 = arith.constant 16 : index
        %get3A_409 = tpu.vector_load %arg5[%get3A_407, %get3A_408] {strides = array<i32>} : memref<2052x32xf32, #tpu.memory_space<vmem>>, vector<16xf32>,
        %add3A_410 = arith.addf %add3A_399, %get3A_409 : vector<16xf32>
        %swap3A_411 = arith.index_cast %sub3A_406 : i32 to index
        %swap3A_412 = arith.constant 16 : index
        %swap3A_413 = tpu.vector_load %arg5[%swap3A_411, %swap3A_412] {strides = array<i32>} : memref<2052x32xf32, #tpu.memory_space<vmem>>, vector<16xf32>,
        tpu.vector_store %arg5[%swap3A_411, %swap3A_412], %add3A_410 {strides = array<i32>} : memref<2052x32xf32, #tpu.memory_space<vmem>>, vector<16xf32>,
        scf.yield %add3A_410 : vector<16xf32>
      }
      %scan3A_200 = arith.constant 1024 : i32
      %broadcast_in_dim3A_201 = arith.constant 0 : i32
      %broadcast_in_dim3A_202 = vector.broadcast %broadcast_in_dim3A_201 : i32 to vector<16xi32>
      %broadcast_in_dim3A_203 = arith.constant 1023 : i32
      %broadcast_in_dim3A_204 = vector.broadcast %broadcast_in_dim3A_203 : i32 to vector<16xi32>
      %scan3A_205 = arith.constant 0 : i32
      %scan3A_206 = arith.constant 10 : i32
      %scan3A_207 = arith.addi %scan3A_205, %scan3A_206 : i32
      %scan3A_208 = arith.constant 1 : i32
      %scan3A_209:2 = scf.for %scan3A_372 = %scan3A_205 to %scan3A_207 step %scan3A_208 iter_args(%scan3A_373 = %broadcast_in_dim3A_202, %scan3A_374 = %broadcast_in_dim3A_204) -> (vector<16xi32>, vector<16xi32>)  : i32 {
        %add3A_375 = arith.addi %scan3A_373, %scan3A_374 : vector<16xi32>
        %add3A_376 = arith.constant 1 : i32
        %add3A_377 = vector.broadcast %add3A_376 : i32 to vector<16xi32>
        %add3A_378 = arith.addi %add3A_375, %add3A_377 : vector<16xi32>
        %shift_right_logical3A_379 = arith.constant 1 : i32
        %shift_right_logical3A_380 = vector.broadcast %shift_right_logical3A_379 : i32 to vector<16xi32>
        %shift_right_logical3A_381 = arith.shrui %add3A_378, %shift_right_logical3A_380 : vector<16xi32>
        %gather3A_382 = tpu.vector_load_idx %arg5[%shift_right_logical3A_381, %add3A_169] : memref<2052x32xf32, #tpu.memory_space<vmem>>[vector<16xi32>, vector<16xi32>], vector<16xf32>,
        %add3A_383 = arith.addf %add3A_67, %gather3A_382 : vector<16xf32>
        %ge3A = arith.cmpf oge, %add3A_383, %mul3A_33 : vector<16xf32>
        %select_n3A = arith.select %ge3A, %shift_right_logical3A_381, %scan3A_373 : vector<16xi1>, vector<16xi32>
        %sub3A_384 = arith.constant 1 : i32
        %sub3A_385 = vector.broadcast %sub3A_384 : i32 to vector<16xi32>
        %sub3A_386 = arith.subi %shift_right_logical3A_381, %sub3A_385 : vector<16xi32>
        %select_n3A_387 = arith.select %ge3A, %scan3A_374, %sub3A_386 : vector<16xi1>, vector<16xi32>
        scf.yield %select_n3A, %select_n3A_387 : vector<16xi32>, vector<16xi32>
      }
      %scan3A_210 = arith.constant 10 : i32
      %add3A_211 = arith.constant 1 : i32
      %add3A_212 = vector.broadcast %add3A_211 : i32 to vector<16xi32>
      %add3A_213 = arith.addi %scan3A_209#0, %add3A_212 : vector<16xi32>
      %gather3A_214 = tpu.vector_load_idx %arg5[%add3A_213, %add3A_169] : memref<2052x32xf32, #tpu.memory_space<vmem>>[vector<16xi32>, vector<16xi32>], vector<16xf32>,
      %add3A_215 = arith.addf %add3A_67, %gather3A_214 : vector<16xf32>
      %parallel_loop3A_216 = arith.constant 0 : i32
      %parallel_loop3A_217 = arith.constant 1028 : i32
      %parallel_loop3A_218 = arith.constant 1 : i32
      scf.for %parallel_loop3A_372 = %parallel_loop3A_216 to %parallel_loop3A_217 step %parallel_loop3A_218  : i32 {
        %parallel_loop3A_373 = arith.constant 0.000000e+00 : f32
        %parallel_loop3A_374 = vector.broadcast %parallel_loop3A_373 : f32 to vector<16xf32>
        %parallel_loop3A_375 = arith.index_cast %parallel_loop3A_372 : i32 to index
        %parallel_loop3A_376 = arith.constant 16 : index
        %parallel_loop3A_377 = tpu.vector_load %arg5[%parallel_loop3A_375, %parallel_loop3A_376] {strides = array<i32>} : memref<2052x32xf32, #tpu.memory_space<vmem>>, vector<16xf32>,
        tpu.vector_store %arg5[%parallel_loop3A_375, %parallel_loop3A_376], %parallel_loop3A_374 {strides = array<i32>} : memref<2052x32xf32, #tpu.memory_space<vmem>>, vector<16xf32>,
      } {sc.loop_unroll_factor = 8 : i64, sc.parallel_access}
      %while3A_219 = arith.constant 0 : i32
      %while3A_220 = arith.constant 0 : i32
      %while3A_221 = arith.subi %reduce_max3A_177, %while3A_219 : i32
      %while3A_222 = arith.addi %while3A_219, %while3A_221 : i32
      %while3A_223 = arith.constant 1 : i32
      %while3A_224 = arith.divsi %while3A_221, %while3A_223 : i32
      %while3A_225 = arith.muli %while3A_224, %while3A_223 : i32
      %while3A_226 = arith.addi %while3A_219, %while3A_225 : i32
      %while3A_227 = arith.constant 1 : i32
      %while3A_228 = scf.for %while3A_372 = %while3A_219 to %while3A_226 step %while3A_227 iter_args(%while3A_373 = %while3A_220) -> (i32)  : i32 {
        %get3A = arith.index_cast %while3A_372 : i32 to index
        %get3A_374 = arith.constant 16 : index
        %get3A_375 = tpu.vector_load %arg7[%get3A, %get3A_374] {strides = array<i32>} : memref<520x32xi32, #tpu.memory_space<vmem>>, vector<16xi32>,
        %mul3A_376 = arith.constant 0 : i32
        %mul3A_377 = vector.broadcast %mul3A_376 : i32 to vector<16xi32>
        %mul3A_378 = arith.muli %iota3A, %mul3A_377 : vector<16xi32>
        %add3A_379 = vector.broadcast %while3A_372 : i32 to vector<16xi32>
        %add3A_380 = arith.addi %mul3A_378, %add3A_379 : vector<16xi32>
        %lt3A = arith.cmpi slt, %add3A_380, %scan3A_74#1 : vector<16xi32>
        %shift_right_logical3A_381 = arith.constant 10 : i32
        %shift_right_logical3A_382 = vector.broadcast %shift_right_logical3A_381 : i32 to vector<16xi32>
        %shift_right_logical3A_383 = arith.shrui %get3A_375, %shift_right_logical3A_382 : vector<16xi32>
        %and3A_384 = arith.constant 1023 : i32
        %and3A_385 = vector.broadcast %and3A_384 : i32 to vector<16xi32>
        %and3A_386 = arith.andi %shift_right_logical3A_383, %and3A_385 : vector<16xi32>
        %eq3A = arith.cmpi eq, %and3A_386, %scan3A_209#0 : vector<16xi32>
        %and3A_387 = arith.andi %lt3A, %eq3A : vector<16xi1>
        %and3A_388 = arith.constant 1023 : i32
        %and3A_389 = vector.broadcast %and3A_388 : i32 to vector<16xi32>
        %and3A_390 = arith.andi %get3A_375, %and3A_389 : vector<16xi32>
        %get3A_391 = arith.index_cast %while3A_372 : i32 to index
        %get3A_392 = arith.constant 16 : index
        %get3A_393 = tpu.vector_load %arg6[%get3A_391, %get3A_392] {strides = array<i32>} : memref<520x32xf32, #tpu.memory_space<vmem>>, vector<16xf32>,
        tpu.vector_store_idx %arg5[%and3A_390, %add3A_169], %get3A_393 masked %and3A_387 {add = true} : memref<2052x32xf32, #tpu.memory_space<vmem>>[vector<16xi32>, vector<16xi32>], vector<16xf32>, vector<16xi1>
        %while3A_394 = arith.constant 0 : i32
        scf.yield %while3A_394 : i32
      }
      %while3A_229 = arith.constant 1 : i32
      %while3A_230 = scf.for %while3A_372 = %while3A_226 to %while3A_222 step %while3A_229 iter_args(%while3A_373 = %while3A_228) -> (i32)  : i32 {
        %get3A = arith.index_cast %while3A_372 : i32 to index
        %get3A_374 = arith.constant 16 : index
        %get3A_375 = tpu.vector_load %arg7[%get3A, %get3A_374] {strides = array<i32>} : memref<520x32xi32, #tpu.memory_space<vmem>>, vector<16xi32>,
        %mul3A_376 = arith.constant 0 : i32
        %mul3A_377 = vector.broadcast %mul3A_376 : i32 to vector<16xi32>
        %mul3A_378 = arith.muli %iota3A, %mul3A_377 : vector<16xi32>
        %add3A_379 = vector.broadcast %while3A_372 : i32 to vector<16xi32>
        %add3A_380 = arith.addi %mul3A_378, %add3A_379 : vector<16xi32>
        %lt3A = arith.cmpi slt, %add3A_380, %scan3A_74#1 : vector<16xi32>
        %shift_right_logical3A_381 = arith.constant 10 : i32
        %shift_right_logical3A_382 = vector.broadcast %shift_right_logical3A_381 : i32 to vector<16xi32>
        %shift_right_logical3A_383 = arith.shrui %get3A_375, %shift_right_logical3A_382 : vector<16xi32>
        %and3A_384 = arith.constant 1023 : i32
        %and3A_385 = vector.broadcast %and3A_384 : i32 to vector<16xi32>
        %and3A_386 = arith.andi %shift_right_logical3A_383, %and3A_385 : vector<16xi32>
        %eq3A = arith.cmpi eq, %and3A_386, %scan3A_209#0 : vector<16xi32>
        %and3A_387 = arith.andi %lt3A, %eq3A : vector<16xi1>
        %and3A_388 = arith.constant 1023 : i32
        %and3A_389 = vector.broadcast %and3A_388 : i32 to vector<16xi32>
        %and3A_390 = arith.andi %get3A_375, %and3A_389 : vector<16xi32>
        %get3A_391 = arith.index_cast %while3A_372 : i32 to index
        %get3A_392 = arith.constant 16 : index
        %get3A_393 = tpu.vector_load %arg6[%get3A_391, %get3A_392] {strides = array<i32>} : memref<520x32xf32, #tpu.memory_space<vmem>>, vector<16xf32>,
        tpu.vector_store_idx %arg5[%and3A_390, %add3A_169], %get3A_393 masked %and3A_387 {add = true} : memref<2052x32xf32, #tpu.memory_space<vmem>>[vector<16xi32>, vector<16xi32>], vector<16xf32>, vector<16xi1>
        %while3A_394 = arith.constant 0 : i32
        scf.yield %while3A_394 : i32
      }
      %broadcast_in_dim3A_231 = arith.constant 0.000000e+00 : f32
      %broadcast_in_dim3A_232 = vector.broadcast %broadcast_in_dim3A_231 : f32 to vector<16xf32>
      %scan3A_233 = arith.constant 0 : i32
      %scan3A_234 = arith.constant 1024 : i32
      %scan3A_235 = arith.addi %scan3A_233, %scan3A_234 : i32
      %scan3A_236 = arith.constant 4 : i32
      %scan3A_237 = scf.for %scan3A_372 = %scan3A_233 to %scan3A_235 step %scan3A_236 iter_args(%scan3A_373 = %broadcast_in_dim3A_232) -> (vector<16xf32>)  : i32 {
        %sub3A_374 = arith.constant 1023 : i32
        %sub3A_375 = arith.subi %sub3A_374, %scan3A_372 : i32
        %get3A = arith.index_cast %sub3A_375 : i32 to index
        %get3A_376 = arith.constant 16 : index
        %get3A_377 = tpu.vector_load %arg5[%get3A, %get3A_376] {strides = array<i32>} : memref<2052x32xf32, #tpu.memory_space<vmem>>, vector<16xf32>,
        %add3A_378 = arith.addf %scan3A_373, %get3A_377 : vector<16xf32>
        %swap3A = arith.index_cast %sub3A_375 : i32 to index
        %swap3A_379 = arith.constant 16 : index
        %swap3A_380 = tpu.vector_load %arg5[%swap3A, %swap3A_379] {strides = array<i32>} : memref<2052x32xf32, #tpu.memory_space<vmem>>, vector<16xf32>,
        tpu.vector_store %arg5[%swap3A, %swap3A_379], %add3A_378 {strides = array<i32>} : memref<2052x32xf32, #tpu.memory_space<vmem>>, vector<16xf32>,
        %scan3A_381 = arith.constant 1 : i32
        %scan3A_382 = arith.addi %scan3A_372, %scan3A_381 : i32
        %sub3A_383 = arith.constant 1023 : i32
        %sub3A_384 = arith.subi %sub3A_383, %scan3A_382 : i32
        %get3A_385 = arith.index_cast %sub3A_384 : i32 to index
        %get3A_386 = arith.constant 16 : index
        %get3A_387 = tpu.vector_load %arg5[%get3A_385, %get3A_386] {strides = array<i32>} : memref<2052x32xf32, #tpu.memory_space<vmem>>, vector<16xf32>,
        %add3A_388 = arith.addf %add3A_378, %get3A_387 : vector<16xf32>
        %swap3A_389 = arith.index_cast %sub3A_384 : i32 to index
        %swap3A_390 = arith.constant 16 : index
        %swap3A_391 = tpu.vector_load %arg5[%swap3A_389, %swap3A_390] {strides = array<i32>} : memref<2052x32xf32, #tpu.memory_space<vmem>>, vector<16xf32>,
        tpu.vector_store %arg5[%swap3A_389, %swap3A_390], %add3A_388 {strides = array<i32>} : memref<2052x32xf32, #tpu.memory_space<vmem>>, vector<16xf32>,
        %scan3A_392 = arith.constant 2 : i32
        %scan3A_393 = arith.addi %scan3A_372, %scan3A_392 : i32
        %sub3A_394 = arith.constant 1023 : i32
        %sub3A_395 = arith.subi %sub3A_394, %scan3A_393 : i32
        %get3A_396 = arith.index_cast %sub3A_395 : i32 to index
        %get3A_397 = arith.constant 16 : index
        %get3A_398 = tpu.vector_load %arg5[%get3A_396, %get3A_397] {strides = array<i32>} : memref<2052x32xf32, #tpu.memory_space<vmem>>, vector<16xf32>,
        %add3A_399 = arith.addf %add3A_388, %get3A_398 : vector<16xf32>
        %swap3A_400 = arith.index_cast %sub3A_395 : i32 to index
        %swap3A_401 = arith.constant 16 : index
        %swap3A_402 = tpu.vector_load %arg5[%swap3A_400, %swap3A_401] {strides = array<i32>} : memref<2052x32xf32, #tpu.memory_space<vmem>>, vector<16xf32>,
        tpu.vector_store %arg5[%swap3A_400, %swap3A_401], %add3A_399 {strides = array<i32>} : memref<2052x32xf32, #tpu.memory_space<vmem>>, vector<16xf32>,
        %scan3A_403 = arith.constant 3 : i32
        %scan3A_404 = arith.addi %scan3A_372, %scan3A_403 : i32
        %sub3A_405 = arith.constant 1023 : i32
        %sub3A_406 = arith.subi %sub3A_405, %scan3A_404 : i32
        %get3A_407 = arith.index_cast %sub3A_406 : i32 to index
        %get3A_408 = arith.constant 16 : index
        %get3A_409 = tpu.vector_load %arg5[%get3A_407, %get3A_408] {strides = array<i32>} : memref<2052x32xf32, #tpu.memory_space<vmem>>, vector<16xf32>,
        %add3A_410 = arith.addf %add3A_399, %get3A_409 : vector<16xf32>
        %swap3A_411 = arith.index_cast %sub3A_406 : i32 to index
        %swap3A_412 = arith.constant 16 : index
        %swap3A_413 = tpu.vector_load %arg5[%swap3A_411, %swap3A_412] {strides = array<i32>} : memref<2052x32xf32, #tpu.memory_space<vmem>>, vector<16xf32>,
        tpu.vector_store %arg5[%swap3A_411, %swap3A_412], %add3A_410 {strides = array<i32>} : memref<2052x32xf32, #tpu.memory_space<vmem>>, vector<16xf32>,
        scf.yield %add3A_410 : vector<16xf32>
      }
      %scan3A_238 = arith.constant 1024 : i32
      %broadcast_in_dim3A_239 = arith.constant 0 : i32
      %broadcast_in_dim3A_240 = vector.broadcast %broadcast_in_dim3A_239 : i32 to vector<16xi32>
      %broadcast_in_dim3A_241 = arith.constant 1023 : i32
      %broadcast_in_dim3A_242 = vector.broadcast %broadcast_in_dim3A_241 : i32 to vector<16xi32>
      %scan3A_243 = arith.constant 0 : i32
      %scan3A_244 = arith.constant 10 : i32
      %scan3A_245 = arith.addi %scan3A_243, %scan3A_244 : i32
      %scan3A_246 = arith.constant 1 : i32
      %scan3A_247:2 = scf.for %scan3A_372 = %scan3A_243 to %scan3A_245 step %scan3A_246 iter_args(%scan3A_373 = %broadcast_in_dim3A_240, %scan3A_374 = %broadcast_in_dim3A_242) -> (vector<16xi32>, vector<16xi32>)  : i32 {
        %add3A_375 = arith.addi %scan3A_373, %scan3A_374 : vector<16xi32>
        %add3A_376 = arith.constant 1 : i32
        %add3A_377 = vector.broadcast %add3A_376 : i32 to vector<16xi32>
        %add3A_378 = arith.addi %add3A_375, %add3A_377 : vector<16xi32>
        %shift_right_logical3A_379 = arith.constant 1 : i32
        %shift_right_logical3A_380 = vector.broadcast %shift_right_logical3A_379 : i32 to vector<16xi32>
        %shift_right_logical3A_381 = arith.shrui %add3A_378, %shift_right_logical3A_380 : vector<16xi32>
        %gather3A_382 = tpu.vector_load_idx %arg5[%shift_right_logical3A_381, %add3A_169] : memref<2052x32xf32, #tpu.memory_space<vmem>>[vector<16xi32>, vector<16xi32>], vector<16xf32>,
        %add3A_383 = arith.addf %add3A_215, %gather3A_382 : vector<16xf32>
        %ge3A = arith.cmpf oge, %add3A_383, %mul3A_33 : vector<16xf32>
        %select_n3A = arith.select %ge3A, %shift_right_logical3A_381, %scan3A_373 : vector<16xi1>, vector<16xi32>
        %sub3A_384 = arith.constant 1 : i32
        %sub3A_385 = vector.broadcast %sub3A_384 : i32 to vector<16xi32>
        %sub3A_386 = arith.subi %shift_right_logical3A_381, %sub3A_385 : vector<16xi32>
        %select_n3A_387 = arith.select %ge3A, %scan3A_374, %sub3A_386 : vector<16xi1>, vector<16xi32>
        scf.yield %select_n3A, %select_n3A_387 : vector<16xi32>, vector<16xi32>
      }
      %scan3A_248 = arith.constant 10 : i32
      %add3A_249 = arith.constant 1 : i32
      %add3A_250 = vector.broadcast %add3A_249 : i32 to vector<16xi32>
      %add3A_251 = arith.addi %scan3A_247#0, %add3A_250 : vector<16xi32>
      %gather3A_252 = tpu.vector_load_idx %arg5[%add3A_251, %add3A_169] : memref<2052x32xf32, #tpu.memory_space<vmem>>[vector<16xi32>, vector<16xi32>], vector<16xf32>,
      %add3A_253 = arith.addf %add3A_215, %gather3A_252 : vector<16xf32>
      %shift_left3A_254 = arith.constant 20 : i32
      %shift_left3A_255 = vector.broadcast %shift_left3A_254 : i32 to vector<16xi32>
      %shift_left3A_256 = arith.shli %scan3A_61#0, %shift_left3A_255 : vector<16xi32>
      %shift_left3A_257 = arith.constant 10 : i32
      %shift_left3A_258 = vector.broadcast %shift_left3A_257 : i32 to vector<16xi32>
      %shift_left3A_259 = arith.shli %scan3A_209#0, %shift_left3A_258 : vector<16xi32>
      %or3A_260 = arith.ori %shift_left3A_256, %shift_left3A_259 : vector<16xi32>
      %or3A_261 = arith.ori %or3A_260, %scan3A_247#0 : vector<16xi32>
      %bitcast3A_262 = vector.bitcast %or3A_261 : vector<16xi32> to vector<16xf32>
      %bitcast3A_263 = vector.bitcast %scan3A_26#0 : vector<16xf32> to vector<16xi32>
      %shift_right_logical3A = arith.constant 23 : i32
      %shift_right_logical3A_264 = vector.broadcast %shift_right_logical3A : i32 to vector<16xi32>
      %shift_right_logical3A_265 = arith.shrui %bitcast3A_263, %shift_right_logical3A_264 : vector<16xi32>
      %sub3A = arith.constant 127 : i32
      %sub3A_266 = vector.broadcast %sub3A : i32 to vector<16xi32>
      %sub3A_267 = arith.subi %shift_right_logical3A_265, %sub3A_266 : vector<16xi32>
      %and3A = arith.constant 8388607 : i32
      %and3A_268 = vector.broadcast %and3A : i32 to vector<16xi32>
      %and3A_269 = arith.andi %bitcast3A_263, %and3A_268 : vector<16xi32>
      %or3A_270 = arith.constant 1065353216 : i32
      %or3A_271 = vector.broadcast %or3A_270 : i32 to vector<16xi32>
      %or3A_272 = arith.ori %and3A_269, %or3A_271 : vector<16xi32>
      %bitcast3A_273 = vector.bitcast %or3A_272 : vector<16xi32> to vector<16xf32>
      %sub3A_274 = arith.constant 1.000000e+00 : f32
      %sub3A_275 = vector.broadcast %sub3A_274 : f32 to vector<16xf32>
      %sub3A_276 = arith.subf %bitcast3A_273, %sub3A_275 : vector<16xf32>
      %add3A_277 = arith.constant 1.000000e+00 : f32
      %add3A_278 = vector.broadcast %add3A_277 : f32 to vector<16xf32>
      %add3A_279 = arith.addf %bitcast3A_273, %add3A_278 : vector<16xf32>
      %div3A = arith.divf %sub3A_276, %add3A_279 : vector<16xf32>
      %mul3A_280 = arith.mulf %div3A, %div3A : vector<16xf32>
      %mul3A_281 = arith.constant 0.000000e+00 : f32
      %mul3A_282 = vector.broadcast %mul3A_281 : f32 to vector<16xf32>
      %mul3A_283 = arith.mulf %mul3A_280, %mul3A_282 : vector<16xf32>
      %add3A_284 = arith.constant 0.111111112 : f32
      %add3A_285 = vector.broadcast %add3A_284 : f32 to vector<16xf32>
      %add3A_286 = arith.addf %add3A_285, %mul3A_283 : vector<16xf32>
      %mul3A_287 = arith.mulf %mul3A_280, %add3A_286 : vector<16xf32>
      %add3A_288 = arith.constant 0.142857149 : f32
      %add3A_289 = vector.broadcast %add3A_288 : f32 to vector<16xf32>
      %add3A_290 = arith.addf %add3A_289, %mul3A_287 : vector<16xf32>
      %mul3A_291 = arith.mulf %mul3A_280, %add3A_290 : vector<16xf32>
      %add3A_292 = arith.constant 2.000000e-01 : f32
      %add3A_293 = vector.broadcast %add3A_292 : f32 to vector<16xf32>
      %add3A_294 = arith.addf %add3A_293, %mul3A_291 : vector<16xf32>
      %mul3A_295 = arith.mulf %mul3A_280, %add3A_294 : vector<16xf32>
      %add3A_296 = arith.constant 0.333333343 : f32
      %add3A_297 = vector.broadcast %add3A_296 : f32 to vector<16xf32>
      %add3A_298 = arith.addf %add3A_297, %mul3A_295 : vector<16xf32>
      %mul3A_299 = arith.mulf %mul3A_280, %add3A_298 : vector<16xf32>
      %add3A_300 = arith.constant 1.000000e+00 : f32
      %add3A_301 = vector.broadcast %add3A_300 : f32 to vector<16xf32>
      %add3A_302 = arith.addf %add3A_301, %mul3A_299 : vector<16xf32>
      %convert_element_type3A = arith.sitofp %sub3A_267 : vector<16xi32> to vector<16xf32>
      %mul3A_303 = arith.constant 0.693147182 : f32
      %mul3A_304 = vector.broadcast %mul3A_303 : f32 to vector<16xf32>
      %mul3A_305 = arith.mulf %convert_element_type3A, %mul3A_304 : vector<16xf32>
      %mul3A_306 = arith.constant 2.000000e+00 : f32
      %mul3A_307 = vector.broadcast %mul3A_306 : f32 to vector<16xf32>
      %mul3A_308 = arith.mulf %mul3A_307, %div3A : vector<16xf32>
      %mul3A_309 = arith.mulf %mul3A_308, %add3A_302 : vector<16xf32>
      %add3A_310 = arith.addf %mul3A_305, %mul3A_309 : vector<16xf32>
      %bitcast3A_311 = vector.bitcast %scan3A_26#1 : vector<16xf32> to vector<16xi32>
      %shift_right_logical3A_312 = arith.constant 23 : i32
      %shift_right_logical3A_313 = vector.broadcast %shift_right_logical3A_312 : i32 to vector<16xi32>
      %shift_right_logical3A_314 = arith.shrui %bitcast3A_311, %shift_right_logical3A_313 : vector<16xi32>
      %sub3A_315 = arith.constant 127 : i32
      %sub3A_316 = vector.broadcast %sub3A_315 : i32 to vector<16xi32>
      %sub3A_317 = arith.subi %shift_right_logical3A_314, %sub3A_316 : vector<16xi32>
      %and3A_318 = arith.constant 8388607 : i32
      %and3A_319 = vector.broadcast %and3A_318 : i32 to vector<16xi32>
      %and3A_320 = arith.andi %bitcast3A_311, %and3A_319 : vector<16xi32>
      %or3A_321 = arith.constant 1065353216 : i32
      %or3A_322 = vector.broadcast %or3A_321 : i32 to vector<16xi32>
      %or3A_323 = arith.ori %and3A_320, %or3A_322 : vector<16xi32>
      %bitcast3A_324 = vector.bitcast %or3A_323 : vector<16xi32> to vector<16xf32>
      %sub3A_325 = arith.constant 1.000000e+00 : f32
      %sub3A_326 = vector.broadcast %sub3A_325 : f32 to vector<16xf32>
      %sub3A_327 = arith.subf %bitcast3A_324, %sub3A_326 : vector<16xf32>
      %add3A_328 = arith.constant 1.000000e+00 : f32
      %add3A_329 = vector.broadcast %add3A_328 : f32 to vector<16xf32>
      %add3A_330 = arith.addf %bitcast3A_324, %add3A_329 : vector<16xf32>
      %div3A_331 = arith.divf %sub3A_327, %add3A_330 : vector<16xf32>
      %mul3A_332 = arith.mulf %div3A_331, %div3A_331 : vector<16xf32>
      %mul3A_333 = arith.constant 0.000000e+00 : f32
      %mul3A_334 = vector.broadcast %mul3A_333 : f32 to vector<16xf32>
      %mul3A_335 = arith.mulf %mul3A_332, %mul3A_334 : vector<16xf32>
      %add3A_336 = arith.constant 0.111111112 : f32
      %add3A_337 = vector.broadcast %add3A_336 : f32 to vector<16xf32>
      %add3A_338 = arith.addf %add3A_337, %mul3A_335 : vector<16xf32>
      %mul3A_339 = arith.mulf %mul3A_332, %add3A_338 : vector<16xf32>
      %add3A_340 = arith.constant 0.142857149 : f32
      %add3A_341 = vector.broadcast %add3A_340 : f32 to vector<16xf32>
      %add3A_342 = arith.addf %add3A_341, %mul3A_339 : vector<16xf32>
      %mul3A_343 = arith.mulf %mul3A_332, %add3A_342 : vector<16xf32>
      %add3A_344 = arith.constant 2.000000e-01 : f32
      %add3A_345 = vector.broadcast %add3A_344 : f32 to vector<16xf32>
      %add3A_346 = arith.addf %add3A_345, %mul3A_343 : vector<16xf32>
      %mul3A_347 = arith.mulf %mul3A_332, %add3A_346 : vector<16xf32>
      %add3A_348 = arith.constant 0.333333343 : f32
      %add3A_349 = vector.broadcast %add3A_348 : f32 to vector<16xf32>
      %add3A_350 = arith.addf %add3A_349, %mul3A_347 : vector<16xf32>
      %mul3A_351 = arith.mulf %mul3A_332, %add3A_350 : vector<16xf32>
      %add3A_352 = arith.constant 1.000000e+00 : f32
      %add3A_353 = vector.broadcast %add3A_352 : f32 to vector<16xf32>
      %add3A_354 = arith.addf %add3A_353, %mul3A_351 : vector<16xf32>
      %convert_element_type3A_355 = arith.sitofp %sub3A_317 : vector<16xi32> to vector<16xf32>
      %mul3A_356 = arith.constant 0.693147182 : f32
      %mul3A_357 = vector.broadcast %mul3A_356 : f32 to vector<16xf32>
      %mul3A_358 = arith.mulf %convert_element_type3A_355, %mul3A_357 : vector<16xf32>
      %mul3A_359 = arith.constant 2.000000e+00 : f32
      %mul3A_360 = vector.broadcast %mul3A_359 : f32 to vector<16xf32>
      %mul3A_361 = arith.mulf %mul3A_360, %div3A_331 : vector<16xf32>
      %mul3A_362 = arith.mulf %mul3A_361, %add3A_354 : vector<16xf32>
      %add3A_363 = arith.addf %mul3A_358, %mul3A_362 : vector<16xf32>
      %scan3A_364 = arith.constant 0 : i32
      %scan3A_365 = arith.constant 0 : i32
      %scan3A_366 = arith.constant 16 : i32
      %scan3A_367 = arith.addi %scan3A_365, %scan3A_366 : i32
      %scan3A_368 = arith.constant 1 : i32
      %scan3A_369 = scf.for %scan3A_372 = %scan3A_365 to %scan3A_367 step %scan3A_368 iter_args(%scan3A_373 = %scan3A_364) -> (i32)  : i32 {
        %mul3A_374 = arith.constant 512 : i32
        %mul3A_375 = arith.muli %scan3A_372, %mul3A_374 : i32
        "tpu.region"() ({
          %run_scoped3A = tpu.sem_alloc : memref<!tpu.dma_semaphore, #tpu.memory_space<semaphore_mem>>
          %dma_start3A = arith.constant 0 : i32
          %dma_start3A_382 = tpu.memref_slice %arg2[%add3A_11, %mul3A_375, %dma_start3A] : memref<64x8192x32xf32, #tpu.memory_space<hbm>> -> memref<1x512x32xf32, #tpu.memory_space<hbm>>
          %dma_start3A_383 = tpu.memref_squeeze %dma_start3A_382 : memref<1x512x32xf32, #tpu.memory_space<hbm>> -> memref<512x32xf32, #tpu.memory_space<hbm>>
          %dma_start3A_384 = arith.constant 0 : i32
          %dma_start3A_385 = tpu.memref_slice %arg2[%add3A_11, %mul3A_375, %dma_start3A_384] : memref<64x8192x32xf32, #tpu.memory_space<hbm>> -> memref<1x512x32xf32, #tpu.memory_space<hbm>>
          %dma_start3A_386 = tpu.memref_squeeze %dma_start3A_385 : memref<1x512x32xf32, #tpu.memory_space<hbm>> -> memref<512x32xf32, #tpu.memory_space<hbm>>
          tpu.enqueue_dma source(%dma_start3A_386 : memref<512x32xf32, #tpu.memory_space<hbm>>) target(%arg4 : memref<512x32xf32, #tpu.memory_space<vmem>>) target_semaphore(%run_scoped3A : memref<!tpu.dma_semaphore, #tpu.memory_space<semaphore_mem>>)
          %dma_wait3A = arith.constant 0 : i32
          %dma_wait3A_387 = tpu.memref_slice %arg2[%add3A_11, %mul3A_375, %dma_wait3A] : memref<64x8192x32xf32, #tpu.memory_space<hbm>> -> memref<1x512x32xf32, #tpu.memory_space<hbm>>
          %dma_wait3A_388 = tpu.memref_squeeze %dma_wait3A_387 : memref<1x512x32xf32, #tpu.memory_space<hbm>> -> memref<512x32xf32, #tpu.memory_space<hbm>>
          %dma_wait3A_389 = arith.constant 0 : i32
          %dma_wait3A_390 = tpu.memref_slice %arg2[%add3A_11, %mul3A_375, %dma_wait3A_389] : memref<64x8192x32xf32, #tpu.memory_space<hbm>> -> memref<1x512x32xf32, #tpu.memory_space<hbm>>
          %dma_wait3A_391 = tpu.memref_squeeze %dma_wait3A_390 : memref<1x512x32xf32, #tpu.memory_space<hbm>> -> memref<512x32xf32, #tpu.memory_space<hbm>>
          tpu.wait_dma2 semaphore(%run_scoped3A : memref<!tpu.dma_semaphore, #tpu.memory_space<semaphore_mem>>) src(%dma_wait3A_391 : memref<512x32xf32, #tpu.memory_space<hbm>>) dst(%arg4 : memref<512x32xf32, #tpu.memory_space<vmem>>)
          tpu.yield
        }) : () -> ()
        %parallel_loop3A_376 = arith.constant 0 : i32
        %parallel_loop3A_377 = arith.constant 512 : i32
        %parallel_loop3A_378 = arith.constant 1 : i32
        scf.for %parallel_loop3A_382 = %parallel_loop3A_376 to %parallel_loop3A_377 step %parallel_loop3A_378  : i32 {
          %parallel_loop3A_383 = arith.index_cast %parallel_loop3A_382 : i32 to index
          %parallel_loop3A_384 = arith.constant 0 : index
          %parallel_loop3A_385 = tpu.vector_load %arg4[%parallel_loop3A_383, %parallel_loop3A_384] {strides = array<i32>} : memref<512x32xf32, #tpu.memory_space<vmem>>, vector<16xf32>,
          %parallel_loop3A_386 = arith.index_cast %parallel_loop3A_382 : i32 to index
          %parallel_loop3A_387 = arith.constant 16 : index
          %parallel_loop3A_388 = tpu.vector_load %arg4[%parallel_loop3A_386, %parallel_loop3A_387] {strides = array<i32>} : memref<512x32xf32, #tpu.memory_space<vmem>>, vector<16xf32>,
          %parallel_loop3A_389 = math.exp %parallel_loop3A_385 : vector<16xf32>
          %parallel_loop3A_390 = math.exp %parallel_loop3A_388 : vector<16xf32>
          %parallel_loop3A_391 = arith.cmpf oge, %parallel_loop3A_389, %bitcast3A : vector<16xf32>
          %parallel_loop3A_392 = arith.subf %parallel_loop3A_385, %add3A_310 : vector<16xf32>
          %parallel_loop3A_393 = arith.constant -7.000000e+01 : f32
          %parallel_loop3A_394 = vector.broadcast %parallel_loop3A_393 : f32 to vector<16xf32>
          %parallel_loop3A_395 = arith.select %parallel_loop3A_391, %parallel_loop3A_392, %parallel_loop3A_394 : vector<16xi1>, vector<16xf32>
          %parallel_loop3A_396 = arith.index_cast %parallel_loop3A_382 : i32 to index
          %parallel_loop3A_397 = arith.constant 0 : index
          %parallel_loop3A_398 = tpu.vector_load %arg6[%parallel_loop3A_396, %parallel_loop3A_397] {strides = array<i32>} : memref<520x32xf32, #tpu.memory_space<vmem>>, vector<16xf32>,
          tpu.vector_store %arg6[%parallel_loop3A_396, %parallel_loop3A_397], %parallel_loop3A_395 {strides = array<i32>} : memref<520x32xf32, #tpu.memory_space<vmem>>, vector<16xf32>,
          %parallel_loop3A_399 = arith.cmpf oge, %parallel_loop3A_390, %bitcast3A_262 : vector<16xf32>
          %parallel_loop3A_400 = arith.subf %parallel_loop3A_388, %add3A_363 : vector<16xf32>
          %parallel_loop3A_401 = arith.constant -7.000000e+01 : f32
          %parallel_loop3A_402 = vector.broadcast %parallel_loop3A_401 : f32 to vector<16xf32>
          %parallel_loop3A_403 = arith.select %parallel_loop3A_399, %parallel_loop3A_400, %parallel_loop3A_402 : vector<16xi1>, vector<16xf32>
          %parallel_loop3A_404 = arith.index_cast %parallel_loop3A_382 : i32 to index
          %parallel_loop3A_405 = arith.constant 16 : index
          %parallel_loop3A_406 = tpu.vector_load %arg6[%parallel_loop3A_404, %parallel_loop3A_405] {strides = array<i32>} : memref<520x32xf32, #tpu.memory_space<vmem>>, vector<16xf32>,
          tpu.vector_store %arg6[%parallel_loop3A_404, %parallel_loop3A_405], %parallel_loop3A_403 {strides = array<i32>} : memref<520x32xf32, #tpu.memory_space<vmem>>, vector<16xf32>,
        } {sc.loop_unroll_factor = 8 : i64, sc.parallel_access}
        %mul3A_379 = arith.constant 512 : i32
        %mul3A_380 = arith.muli %scan3A_372, %mul3A_379 : i32
        "tpu.region"() ({
          %run_scoped3A = tpu.sem_alloc : memref<!tpu.dma_semaphore, #tpu.memory_space<semaphore_mem>>
          %dma_start3A = arith.constant 0 : i32
          %dma_start3A_382 = arith.constant 0 : i32
          %dma_start3A_383 = tpu.memref_slice %arg6[%dma_start3A, %dma_start3A_382] : memref<520x32xf32, #tpu.memory_space<vmem>> -> memref<512x32xf32, #tpu.memory_space<vmem>>
          %dma_start3A_384 = arith.constant 0 : i32
          %dma_start3A_385 = tpu.memref_slice %arg3[%add3A_11, %mul3A_380, %dma_start3A_384] : memref<64x8192x32xf32, #tpu.memory_space<hbm>> -> memref<1x512x32xf32, #tpu.memory_space<hbm>>
          %dma_start3A_386 = tpu.memref_squeeze %dma_start3A_385 : memref<1x512x32xf32, #tpu.memory_space<hbm>> -> memref<512x32xf32, #tpu.memory_space<hbm>>
          %dma_start3A_387 = arith.constant 0 : i32
          %dma_start3A_388 = tpu.memref_slice %arg3[%add3A_11, %mul3A_380, %dma_start3A_387] : memref<64x8192x32xf32, #tpu.memory_space<hbm>> -> memref<1x512x32xf32, #tpu.memory_space<hbm>>
          %dma_start3A_389 = tpu.memref_squeeze %dma_start3A_388 : memref<1x512x32xf32, #tpu.memory_space<hbm>> -> memref<512x32xf32, #tpu.memory_space<hbm>>
          %dma_start3A_390 = arith.constant 0 : i32
          %dma_start3A_391 = arith.constant 0 : i32
          %dma_start3A_392 = tpu.memref_slice %arg6[%dma_start3A_390, %dma_start3A_391] : memref<520x32xf32, #tpu.memory_space<vmem>> -> memref<512x32xf32, #tpu.memory_space<vmem>>
          tpu.enqueue_dma source(%dma_start3A_392 : memref<512x32xf32, #tpu.memory_space<vmem>>) target(%dma_start3A_389 : memref<512x32xf32, #tpu.memory_space<hbm>>) target_semaphore(%run_scoped3A : memref<!tpu.dma_semaphore, #tpu.memory_space<semaphore_mem>>)
          %dma_wait3A = arith.constant 0 : i32
          %dma_wait3A_393 = arith.constant 0 : i32
          %dma_wait3A_394 = tpu.memref_slice %arg6[%dma_wait3A, %dma_wait3A_393] : memref<520x32xf32, #tpu.memory_space<vmem>> -> memref<512x32xf32, #tpu.memory_space<vmem>>
          %dma_wait3A_395 = arith.constant 0 : i32
          %dma_wait3A_396 = tpu.memref_slice %arg3[%add3A_11, %mul3A_380, %dma_wait3A_395] : memref<64x8192x32xf32, #tpu.memory_space<hbm>> -> memref<1x512x32xf32, #tpu.memory_space<hbm>>
          %dma_wait3A_397 = tpu.memref_squeeze %dma_wait3A_396 : memref<1x512x32xf32, #tpu.memory_space<hbm>> -> memref<512x32xf32, #tpu.memory_space<hbm>>
          %dma_wait3A_398 = arith.constant 0 : i32
          %dma_wait3A_399 = tpu.memref_slice %arg3[%add3A_11, %mul3A_380, %dma_wait3A_398] : memref<64x8192x32xf32, #tpu.memory_space<hbm>> -> memref<1x512x32xf32, #tpu.memory_space<hbm>>
          %dma_wait3A_400 = tpu.memref_squeeze %dma_wait3A_399 : memref<1x512x32xf32, #tpu.memory_space<hbm>> -> memref<512x32xf32, #tpu.memory_space<hbm>>
          %dma_wait3A_401 = arith.constant 0 : i32
          %dma_wait3A_402 = arith.constant 0 : i32
          %dma_wait3A_403 = tpu.memref_slice %arg6[%dma_wait3A_401, %dma_wait3A_402] : memref<520x32xf32, #tpu.memory_space<vmem>> -> memref<512x32xf32, #tpu.memory_space<vmem>>
          tpu.wait_dma2 semaphore(%run_scoped3A : memref<!tpu.dma_semaphore, #tpu.memory_space<semaphore_mem>>) src(%dma_wait3A_403 : memref<512x32xf32, #tpu.memory_space<vmem>>) dst(%dma_wait3A_400 : memref<512x32xf32, #tpu.memory_space<hbm>>)
          tpu.yield
        }) : () -> ()
        %scan3A_381 = arith.constant 0 : i32
        scf.yield %scan3A_381 : i32
      }
      %scan3A_370 = arith.constant 16 : i32
      %scan3A_371 = arith.constant 0 : i32
      scf.yield %scan3A_371 : i32
    }
    %scan3A_6 = arith.constant 2 : i32
    return
  }
}

</mosaic_0001>

<sc_bundles>
// kernel: kernel.3.cloned.1.call-start
scs
__scs_entry_jumppad:
0x0: {  	(pc) =	sbr.rel $0x88, $3  }
0x1: {  	(tag) =	ssettag $0x0;
	lr =	simm.s32 $0x1  }
0x2: {  	[smem:$0x3FA0] =	sst lr;
	_ =	strace $0xD0000000  }
0x3: {  	_ = 	snop  }
0x4: {  	_ = 	snop  }
0x5: {  	_ = 	snop  }
0x6: {  	_ = 	snop  }
0x7: {  	_ = 	snop  }
__scs_overlays_trampoline_lowered:
0x8: {  	[smem:$0x3FAF] =	sst s0  }
0x9: {  	[smem:$0x3FB0] =	sst s1  }
0xa: {  	[smem:$0x3FB1] =	sst s2  }
0xb: {  	[smem:$0x3FB2] =	sst s3  }
0xc: {  	[smem:$0x3FB3] =	sst s4  }
0xd: {  	[smem:$0x3FB4] =	sst s5  }
0xe: {  	[smem:$0x3FB5] =	sst s6  }
0xf: {  	[smem:$0x3FB6] =	sst s7  }
0x10: {  	[smem:$0x3FB7] =	sst s8  }
0x11: {  	[smem:$0x3FB8] =	sst s9;
	s0 =	simm.s32 @!p0 $0x0  }
0x12: {  	s1 =	sld [smem:$0x3F9E];
	s0 =	simm.s32 @p0 $0x1  }
0x13: {  	[smem:$0x3FB9] =	sst s0;
	s0 =	simm.s32 @!p1 $0x0  }
0x14: {  	s2 =	sld [smem:$0x3F9D];
	s0 =	simm.s32 @p1 $0x1  }
0x15: {  	[smem:$0x3FBA] =	sst s0;
	s0 =	simm.s32 @!p2 $0x0  }
0x16: {  	s3 =	sld [smem:$0x3FDB];
	s0 =	simm.s32 @p2 $0x1  }
0x17: {  	s4 =	simm.s32 $0x1BF5;
	[smem:$0x3FBC] =	sst s0  }
0x18: {  	s0 =	sld [smem:$0x3F9F];
	_ =	swait.ge [sflag:s4], $0x0  }
0x19: {  	s7 =	sld [smem:$0x3FA0]  }
0x1a: {  	s8 =	sadd.s32 $0xFFFFE003, lr  }
0x1b: {  	s9 =	sadd.s32 $0xFFFFFEF7, lr;
	s5 =	simm.s32 $0xFFFFFFFF;
	p2 =	slt.u32 s8, $0xFFFFF086  }
0x1c: {  	p1 =	slt.u32 s9, $0xF7A;
	s5 =	simm.s32 @!p2 $0x0  }
0x1d: {  	s5 =	simm.s32 @p1 $0x1;
	p0 =	seq.s32 s7, s2  }
0x1e: {  	s7 =	smul.u32 @!p0 $0xF7A, s2;
	p2 =	seq.s32 @!p0 s5, $0x0  }
0x1f: {  	s9 =	smul.u32 $0xF7A, s1;
	s8 =	simm.s32 @!p0 $0x1BF5;
	p2 =	por !p2, p0  }
0x20: {  	[sflag:s8] =	ssyncset.s32 @!p0 $0xFFFFF086;
	s6 =	sadd.s32 @!p0 s3, s7;
	s7 =	simm.s32 @!p0 $0x108  }
0x21: {  	s3 =	sadd.s32 s3, s9;
	s6 =	sadd.s32 @!p0 $0x88, s6;
	s7 =	simm.s32 @p2 $0x1082  }
0x22: {  	[simem:s7], [sflag:s8] =	dma.local @!p0 [hbm:s6], $0xF7A  }
0x23: {  	s9 =	sor.u32 $0xD0000000, s2;
	s6 =	simm.s32 $0x108;
	_ =	swait.ge @!p0 [sflag:s8], $0x0  }
0x24: {  	s3 =	sadd.s32 $0x88, s3;
	s6 =	simm.s32 @!p1 $0x1082;
	[sflag:s4] =	ssyncset.s32 $0xFFFFF086  }
0x25: {  	[simem:s6], [sflag:s4] =	dma.local [hbm:s3], $0xF7A  }
0x26: {  	[smem:$0x3FA0] =	sst s1;
	(tag) =	ssettag s2;
	_ =	strace s9  }
0x27: {  	s1 =	sld [smem:$0x3FB0]  }
0x28: {  	s2 =	sld [smem:$0x3FB1]  }
0x29: {  	s4 =	sld [smem:$0x3FB3]  }
0x2a: {  	p0 =	seq.s32 s5, $0x0;
	s5 =	sld [smem:$0x3FB4]  }
0x2b: {  	s6 =	sld [smem:$0x3FB5]  }
0x2c: {  	s7 =	sld [smem:$0x3FB6]  }
0x2d: {  	s3 =	simm.s32 $0x108;
	s8 =	sld [smem:$0x3FB7]  }
0x2e: {  	s3 =	simm.s32 @!p0 $0x1082;
	s9 =	sld [smem:$0x3FB8]  }
0x2f: {  	lr =	sadd.s32 s0, s3;
	s0 =	sld [smem:$0x3FAF]  }
0x30: {  	s3 =	sld [smem:$0x3FB2]  }
0x31: {  	[smem:$0x3FBB] =	sst s10  }
0x32: {  	s10 =	sld [smem:$0x3FB9];
	_ =	sdelay $0x3  }
0x33: {  	p0 =	seq.s32 s10, $0x1;
	s10 =	sld [smem:$0x3FBB];
	_ =	sdelay $0x3  }
0x34: {  	[smem:$0x3FBB] =	sst s10  }
0x35: {  	s10 =	sld [smem:$0x3FBA];
	_ =	sdelay $0x3  }
0x36: {  	p1 =	seq.s32 s10, $0x1;
	s10 =	sld [smem:$0x3FBB];
	_ =	sdelay $0x3  }
0x37: {  	[smem:$0x3FBB] =	sst s10  }
0x38: {  	s10 =	sld [smem:$0x3FBC]  }
0x39: {  	_ = 	snop;
	(pc) =	sbr.ind lr, $3  }
0x3a: {  	_ = 	snop  }
0x3b: {  	_ = 	snop  }
0x3c: {  	p2 =	seq.s32 s10, $0x1;
	s10 =	sld [smem:$0x3FBB]  }
0x3d: {  	_ =	shalt  }
0x3e: {  	_ =	shalt  }
0x3f: {  	_ =	shalt  }
0x40: {  	_ =	shalt  }
0x41: {  	_ =	shalt  }
0x42: {  	_ =	shalt  }
0x43: {  	_ =	shalt  }
0x44: {  	_ =	shalt  }
0x45: {  	_ =	shalt  }
0x46: {  	_ =	shalt  }
0x47: {  	_ =	shalt  }
0x48: {  	_ =	shalt  }
0x49: {  	_ =	shalt  }
0x4a: {  	_ =	shalt  }
0x4b: {  	_ =	shalt  }
0x4c: {  	_ =	shalt  }
0x4d: {  	_ =	shalt  }
0x4e: {  	_ =	shalt  }
0x4f: {  	_ =	shalt  }
0x50: {  	_ =	shalt  }
0x51: {  	_ =	shalt  }
0x52: {  	_ =	shalt  }
0x53: {  	_ =	shalt  }
0x54: {  	_ =	shalt  }
0x55: {  	_ =	shalt  }
0x56: {  	_ =	shalt  }
0x57: {  	_ =	shalt  }
0x58: {  	_ =	shalt  }
0x59: {  	_ =	shalt  }
0x5a: {  	_ =	shalt  }
0x5b: {  	_ =	shalt  }
0x5c: {  	_ =	shalt  }
0x5d: {  	_ =	shalt  }
0x5e: {  	_ =	shalt  }
0x5f: {  	_ =	shalt  }
0x60: {  	_ =	shalt  }
0x61: {  	_ =	shalt  }
0x62: {  	_ =	shalt  }
0x63: {  	_ =	shalt  }
0x64: {  	_ =	shalt  }
0x65: {  	_ =	shalt  }
0x66: {  	_ =	shalt  }
0x67: {  	_ =	shalt  }
0x68: {  	_ =	shalt  }
0x69: {  	_ =	shalt  }
0x6a: {  	_ =	shalt  }
0x6b: {  	_ =	shalt  }
0x6c: {  	_ =	shalt  }
0x6d: {  	_ =	shalt  }
0x6e: {  	_ =	shalt  }
0x6f: {  	_ =	shalt  }
0x70: {  	_ =	shalt  }
0x71: {  	_ =	shalt  }
0x72: {  	_ =	shalt  }
0x73: {  	_ =	shalt  }
0x74: {  	_ =	shalt  }
0x75: {  	_ =	shalt  }
0x76: {  	_ =	shalt  }
0x77: {  	_ =	shalt  }
0x78: {  	_ =	shalt  }
0x79: {  	_ =	shalt  }
0x7a: {  	_ =	shalt  }
0x7b: {  	_ =	shalt  }
0x7c: {  	_ =	shalt  }
0x7d: {  	_ =	shalt  }
0x7e: {  	_ =	shalt  }
0x7f: {  	_ =	shalt  }
0x80: {  	_ =	shalt  }
0x81: {  	_ =	shalt  }
0x82: {  	_ =	shalt  }
0x83: {  	_ =	shalt  }
0x84: {  	_ =	shalt  }
0x85: {  	_ =	shalt  }
0x86: {  	_ =	shalt  }
0x87: {  	_ =	shalt  }
.Lfunc_end0:
.L_simem_size_0:
called_computation.1_lowered:
.L_overlay_start_0:
0x88: {  	s2 =	sld [smem:$0x3FD9]  }
0x89: {  	s3 =	sld [smem:$0x3FFE];
	_ =	sdelay $0x1  }
0x8a: {  	s1 =	srdreg.scid  }
0x8b: {  	s0 =	sand.u32 $0x1, s1  }
0x8c: {  	s17 =	sshll.u32 s0, $0xA;
	s2 =	sadd.s32 s3, s2  }
0x8d: {  	s2 =	sadd.s32 s2, s17  }
0x8e: {  	[smem:$0x3FC7] =	sst s2  }
0x8f: {  	_ = 	snop  }
0x90: {  	s2 =	sld [smem:$0x3FD0];
	(tm) =	ssettm $0x1  }
0x91: {  	s18 =	sld [smem:$0x3FFB];
	_ =	sdelay $0x3  }
0x92: {  	_ =	strace s18  }
0x93: {  	s3 =	sld [smem:$0x3FFC];
	_ =	sdelay $0x3  }
0x94: {  	_ =	strace s3  }
0x95: {  	s3 =	sld [smem:$0x3FFD];
	_ =	sdelay $0x3  }
0x96: {  	_ =	strace s3  }
0x97: {  	_ =	strace $0x8FFFFFFF  }
0x98: {  	s19 =	sld [smem:$0x3FDB];
	_ =	sdelay $0x1  }
0x99: {  	s4 =	simm.s32 $_scs_section_size  }
0x9a: {  	s5 =	simm.s32 $_size__tile_overlayer_lowered;
	s6 =	simm.s32 $_tile_overlayer_lowered  }
0x9b: {  	s22 =	simm.s32 $0x1BFF;
	s21 =	sshll.u32 s6, $0x1;
	s3 =	sadd.s32 s4, s19  }
0x9c: {  	s7 =	simm.s32 $0x0;
	s20 =	sshll.u32 s5, $0x1;
	s5 =	sadd.s32 s21, s3  }
0x9d: {  	[timem:s7], [sflag:s22] =	dma.local [hbm:s5], s20  }
0x9e: {  	_ =	swait.ge [sflag:s22], s20  }
0x9f: {  	s4 =	ssub.s32 $0x0, s20;
	[sflag:s22] =	ssyncset.done $0x0  }
0xa0: {  	[sflag:s22] =	ssyncadd.s32 s4;
	_ =	sdelay $0x1  }
0xa1: {  	s23 =	simm.s32 $0x1B8B  }
0xa2: {  	_ =	swait.ge [sflag:s23], $0x1  }
0xa3: {  	[sflag:s23] =	ssyncset.done $0x0  }
0xa4: {  	s25 =	simm.s32 $0x1B8E;
	s24 =	sld [smem:$0x3FFE];
	[sflag:s23] =	ssyncadd.s32 $0xFFFFFFFF  }
0xa5: {  	s26 =	simm.s32 $execute0_lowered;
	[smem:$0x3FD2] =	sst s25  }
0xa6: {  	s5 =	sshll.u32 s26, $0x1;
	_ =	strace $0x80000046;
	[dreg:$0x1] =	wrdreg $0xFFFFFFFF  }
0xa7: {  	s28 =	simm.s32 $_size_execute0_lowered;
	s3 =	sadd.s32 s3, s5;
	[dreg:$0x0] =	wrdreg $0x0  }
0xa8: {  	s5 =	sshll.u32 s28, $0x1;
	[dreg:$0x2] =	wrdreg s3  }
0xa9: {  	[dreg:$0x3] =	wrdreg s5  }
0xaa: {  	[dreg:$0x4] =	wrdreg $0xC0  }
0xab: {  	_ =	task [dreg:s7], $0x5FFFF  }
0xac: {  	[dreg:$0x1] =	wrdreg $0xFFFFFFFF  }
0xad: {  	[dreg:$0x0] =	wrdreg $0x60  }
0xae: {  	[dreg:$0x2] =	wrdreg s2  }
0xaf: {  	[dreg:$0x3] =	wrdreg s24  }
0xb0: {  	[dreg:$0x4] =	wrdreg $0x9  }
0xb1: {  	_ =	task.clear_ibuf [dreg:s7], $0x5FFFF;
	_ =	strace $0x90000046  }
0xb2: {  	s29 =	simm.s32 $0x9;
	_ =	strace $0x80000048  }
0xb3: {  	_ =	swait.ge [sflag:s29], $0x1  }
0xb4: {  	[sflag:s29] =	ssyncadd.s32 $0xFFFFFFFF  }
0xb5: {  	_ =	strace $0x90000048  }
0xb6: {  	_ =	sfence  }
0xb7: {  	s30 =	sld [smem:$0x0];
	_ =	sdelay $0x2  }
0xb8: {  	s31 =	sshll.u32 s1, $0xD;
	s1 =	sshrl.u32 s1, $0x2  }
0xb9: {  	s3 =	sand.u32 $0x4000, s31;
	s1 =	sadd.s32 s1, s30  }
0xba: {  	s0 =	sor.u32 s3, s0;
	s1 =	sshll.u32 s1, $0x11  }
0xbb: {  	s0 =	sor.u32 s1, s0  }
0xbc: {  	s0 =	sadd.s32 $0x8F2B, s0  }
0xbd: {  	[sflag:s0] =	ssyncadd.remote.s32 $0x1  }
0xbe: {  	_ =	sfence.sel $0xFFFF  }
0xbf: {  	[dreg:$0x0] =	wrdreg $0xFFFFFFFF;
	(pc) =	sbr.abs _section_cstart, $3  }
0xc0: {  	[dreg:$0x1] =	wrdreg $0xFFFFFFFF  }
0xc1: {  	_ =	task.clear_ibuf [dreg:s7], $0x2FFFF;
	_ =	strace $0x9FFFFFFF  }
0xc2: {  	(tm) =	ssettm $0x7FFFFFFF  }
0xc3: {  	_ =	shalt  }
tec
execute0_lowered:
.L_overlay_start_1:
0x0: {  	(tag) =	ssettag $0x1  }
0x1: {  	s1 =	rddreg [dreg:$0x0]  }
0x2: {  	s5 =	rddreg [dreg:$0x1]  }
0x3: {  	s3 =	srdreg.scid;
	s0 =	rddreg [dreg:$0x2];
	s2 =	simm.s32 $0x0  }
0x4: {  	s8 =	simm.s32 $0x1;
	s9 =	simm.s32 $0x4000;
	s4 =	sand.u32 $0x1, s3  }
0x5: {  	v0 =	vlaneseq.u32;
	s10 =	simm.s32 $0x14080;
	s11 =	simm.s32 $0x18180;
	s6 =	ssub.s32 $0x2, s4  }
0x6: {  	v1 =	vimm.f32 $0.0e+00;
	v4 =	vimm.s32 $0x3FF;
	v8 =	vimm.s32 $0x0;
	s12 =	simm.s32 $0x0;
	[smem:$0x7FF] =	sst s2;
	s7 =	sshrl.u32 s6, $0x1  }
0x7: {  	v9 =	vimm.s32 $0x1FF;
	s3 =	stileid.u32;
	s5 =	sadd.s32 $0x800, s5;
	v2 =	vor.u32 $0x10, v0;
	v3 =	vor.u32 $0x8000, v0;
	s7 =	ssub.s32 s6, s7  }
0x8: {  	v5 =	vor.u32 $0x20, v0;
	v6 =	vor.u32 $0x8010, v0;
	v7 =	vor.u32 $0x30, v0;
	_ =	strace $0x80000047;
	s6 =	sshll.u32 s3, $0x1;
	s7 =	smax.u32 s7, $0x1  }
.LBB2_1:
0x9: {  	p1 =	por $0x1, $0x1;
	s13 =	simm.s32 $0x0  }
.LBB2_2:
0xa: {  	s14 =	simm.s32 $0x4080  }
0xb: {  	[tilespmem:s14+$0xFFFFFF80] =	vst v1  }
0xc: {  	[tilespmem:s14+$0x70] =	vst v1  }
0xd: {  	[tilespmem:s14+$0x60] =	vst v1  }
0xe: {  	[tilespmem:s14+$0x50] =	vst v1  }
0xf: {  	[tilespmem:s14+$0x40] =	vst v1  }
0x10: {  	[tilespmem:s14+$0x30] =	vst v1  }
0x11: {  	[tilespmem:s14+$0x20] =	vst v1  }
0x12: {  	[tilespmem:s14+$0x10] =	vst v1  }
0x13: {  	[tilespmem:s14+$0x0] =	vst v1  }
0x14: {  	[tilespmem:s14+$0xFFFFFFF0] =	vst v1  }
0x15: {  	[tilespmem:s14+$0xFFFFFFE0] =	vst v1  }
0x16: {  	[tilespmem:s14+$0xFFFFFFD0] =	vst v1  }
0x17: {  	[tilespmem:s14+$0xFFFFFFC0] =	vst v1  }
0x18: {  	[tilespmem:s14+$0xFFFFFFB0] =	vst v1  }
0x19: {  	p0 =	por p1, p1;
	s15 =	simm.s32 $0x0;
	[tilespmem:s14+$0xFFFFFFA0] =	vst v1  }
.LBB2_3:
0x1a: {  	s15 =	sadd.s32 $0x8, s15;
	[tilespmem:s14+$0xFFFFFF90] =	vst v1;
	s14 =	sadd.s32 $0x100, s14  }
0x1b: {  	[tilespmem:s14+$0xFFFFFF80] =	vst v1;
	p1 =	slt.u32 s15, $0x7F8  }
0x1c: {  	[tilespmem:s14+$0x70] =	vst v1  }
0x1d: {  	[tilespmem:s14+$0x60] =	vst v1  }
0x1e: {  	[tilespmem:s14+$0x50] =	vst v1  }
0x1f: {  	[tilespmem:s14+$0x40] =	vst v1  }
0x20: {  	[tilespmem:s14+$0x30] =	vst v1  }
0x21: {  	[tilespmem:s14+$0x20] =	vst v1  }
0x22: {  	[tilespmem:s14+$0x10] =	vst v1  }
0x23: {  	[tilespmem:s14+$0x0] =	vst v1  }
0x24: {  	[tilespmem:s14+$0xFFFFFFF0] =	vst v1  }
.Ltmp0:
0x25: {  	[tilespmem:s14+$0xFFFFFFE0] =	vst v1;
	(pc) =	sbr.rel @p1 .LBB2_3-.Ltmp0, $4  }
0x26: {  	[tilespmem:s14+$0xFFFFFFD0] =	vst v1  }
0x27: {  	[tilespmem:s14+$0xFFFFFFC0] =	vst v1  }
0x28: {  	[tilespmem:s14+$0xFFFFFFB0] =	vst v1  }
0x29: {  	[tilespmem:s14+$0xFFFFFFA0] =	vst v1  }
0x2a: {  	[tilespmem:s14+$0xFFFFFF90] =	vst v1;
	s14 =	simm.s32 $0x0  }
.LBB2_5:
0x2b: {  	p1 =	seq.s32 s14, $0x180  }
.Ltmp1:
0x2c: {  	_ = 	snop;
	(pc) =	sbr.rel @!p1 .LBB2_5-.Ltmp1, $4  }
0x2d: {  	_ = 	snop  }
0x2e: {  	s15 =	sshra.s32 s14, $0x2  }
0x2f: {  	[tilespmem:s15+$0x14000] =	vst v1  }
0x30: {  	s14 =	sadd.s32 $0x80, s14;
	[tilespmem:s15+$0x14010] =	vst v1  }
0x31: {  	s13 =	sor.u32 s13, s6  }
0x32: {  	s13 =	sor.u32 s4, s13  }
0x33: {  	s13 =	sshll.u32 s13, $0xF  }
0x34: {  	s15 =	simm.s32 $0x0;
	s14 =	sadd.s32 s1, s13  }
.LBB2_7:
0x35: {  	s16 =	sshll.u32 s15, $0xB  }
0x36: {  	s16 =	sadd.s32 s16, s14  }
0x37: {  	[tilespmem:s2], [sflag:$0x1] =	stream.linear.gather [hbm4b:s16+s2], $0x4000, $0x38;
	[tilespmem:$0x1C280] =	vst v63  }
0x38: {  	_ =	swait.ge [sflag:s8], $0x4000  }
0x39: {  	[sflag:s8] =	ssyncset.done $0x0  }
0x3a: {  	s17 =	simm.s32 $0x80;
	[sflag:s8] =	ssyncadd.s32 $0xFFFFC000  }
0x3b: {  	v10 =	vld [tilespmem:s17+$0xFFFFFFE0]  }
0x3c: {  	v11 =	vld [tilespmem:s17+$0xFFFFFFF0]  }
0x3d: {  	v12 =	vld [tilespmem:s17+$0xFFFFFFC0];
	_ =	sdelay $0x2  }
0x3e: {  	v10 =	vmul.f32 $1.442695020e+00, v10  }
0x3f: {  	v13 =	vld [tilespmem:s17+$0x60];
	v11 =	vmul.f32 $1.442695020e+00, v11  }
0x40: {  	v14 =	vld [tilespmem:s17+$0x40];
	v12 =	vmul.f32 $1.442695020e+00, v12;
	(erf) = vpow2.f32 v10  }
0x41: {  	v15 =	vld [tilespmem:s17+$0x20];
	(erf) = vpow2.f32 v11  }
0x42: {  	(erf) = vpow2.f32 v12;
	_ =	sdelay $0x1  }
0x43: {  	v11 =	vmul.f32 $1.442695020e+00, v13;
	v12 =	vld [tilespmem:s17+$0xFFFFFFD0]  }
0x44: {  	v10 =	vld [tilespmem:s17+$0x70];
	v13 =	vmul.f32 $1.442695020e+00, v14  }
0x45: {  	v15 =	vmul.f32 $1.442695020e+00, v15;
	v14 =	vld [tilespmem:s17+$0xFFFFFFA0];
	(erf) = vpow2.f32 v11  }
0x46: {  	v16 =	vld [tilespmem:s17+$0xFFFFFF80];
	(erf) = vpow2.f32 v13  }
0x47: {  	v13 =	vld [tilespmem:s17+$0x0];
	(erf) = vpow2.f32 v15  }
0x48: {  	v12 =	vmul.f32 $1.442695020e+00, v12;
	v11 =	vpop (erf)  }
0x49: {  	v15 =	vmul.f32 $1.442695020e+00, v10;
	v10 =	vpop (erf)  }
0x4a: {  	v17 =	vmul.f32 $1.442695020e+00, v14;
	(erf) = vpow2.f32 v12;
	v18 =	vpop (erf)  }
0x4b: {  	v16 =	vmul.f32 $1.442695020e+00, v16;
	(erf) = vpow2.f32 v15;
	v15 =	vshrl.u32 v18, $0xF  }
0x4c: {  	v14 =	vld [tilespmem:s17+$0xFFFFFF90];
	v13 =	vmul.f32 $1.442695020e+00, v13;
	(erf) = vpow2.f32 v17;
	v15 =	vand.u32 $0x1FFE0, v15  }
0x4d: {  	v22 =	vld [tilespmem:s17+$0x10];
	v12 =	vshrl.u32 v10, $0xF;
	(erf) = vpow2.f32 v16  }
0x4e: {  	v21 =	vld [tilespmem:s17+$0xFFFFFFB0];
	v19 =	vshrl.u32 v11, $0xF;
	v12 =	vand.u32 $0x1FFE0, v12;
	v17 =	vpop (erf);
	v20 =	vor.u32 v0, v15  }
0x4f: {  	v23 =	vld [tilespmem:s17+$0x30];
	v16 =	vand.u32 $0x1FFE0, v19;
	v12 =	vor.u32 v2, v12;
	v19 =	vshrl.u32 v17, $0xF;
	v15 =	vpop (erf)  }
0x50: {  	s16 =	simm.s32 $0x0;
	v24 =	vld [tilespmem:s17+$0x50];
	s17 =	simm.s32 $0x180;
	(erf) = vpow2.f32 v13;
	v19 =	vand.u32 $0x1FFE0, v19;
	v25 =	vshrl.u32 v15, $0xF;
	v13 =	vpop (erf)  }
.LBB2_8:
0x51: {  	v26 =	vld [tilespmem:s17+$0xFFFFFFE0];
	s16 =	sadd.s32 $0x8, s16;
	v14 =	vmul.f32 $1.442695020e+00, v14;
	v27 =	vshrl.u32 v13, $0xF;
	v25 =	vand.u32 $0x1FFE0, v25  }
0x52: {  	v28 =	vld [tilespmem:s17+$0x70];
	p1 =	slt.u32 s16, $0x1F8;
	v30 =	vmul.f32 $1.442695020e+00, v22;
	v27 =	vand.u32 $0x1FFE0, v27;
	v25 =	vor.u32 v0, v25  }
0x53: {  	v21 =	vmul.f32 $1.442695020e+00, v21;
	[tilespmem:v20+s9+$0x0] =	vst.idx.add.f32.msk $0xffff, v18;
	v18 =	vor.u32 v0, v27;
	(erf) = vpow2.f32 v14;
	v20 =	vpop (erf)  }
0x54: {  	v27 =	vld [tilespmem:s17+$0xFFFFFFD0];
	v29 =	vshrl.u32 v20, $0xF;
	v23 =	vmul.f32 $1.442695020e+00, v23;
	(erf) = vpow2.f32 v30;
	v22 =	vpop (erf)  }
0x55: {  	v14 =	vld [tilespmem:s17+$0xFFFFFF90];
	v29 =	vand.u32 $0x1FFE0, v29;
	v24 =	vmul.f32 $1.442695020e+00, v24;
	v30 =	vshrl.u32 v22, $0xF;
	v31 =	vpop (erf)  }
0x56: {  	v26 =	vmul.f32 $1.442695020e+00, v26;
	v32 =	vld [tilespmem:s17+$0x20];
	v30 =	vand.u32 $0x1FFE0, v30;
	v33 =	vpop (erf);
	(erf) = vpow2.f32 v23  }
0x57: {  	v34 =	vshrl.u32 v31, $0xF;
	v29 =	vor.u32 v2, v29;
	v23 =	vld [tilespmem:s17+$0xFFFFFF80];
	(erf) = vpow2.f32 v24  }
0x58: {  	v35 =	vshrl.u32 v33, $0xF;
	v34 =	vand.u32 $0x1FFE0, v34;
	v24 =	vld [tilespmem:s17+$0x40];
	(erf) = vpow2.f32 v21  }
0x59: {  	v19 =	vor.u32 v0, v19;
	v35 =	vand.u32 $0x1FFE0, v35;
	v21 =	vld [tilespmem:s17+$0xFFFFFFF0];
	v36 =	vpop (erf)  }
0x5a: {  	v35 =	vor.u32 v0, v35;
	v37 =	vld [tilespmem:s17+$0xFFFFFFC0];
	v38 =	vshrl.u32 v36, $0xF  }
0x5b: {  	v30 =	vor.u32 v2, v30;
	v39 =	vld [tilespmem:s17+$0xFFFFFFA0];
	v38 =	vand.u32 $0x1FFE0, v38  }
0x5c: {  	v40 =	vld [tilespmem:s17+$0x0];
	v38 =	vor.u32 v0, v38;
	v41 =	vpop (erf)  }
0x5d: {  	v16 =	vor.u32 v0, v16;
	v42 =	vld [tilespmem:s17+$0x60];
	v43 =	vpop (erf)  }
0x5e: {  	v34 =	vor.u32 v0, v34;
	v44 =	vshrl.u32 v41, $0xF;
	v45 =	vshrl.u32 v43, $0xF;
	[tilespmem:v19+s9+$0x0] =	vst.idx.add.f32.msk $0xffff, v17  }
0x5f: {  	v19 =	vmul.f32 $1.442695020e+00, v21;
	v17 =	vmul.f32 $1.442695020e+00, v37;
	[tilespmem:v29+s9+$0x0] =	vst.idx.add.f32.msk $0xffff, v20;
	v20 =	vand.u32 $0x1FFE0, v45;
	v21 =	vpop (erf)  }
0x60: {  	(erf) = vpow2.f32 v26;
	v20 =	vor.u32 v2, v20;
	v26 =	vshrl.u32 v21, $0xF;
	[tilespmem:v30+s9+$0x0] =	vst.idx.add.f32.msk $0xffff, v22;
	v22 =	vpop (erf)  }
0x61: {  	(erf) = vpow2.f32 v19;
	[tilespmem:v35+s9+$0x0] =	vst.idx.add.f32.msk $0xffff, v33;
	v19 =	vand.u32 $0x1FFE0, v44;
	v29 =	vshrl.u32 v22, $0xF;
	v30 =	vpop (erf)  }
0x62: {  	(erf) = vpow2.f32 v17;
	v17 =	vor.u32 v2, v19;
	v19 =	vshrl.u32 v30, $0xF;
	[tilespmem:v25+s9+$0x0] =	vst.idx.add.f32.msk $0xffff, v15  }
0x63: {  	v15 =	vmul.f32 $1.442695020e+00, v42;
	v25 =	vand.u32 $0x1FFE0, v29;
	[tilespmem:v34+s9+$0x0] =	vst.idx.add.f32.msk $0xffff, v31;
	v19 =	vand.u32 $0x1FFE0, v19  }
0x64: {  	v24 =	vmul.f32 $1.442695020e+00, v24;
	v26 =	vand.u32 $0x1FFE0, v26;
	v25 =	vor.u32 v2, v25;
	[tilespmem:v38+s9+$0x0] =	vst.idx.add.f32.msk $0xffff, v36  }
0x65: {  	v29 =	vmul.f32 $1.442695020e+00, v32;
	(erf) = vpow2.f32 v15;
	v15 =	vor.u32 v2, v19;
	[tilespmem:v20+s9+$0x0] =	vst.idx.add.f32.msk $0xffff, v43  }
0x66: {  	(erf) = vpow2.f32 v24;
	[tilespmem:v18+s9+$0x0] =	vst.idx.add.f32.msk $0xffff, v13;
	v13 =	vor.u32 v2, v26  }
0x67: {  	(erf) = vpow2.f32 v29;
	[tilespmem:v17+s9+$0x0] =	vst.idx.add.f32.msk $0xffff, v41  }
0x68: {  	v17 =	vmul.f32 $1.442695020e+00, v27;
	[tilespmem:v16+s9+$0x0] =	vst.idx.add.f32.msk $0xffff, v11  }
0x69: {  	v16 =	vmul.f32 $1.442695020e+00, v28;
	v11 =	vpop (erf);
	[tilespmem:v25+s9+$0x0] =	vst.idx.add.f32.msk $0xffff, v22  }
0x6a: {  	v19 =	vmul.f32 $1.442695020e+00, v39;
	v24 =	vshrl.u32 v11, $0xF;
	(erf) = vpow2.f32 v17;
	[tilespmem:v12+s9+$0x0] =	vst.idx.add.f32.msk $0xffff, v10;
	v10 =	vpop (erf)  }
0x6b: {  	v23 =	vmul.f32 $1.442695020e+00, v23;
	v12 =	vshrl.u32 v10, $0xF;
	v18 =	vpop (erf);
	(erf) = vpow2.f32 v16;
	[tilespmem:v15+s9+$0x0] =	vst.idx.add.f32.msk $0xffff, v30  }
.Ltmp2:
0x6c: {  	v15 =	vshrl.u32 v18, $0xF;
	v12 =	vand.u32 $0x1FFE0, v12;
	(erf) = vpow2.f32 v19;
	[tilespmem:v13+s9+$0x0] =	vst.idx.add.f32.msk $0xffff, v21;
	(pc) =	sbr.rel @p1 .LBB2_8-.Ltmp2, $4  }
0x6d: {  	v13 =	vand.u32 $0x1FFE0, v15;
	v12 =	vor.u32 v2, v12;
	v22 =	vld [tilespmem:s17+$0x10];
	(erf) = vpow2.f32 v23  }
0x6e: {  	v26 =	vmul.f32 $1.442695020e+00, v40;
	v16 =	vand.u32 $0x1FFE0, v24;
	v21 =	vld [tilespmem:s17+$0xFFFFFFB0];
	v20 =	vor.u32 v0, v13;
	v17 =	vpop (erf)  }
0x6f: {  	v23 =	vld [tilespmem:s17+$0x30];
	v19 =	vshrl.u32 v17, $0xF;
	v15 =	vpop (erf)  }
0x70: {  	v24 =	vld [tilespmem:s17+$0x50];
	v25 =	vshrl.u32 v15, $0xF;
	v19 =	vand.u32 $0x1FFE0, v19;
	s17 =	sadd.s32 $0x100, s17;
	(erf) = vpow2.f32 v26;
	v13 =	vpop (erf)  }
0x71: {  	_ = 	snop  }
0x72: {  	v14 =	vmul.f32 $1.442695020e+00, v14  }
0x73: {  	v22 =	vmul.f32 $1.442695020e+00, v22  }
0x74: {  	(erf) = vpow2.f32 v14;
	v37 =	vmul.f32 $1.442695020e+00, v23  }
0x75: {  	v38 =	vpop (erf);
	(erf) = vpow2.f32 v22;
	v39 =	vmul.f32 $1.442695020e+00, v24  }
0x76: {  	v19 =	vor.u32 v0, v19;
	v21 =	vmul.f32 $1.442695020e+00, v21;
	v40 =	vpop (erf);
	(erf) = vpow2.f32 v37  }
0x77: {  	v25 =	vand.u32 $0x1FFE0, v25;
	v56 =	vor.u32 v0, v16;
	v27 =	vpop (erf);
	(erf) = vpow2.f32 v39  }
0x78: {  	v25 =	vor.u32 v0, v25;
	v41 =	vshrl.u32 v38, $0xF;
	v43 =	vpop (erf);
	(erf) = vpow2.f32 v21  }
0x79: {  	v26 =	vshrl.u32 v40, $0xF;
	v14 =	vand.u32 $0x1FFE0, v41  }
0x7a: {  	[tilespmem:v20+s9+$0x0] =	vst.idx.add.f32.msk $0xffff, v18;
	v49 =	vshrl.u32 v13, $0xF;
	v42 =	vand.u32 $0x1FFE0, v26;
	v14 =	vor.u32 v2, v14  }
0x7b: {  	v29 =	vshrl.u32 v27, $0xF;
	[tilespmem:v19+s9+$0x0] =	vst.idx.add.f32.msk $0xffff, v17;
	v17 =	vand.u32 $0x1FFE0, v49;
	v23 =	vor.u32 v2, v42  }
0x7c: {  	[tilespmem:v56+s9+$0x0] =	vst.idx.add.f32.msk $0xffff, v11;
	v28 =	vshrl.u32 v43, $0xF;
	v46 =	vand.u32 $0x1FFE0, v29;
	v17 =	vor.u32 v0, v17;
	v45 =	vpop (erf)  }
0x7d: {  	[tilespmem:v25+s9+$0x0] =	vst.idx.add.f32.msk $0xffff, v15;
	v44 =	vand.u32 $0x1FFE0, v28;
	v18 =	vor.u32 v0, v46;
	v47 =	vshrl.u32 v45, $0xF;
	v30 =	vpop (erf)  }
0x7e: {  	[tilespmem:v12+s9+$0x0] =	vst.idx.add.f32.msk $0xffff, v10;
	v21 =	vor.u32 v0, v44;
	v20 =	vand.u32 $0x1FFE0, v47;
	v48 =	vpop (erf);
	v52 =	vshrl.u32 v30, $0xF  }
0x7f: {  	[tilespmem:v14+s9+$0x0] =	vst.idx.add.f32.msk $0xffff, v38;
	v50 =	vor.u32 v0, v20;
	v31 =	vshrl.u32 v48, $0xF;
	v20 =	vand.u32 $0x1FFE0, v52;
	v53 =	vpop (erf)  }
0x80: {  	[tilespmem:v23+s9+$0x0] =	vst.idx.add.f32.msk $0xffff, v40;
	v51 =	vand.u32 $0x1FFE0, v31;
	v20 =	vor.u32 v2, v20;
	v54 =	vpop (erf);
	v60 =	vshrl.u32 v53, $0xF  }
0x81: {  	[tilespmem:v17+s9+$0x0] =	vst.idx.add.f32.msk $0xffff, v13;
	v14 =	vor.u32 v2, v51;
	v55 =	vshrl.u32 v54, $0xF;
	v57 =	vpop (erf);
	v61 =	vand.u32 $0x1FFE0, v60  }
0x82: {  	[tilespmem:v18+s9+$0x0] =	vst.idx.add.f32.msk $0xffff, v27;
	v58 =	vand.u32 $0x1FFE0, v55;
	v59 =	vshrl.u32 v57, $0xF;
	v63 =	vor.u32 v2, v61  }
0x83: {  	s15 =	sadd.s32 $0x1, s15;
	[tilespmem:v21+s9+$0x0] =	vst.idx.add.f32.msk $0xffff, v43;
	v18 =	vor.u32 v2, v58;
	v21 =	vand.u32 $0x1FFE0, v59  }
0x84: {  	p1 =	sne.s32 s15, $0x10;
	[tilespmem:v50+s9+$0x0] =	vst.idx.add.f32.msk $0xffff, v45;
	v62 =	vor.u32 v2, v21  }
.Ltmp3:
0x85: {  	[tilespmem:v20+s9+$0x0] =	vst.idx.add.f32.msk $0xffff, v30;
	(pc) =	sbr.rel @p1 .LBB2_7-.Ltmp3, $4  }
0x86: {  	[tilespmem:v14+s9+$0x0] =	vst.idx.add.f32.msk $0xffff, v48  }
0x87: {  	[tilespmem:v63+s9+$0x0] =	vst.idx.add.f32.msk $0xffff, v53  }
0x88: {  	[tilespmem:v18+s9+$0x0] =	vst.idx.add.f32.msk $0xffff, v54  }
0x89: {  	[tilespmem:v62+s9+$0x0] =	vst.idx.add.f32.msk $0xffff, v57  }
0x8a: {  	s16 =	simm.s32 $0x13F80  }
0x8b: {  	v10 =	vld [tilespmem:s16+$0x60]  }
0x8c: {  	v11 =	vld [tilespmem:s16+$0x70]  }
0x8d: {  	v13 =	vld [tilespmem:s16+$0x40];
	_ =	sdelay $0x1  }
0x8e: {  	v12 =	vimm.f32 $0.0e+00;
	v15 =	vld [tilespmem:s16+$0x50]  }
0x8f: {  	v17 =	vld [tilespmem:s16+$0x20];
	v10 =	vadd.f32 v10, v12  }
0x90: {  	v16 =	vld [tilespmem:s16+$0x30]  }
0x91: {  	v11 =	vadd.f32 v11, v12;
	[tilespmem:s16+$0x60] =	vst v10;
	v10 =	vadd.f32 v13, v10;
	v13 =	vld [tilespmem:s16+$0x0]  }
0x92: {  	s15 =	simm.s32 $0x13F00;
	v19 =	vld [tilespmem:s16+$0x10]  }
0x93: {  	v18 =	vld [tilespmem:s15+$0x60];
	[tilespmem:s16+$0x70] =	vst v11;
	v11 =	vadd.f32 v15, v11  }
0x94: {  	v14 =	vld [tilespmem:s15+$0x70];
	[tilespmem:s16+$0x40] =	vst v10;
	v15 =	vadd.f32 v17, v10  }
0x95: {  	v12 =	vld [tilespmem:s15+$0x40];
	[tilespmem:s16+$0x50] =	vst v11;
	v16 =	vadd.f32 v16, v11  }
0x96: {  	v10 =	vld [tilespmem:s15+$0x50];
	[tilespmem:s16+$0x20] =	vst v15;
	v17 =	vadd.f32 v13, v15  }
0x97: {  	v11 =	vld [tilespmem:s15+$0x20];
	[tilespmem:s16+$0x30] =	vst v16;
	v16 =	vadd.f32 v19, v16  }
0x98: {  	s17 =	simm.s32 $0x4;
	v13 =	vld [tilespmem:s15+$0x30];
	v15 =	vadd.f32 v18, v17;
	[tilespmem:s16+$0x0] =	vst v17  }
.LBB2_11:
0x99: {  	s17 =	sadd.s32 $0x4, s17;
	v14 =	vadd.f32 v14, v16;
	v17 =	vld [tilespmem:s15+$0x0];
	[tilespmem:s16+$0x10] =	vst v16;
	s16 =	smov.u32 s15  }
0x9a: {  	s15 =	sadd.s32 $0xFFFFFF80, s15;
	p1 =	slt.u32 s17, $0x7FC;
	[tilespmem:s16+$0x60] =	vst v15;
	v12 =	vadd.f32 v12, v15;
	v15 =	vld [tilespmem:s16+$0x10]  }
0x9b: {  	v18 =	vld [tilespmem:s15+$0x60];
	[tilespmem:s16+$0x70] =	vst v14;
	v10 =	vadd.f32 v10, v14  }
.Ltmp4:
0x9c: {  	v14 =	vld [tilespmem:s15+$0x70];
	[tilespmem:s16+$0x40] =	vst v12;
	v11 =	vadd.f32 v11, v12;
	(pc) =	sbr.rel @p1 .LBB2_11-.Ltmp4, $4  }
0x9d: {  	v12 =	vld [tilespmem:s15+$0x40];
	[tilespmem:s16+$0x50] =	vst v10;
	v13 =	vadd.f32 v13, v10  }
0x9e: {  	v10 =	vld [tilespmem:s15+$0x50];
	[tilespmem:s16+$0x20] =	vst v11;
	v17 =	vadd.f32 v17, v11  }
0x9f: {  	v11 =	vld [tilespmem:s15+$0x20];
	[tilespmem:s16+$0x30] =	vst v13;
	v16 =	vadd.f32 v15, v13  }
0xa0: {  	v15 =	vadd.f32 v18, v17;
	v13 =	vld [tilespmem:s15+$0x30];
	[tilespmem:s16+$0x0] =	vst v17  }
0xa1: {  	v17 =	vld [tilespmem:s15+$0x0];
	v14 =	vadd.f32 v14, v16;
	[tilespmem:s16+$0x10] =	vst v16  }
0xa2: {  	[tilespmem:s15+$0x60] =	vst v15;
	v12 =	vadd.f32 v12, v15;
	v15 =	vld [tilespmem:s15+$0x10]  }
0xa3: {  	[tilespmem:s15+$0x70] =	vst v14;
	v10 =	vadd.f32 v10, v14  }
0xa4: {  	[tilespmem:s15+$0x40] =	vst v12;
	v11 =	vadd.f32 v11, v12  }
0xa5: {  	[tilespmem:s15+$0x50] =	vst v10;
	v10 =	vadd.f32 v13, v10  }
0xa6: {  	[tilespmem:s15+$0x20] =	vst v11;
	v11 =	vadd.f32 v17, v11  }
0xa7: {  	[tilespmem:s15+$0x30] =	vst v10;
	v10 =	vadd.f32 v15, v10  }
0xa8: {  	[tilespmem:s15+$0x0] =	vst v11  }
0xa9: {  	[tilespmem:s15+$0x10] =	vst v10  }
0xaa: {  	v12 =	vld.idx.msk [tilespmem:v3+s9+$0x0], $0xffff;
	_ =	sdelay $0x1  }
0xab: {  	v13 =	vld.idx.msk [tilespmem:v6+s9+$0x0], $0xffff  }
0xac: {  	v14 =	vmul.f32 $8.600000140e-01, v11;
	_ =	sdelay $0x1  }
0xad: {  	v15 =	vimm.s32 $0x0;
	vm0 =	vge.f32 v12, v14;
	v12 =	vmul.f32 $8.600000140e-01, v10  }
0xae: {  	v16 =	vsel vm0, $0x400, v15  }
0xaf: {  	v17 =	vsel vm0, $0x7FF, v4;
	v18 =	vor.u32 $0x1, v16;
	vm7 =	vge.f32 v13, v12  }
0xb0: {  	v13 =	vadd.s32 v17, v18;
	v19 =	vsel vm7, $0x400, v15  }
0xb1: {  	v20 =	vsel vm7, $0x7FF, v4;
	v13 =	vshll.u32 v13, $0x4;
	v21 =	vor.u32 $0x1, v19  }
0xb2: {  	v13 =	vor.u32 v0, v13;
	v22 =	vadd.s32 v20, v21  }
0xb3: {  	v22 =	vshll.u32 v22, $0x4  }
0xb4: {  	v22 =	vor.u32 v2, v22;
	_ =	sdelay $0x2  }
0xb5: {  	v13 =	vld.idx.msk [tilespmem:v13+s9+$0x0], $0xffff  }
0xb6: {  	v23 =	vadd.s32 $0xFFFFFFFF, v17  }
0xb7: {  	v18 =	vadd.s32 v23, v18;
	v22 =	vld.idx.msk [tilespmem:v22+s9+$0x0], $0xffff  }
0xb8: {  	v18 =	vadd.s32 $0x1, v18;
	v23 =	vadd.s32 $0xFFFFFFFF, v20  }
0xb9: {  	v21 =	vadd.s32 v23, v21;
	v18 =	vshrl.u32 v18, $0x1  }
0xba: {  	v21 =	vadd.s32 $0x1, v21;
	vm8 =	vge.f32 v13, v14;
	v13 =	vadd.s32 $0xFFFFFFFF, v18  }
0xbb: {  	v16 =	vsel vm8, v18, v16;
	v13 =	vsel vm8, v17, v13;
	v17 =	vshrl.u32 v21, $0x1  }
0xbc: {  	v18 =	vadd.s32 v16, v13;
	vm9 =	vge.f32 v22, v12;
	v21 =	vadd.s32 $0xFFFFFFFF, v17  }
0xbd: {  	v18 =	vadd.s32 $0x1, v18;
	v17 =	vsel vm9, v17, v19;
	v19 =	vsel vm9, v20, v21  }
0xbe: {  	v18 =	vshrl.u32 v18, $0x1;
	v20 =	vadd.s32 v17, v19  }
0xbf: {  	v21 =	vshll.u32 v18, $0x5;
	v20 =	vadd.s32 $0x1, v20  }
0xc0: {  	v21 =	vor.u32 v0, v21;
	v20 =	vshrl.u32 v20, $0x1  }
0xc1: {  	v22 =	vshll.u32 v20, $0x5  }
0xc2: {  	v22 =	vor.u32 v2, v22;
	_ =	sdelay $0x2  }
0xc3: {  	v21 =	vld.idx.msk [tilespmem:v21+s9+$0x0], $0xffff;
	_ =	sdelay $0x1  }
0xc4: {  	v22 =	vld.idx.msk [tilespmem:v22+s9+$0x0], $0xffff;
	_ =	sdelay $0x2  }
0xc5: {  	vm10 =	vge.f32 v21, v14;
	v21 =	vadd.s32 $0xFFFFFFFF, v18  }
0xc6: {  	v16 =	vsel vm10, v18, v16;
	v13 =	vsel vm10, v13, v21  }
0xc7: {  	v21 =	vadd.s32 $0xFFFFFFFF, v20;
	v18 =	vadd.s32 v13, v16;
	vm11 =	vge.f32 v22, v12  }
0xc8: {  	v18 =	vadd.s32 $0x1, v18;
	v17 =	vsel vm11, v20, v17;
	v19 =	vsel vm11, v19, v21  }
0xc9: {  	v18 =	vshrl.u32 v18, $0x1;
	v20 =	vadd.s32 v19, v17  }
0xca: {  	v21 =	vshll.u32 v18, $0x5;
	v20 =	vadd.s32 $0x1, v20  }
0xcb: {  	v21 =	vor.u32 v0, v21;
	v20 =	vshrl.u32 v20, $0x1  }
0xcc: {  	v22 =	vshll.u32 v20, $0x5  }
0xcd: {  	v22 =	vor.u32 v2, v22;
	_ =	sdelay $0x2  }
0xce: {  	v21 =	vld.idx.msk [tilespmem:v21+s9+$0x0], $0xffff;
	_ =	sdelay $0x1  }
0xcf: {  	v22 =	vld.idx.msk [tilespmem:v22+s9+$0x0], $0xffff;
	_ =	sdelay $0x2  }
0xd0: {  	vm12 =	vge.f32 v21, v14;
	v21 =	vadd.s32 $0xFFFFFFFF, v18  }
0xd1: {  	v16 =	vsel vm12, v18, v16;
	v13 =	vsel vm12, v13, v21  }
0xd2: {  	v21 =	vadd.s32 $0xFFFFFFFF, v20;
	v18 =	vadd.s32 v13, v16;
	vm13 =	vge.f32 v22, v12  }
0xd3: {  	v18 =	vadd.s32 $0x1, v18;
	v17 =	vsel vm13, v20, v17;
	v19 =	vsel vm13, v19, v21  }
0xd4: {  	v18 =	vshrl.u32 v18, $0x1;
	v20 =	vadd.s32 v19, v17  }
0xd5: {  	v21 =	vshll.u32 v18, $0x5;
	v20 =	vadd.s32 $0x1, v20  }
0xd6: {  	v21 =	vor.u32 v0, v21;
	v20 =	vshrl.u32 v20, $0x1  }
0xd7: {  	v22 =	vshll.u32 v20, $0x5  }
0xd8: {  	v22 =	vor.u32 v2, v22;
	_ =	sdelay $0x2  }
0xd9: {  	v21 =	vld.idx.msk [tilespmem:v21+s9+$0x0], $0xffff;
	_ =	sdelay $0x1  }
0xda: {  	v22 =	vld.idx.msk [tilespmem:v22+s9+$0x0], $0xffff;
	_ =	sdelay $0x2  }
0xdb: {  	vm14 =	vge.f32 v21, v14;
	v21 =	vadd.s32 $0xFFFFFFFF, v18  }
0xdc: {  	v16 =	vsel vm14, v18, v16;
	v13 =	vsel vm14, v13, v21  }
0xdd: {  	v21 =	vadd.s32 $0xFFFFFFFF, v20;
	v18 =	vadd.s32 v13, v16;
	vm15 =	vge.f32 v22, v12  }
0xde: {  	v18 =	vadd.s32 $0x1, v18;
	v17 =	vsel vm15, v20, v17;
	v19 =	vsel vm15, v19, v21  }
0xdf: {  	v18 =	vshrl.u32 v18, $0x1;
	v20 =	vadd.s32 v19, v17  }
0xe0: {  	v21 =	vshll.u32 v18, $0x5;
	v20 =	vadd.s32 $0x1, v20  }
0xe1: {  	v21 =	vor.u32 v0, v21;
	v20 =	vshrl.u32 v20, $0x1  }
0xe2: {  	v22 =	vshll.u32 v20, $0x5  }
0xe3: {  	v22 =	vor.u32 v2, v22;
	_ =	sdelay $0x2  }
0xe4: {  	v21 =	vld.idx.msk [tilespmem:v21+s9+$0x0], $0xffff;
	_ =	sdelay $0x1  }
0xe5: {  	v22 =	vld.idx.msk [tilespmem:v22+s9+$0x0], $0xffff;
	_ =	sdelay $0x2  }
0xe6: {  	vm4 =	vge.f32 v21, v14;
	v21 =	vadd.s32 $0xFFFFFFFF, v18  }
0xe7: {  	v16 =	vsel vm4, v18, v16;
	v13 =	vsel vm4, v13, v21  }
0xe8: {  	v21 =	vadd.s32 $0xFFFFFFFF, v20;
	v18 =	vadd.s32 v13, v16;
	vm5 =	vge.f32 v22, v12  }
0xe9: {  	v18 =	vadd.s32 $0x1, v18;
	v17 =	vsel vm5, v20, v17;
	v19 =	vsel vm5, v19, v21  }
0xea: {  	v18 =	vshrl.u32 v18, $0x1;
	v20 =	vadd.s32 v19, v17  }
0xeb: {  	v21 =	vshll.u32 v18, $0x5;
	v20 =	vadd.s32 $0x1, v20  }
0xec: {  	v21 =	vor.u32 v0, v21;
	v20 =	vshrl.u32 v20, $0x1  }
0xed: {  	v22 =	vshll.u32 v20, $0x5  }
0xee: {  	v22 =	vor.u32 v2, v22;
	_ =	sdelay $0x2  }
0xef: {  	v21 =	vld.idx.msk [tilespmem:v21+s9+$0x0], $0xffff;
	_ =	sdelay $0x1  }
0xf0: {  	v22 =	vld.idx.msk [tilespmem:v22+s9+$0x0], $0xffff;
	_ =	sdelay $0x2  }
0xf1: {  	vm6 =	vge.f32 v21, v14;
	v21 =	vadd.s32 $0xFFFFFFFF, v18  }
0xf2: {  	v16 =	vsel vm6, v18, v16;
	v13 =	vsel vm6, v13, v21  }
0xf3: {  	v21 =	vadd.s32 $0xFFFFFFFF, v20;
	v18 =	vadd.s32 v13, v16;
	vm7 =	vge.f32 v22, v12  }
0xf4: {  	v18 =	vadd.s32 $0x1, v18;
	v17 =	vsel vm7, v20, v17;
	v19 =	vsel vm7, v19, v21  }
0xf5: {  	v18 =	vshrl.u32 v18, $0x1;
	v20 =	vadd.s32 v19, v17  }
0xf6: {  	v21 =	vshll.u32 v18, $0x5;
	v20 =	vadd.s32 $0x1, v20  }
0xf7: {  	v21 =	vor.u32 v0, v21;
	v20 =	vshrl.u32 v20, $0x1  }
0xf8: {  	v22 =	vshll.u32 v20, $0x5  }
0xf9: {  	v22 =	vor.u32 v2, v22;
	_ =	sdelay $0x2  }
0xfa: {  	v21 =	vld.idx.msk [tilespmem:v21+s9+$0x0], $0xffff;
	_ =	sdelay $0x1  }
0xfb: {  	v22 =	vld.idx.msk [tilespmem:v22+s9+$0x0], $0xffff;
	_ =	sdelay $0x2  }
0xfc: {  	vm8 =	vge.f32 v21, v14;
	v21 =	vadd.s32 $0xFFFFFFFF, v18  }
0xfd: {  	v16 =	vsel vm8, v18, v16;
	v13 =	vsel vm8, v13, v21  }
0xfe: {  	v21 =	vadd.s32 $0xFFFFFFFF, v20;
	v18 =	vadd.s32 v13, v16;
	vm9 =	vge.f32 v22, v12  }
0xff: {  	v18 =	vadd.s32 $0x1, v18;
	v17 =	vsel vm9, v20, v17;
	v19 =	vsel vm9, v19, v21  }
0x100: {  	v18 =	vshrl.u32 v18, $0x1;
	v20 =	vadd.s32 v19, v17  }
0x101: {  	v21 =	vshll.u32 v18, $0x5;
	v20 =	vadd.s32 $0x1, v20  }
0x102: {  	v21 =	vor.u32 v0, v21;
	v20 =	vshrl.u32 v20, $0x1  }
0x103: {  	v22 =	vshll.u32 v20, $0x5  }
0x104: {  	v22 =	vor.u32 v2, v22;
	_ =	sdelay $0x2  }
0x105: {  	v21 =	vld.idx.msk [tilespmem:v21+s9+$0x0], $0xffff;
	_ =	sdelay $0x1  }
0x106: {  	v22 =	vld.idx.msk [tilespmem:v22+s9+$0x0], $0xffff;
	_ =	sdelay $0x2  }
0x107: {  	vm10 =	vge.f32 v21, v14;
	v21 =	vadd.s32 $0xFFFFFFFF, v18  }
0x108: {  	v16 =	vsel vm10, v18, v16;
	v13 =	vsel vm10, v13, v21  }
0x109: {  	v21 =	vadd.s32 $0xFFFFFFFF, v20;
	v18 =	vadd.s32 v13, v16;
	vm11 =	vge.f32 v22, v12  }
0x10a: {  	v18 =	vadd.s32 $0x1, v18;
	v17 =	vsel vm11, v20, v17;
	v19 =	vsel vm11, v19, v21  }
0x10b: {  	v18 =	vshrl.u32 v18, $0x1;
	v20 =	vadd.s32 v19, v17  }
0x10c: {  	v21 =	vshll.u32 v18, $0x5;
	v20 =	vadd.s32 $0x1, v20  }
0x10d: {  	v21 =	vor.u32 v0, v21;
	v20 =	vshrl.u32 v20, $0x1  }
0x10e: {  	v22 =	vshll.u32 v20, $0x5  }
0x10f: {  	v22 =	vor.u32 v2, v22;
	_ =	sdelay $0x2  }
0x110: {  	v21 =	vld.idx.msk [tilespmem:v21+s9+$0x0], $0xffff;
	_ =	sdelay $0x1  }
0x111: {  	v22 =	vld.idx.msk [tilespmem:v22+s9+$0x0], $0xffff;
	_ =	sdelay $0x2  }
0x112: {  	vm12 =	vge.f32 v21, v14  }
0x113: {  	v16 =	vsel vm12, v18, v16;
	v18 =	vadd.s32 $0xFFFFFFFF, v18  }
0x114: {  	v13 =	vsel vm12, v13, v18;
	vm13 =	vge.f32 v22, v12;
	v18 =	vadd.s32 $0xFFFFFFFF, v20  }
0x115: {  	v13 =	vadd.s32 v13, v16;
	v17 =	vsel vm13, v20, v17;
	v18 =	vsel vm13, v19, v18  }
0x116: {  	v13 =	vadd.s32 $0x1, v13;
	v18 =	vadd.s32 v18, v17  }
0x117: {  	v13 =	vshrl.u32 v13, $0x1;
	v18 =	vadd.s32 $0x1, v18  }
0x118: {  	v19 =	vshll.u32 v13, $0x5;
	v18 =	vshrl.u32 v18, $0x1  }
0x119: {  	v19 =	vor.u32 v0, v19;
	v20 =	vshll.u32 v18, $0x5  }
0x11a: {  	v20 =	vor.u32 v2, v20;
	_ =	sdelay $0x3  }
0x11b: {  	v19 =	vld.idx.msk [tilespmem:v19+s9+$0x0], $0xffff  }
0x11c: {  	v20 =	vld.idx.msk [tilespmem:v20+s9+$0x0], $0xffff;
	_ =	sdelay $0x3  }
0x11d: {  	vm14 =	vge.f32 v19, v14  }
0x11e: {  	v16 =	vsel vm14, v13, v16;
	vm15 =	vge.f32 v20, v12  }
0x11f: {  	v19 =	vshll.u32 v16, $0x5;
	v13 =	vsel vm15, v18, v17  }
0x120: {  	v17 =	vadd.s32 v5, v19;
	v18 =	vshll.u32 v13, $0x5  }
0x121: {  	v19 =	vadd.s32 v7, v18;
	_ =	sdelay $0x3  }
0x122: {  	v18 =	vld.idx.msk [tilespmem:v17+s9+$0x0], $0xffff  }
0x123: {  	s15 =	simm.s32 $0x0;
	v21 =	vimm.s32 $0x0;
	v17 =	vld.idx.msk [tilespmem:v19+s9+$0x0], $0xffff  }
.LBB2_13:
0x124: {  	s16 =	sshll.u32 s15, $0xB  }
0x125: {  	s16 =	sadd.s32 s16, s14  }
0x126: {  	[tilespmem:s2], [sflag:$0x1] =	stream.linear.gather [hbm4b:s16+s2], $0x4000, $0x38;
	[tilespmem:$0x1C280] =	vst v63  }
0x127: {  	_ =	swait.ge [sflag:s8], $0x4000  }
0x128: {  	[sflag:s8] =	ssyncset.done $0x0  }
0x129: {  	s31 =	simm.s32 $0x80;
	[sflag:s8] =	ssyncadd.s32 $0xFFFFC000  }
0x12a: {  	v19 =	vld [tilespmem:s31+$0x60]  }
0x12b: {  	v20 =	vld [tilespmem:s31+$0x70]  }
0x12c: {  	v22 =	vld [tilespmem:s31+$0x40]  }
0x12d: {  	v23 =	vld [tilespmem:s31+$0x50]  }
0x12e: {  	v24 =	vld [tilespmem:s31+$0xFFFFFF80];
	_ =	sdelay $0x1  }
0x12f: {  	v25 =	vld [tilespmem:s31+$0xFFFFFF90];
	v19 =	vmul.f32 $1.442695020e+00, v19  }
0x130: {  	v26 =	vld [tilespmem:s31+$0x20];
	v20 =	vmul.f32 $1.442695020e+00, v20;
	v22 =	vmul.f32 $1.442695020e+00, v22  }
0x131: {  	v27 =	vld [tilespmem:s31+$0xFFFFFFA0];
	v23 =	vmul.f32 $1.442695020e+00, v23;
	(erf) = vpow2.f32 v19  }
0x132: {  	(erf) = vpow2.f32 v20;
	v20 =	vmul.f32 $1.442695020e+00, v24;
	v24 =	vld [tilespmem:s31+$0x30]  }
0x133: {  	v19 =	vld [tilespmem:s31+$0xFFFFFFB0];
	(erf) = vpow2.f32 v22  }
0x134: {  	v22 =	vmul.f32 $1.442695020e+00, v25;
	(erf) = vpow2.f32 v23  }
0x135: {  	(erf) = vpow2.f32 v20  }
0x136: {  	v26 =	vmul.f32 $1.442695020e+00, v26;
	v25 =	vld [tilespmem:s31+$0x0];
	(erf) = vpow2.f32 v22  }
0x137: {  	v23 =	vld [tilespmem:s31+$0xFFFFFFC0];
	v20 =	vmul.f32 $1.442695020e+00, v27;
	v24 =	vmul.f32 $1.442695020e+00, v24  }
0x138: {  	v19 =	vmul.f32 $1.442695020e+00, v19;
	v22 =	vld [tilespmem:s31+$0x10];
	(erf) = vpow2.f32 v26  }
0x139: {  	(erf) = vpow2.f32 v20  }
0x13a: {  	v28 =	vld [tilespmem:s31+$0xFFFFFFD0];
	(erf) = vpow2.f32 v19;
	v27 =	vpop (erf)  }
0x13b: {  	v26 =	vld [tilespmem:s31+$0xFFFFFFE0];
	v25 =	vmul.f32 $1.442695020e+00, v25;
	(erf) = vpow2.f32 v24;
	v24 =	vpop (erf)  }
0x13c: {  	v20 =	vld [tilespmem:s31+$0xFFFFFFF0];
	v19 =	vmul.f32 $1.442695020e+00, v23;
	v23 =	vpop (erf)  }
0x13d: {  	vm1 =	vlt.s32 v21, $0x208;
	(erf) = vpow2.f32 v25;
	v29 =	vmul.f32 $1.442695020e+00, v22;
	v22 =	vpop (erf)  }
0x13e: {  	vm3 =	vlt.s32 v15, $0x208;
	(erf) = vpow2.f32 v19;
	v19 =	vshll.u32 v15, $0x5;
	v44 =	vpop (erf)  }
0x13f: {  	v28 =	vmul.f32 $1.442695020e+00, v28;
	v48 =	vor.u32 v2, v19;
	v19 =	vshrl.u32 v44, $0x14;
	v50 =	vpop (erf)  }
0x140: {  	v26 =	vmul.f32 $1.442695020e+00, v26;
	vm0 =	veq.s32 v19, v16;
	v19 =	vshrl.u32 v50, $0x14  }
0x141: {  	(erf) = vpow2.f32 v28;
	v20 =	vmul.f32 $1.442695020e+00, v20;
	vm2 =	veq.s32 v19, v13  }
0x142: {  	vm11 =	vmand vm1, vm0;
	v19 =	vimm.s32 $0x0;
	vm0 =	vmand vm3, vm2  }
0x143: {  	(erf) = vpow2.f32 v29;
	v19 =	vsel vm0, $0xFFFFFFFF, v19  }
0x144: {  	(erf) = vpow2.f32 v26;
	v26 =	vpop (erf)  }
0x145: {  	v25 =	vshll.u32 v21, $0x5;
	(erf) = vpow2.f32 v20;
	v20 =	vpop (erf);
	v28 =	vsel vm11, $0x1, v8  }
0x146: {  	v41 =	vor.u32 v0, v25;
	v25 =	vshrl.u32 v20, $0x14;
	v33 =	vadd.s32 v28, v21;
	[tilespmem:$0x1FFF0] =	vst v19;
	v19 =	vpop (erf)  }
0x147: {  	v29 =	vsel vm0, $0x1, v8;
	vm0 =	veq.s32 v25, v16;
	vm1 =	vlt.s32 v33, $0x208;
	v30 =	vpop (erf)  }
0x148: {  	v32 =	vadd.s32 v29, v15;
	vm6 =	vmand vm1, vm0;
	v28 =	vpop (erf)  }
0x149: {  	vm3 =	vlt.s32 v32, $0x208;
	v29 =	vsel vm6, $0x1, v8;
	v31 =	vshrl.u32 v19, $0x14;
	v15 =	vpop (erf)  }
0x14a: {  	v35 =	vadd.s32 v29, v33;
	vm2 =	veq.s32 v31, v13;
	v25 =	vshrl.u32 v15, $0x14  }
0x14b: {  	vm1 =	vlt.s32 v35, $0x208;
	vm5 =	vmand vm3, vm2;
	v21 =	vpop (erf);
	vm0 =	veq.s32 v25, v16  }
0x14c: {  	v34 =	vsel vm5, $0x1, v8;
	v36 =	vshrl.u32 v21, $0x14;
	v31 =	vpop (erf);
	vm9 =	vmand vm1, vm0  }
0x14d: {  	v34 =	vadd.s32 v34, v32;
	v29 =	vpop (erf);
	vm2 =	veq.s32 v36, v13;
	v52 =	vsel vm9, $0x1, v8  }
0x14e: {  	vm3 =	vlt.s32 v34, $0x208;
	v38 =	vshrl.u32 v29, $0x14;
	v37 =	vadd.s32 v52, v35  }
0x14f: {  	vm2 =	vmand vm3, vm2;
	vm0 =	veq.s32 v38, v16;
	vm1 =	vlt.s32 v37, $0x208  }
0x150: {  	v53 =	vshrl.u32 v28, $0x14;
	v25 =	vpop (erf);
	v39 =	vsel vm2, $0x1, v8;
	vm1 =	vmand vm1, vm0  }
0x151: {  	v40 =	vshrl.u32 v25, $0x14;
	v36 =	vadd.s32 v39, v34;
	v54 =	vsel vm1, $0x1, v8  }
0x152: {  	vm3 =	veq.s32 v40, v13;
	vm4 =	vlt.s32 v36, $0x208;
	v39 =	vadd.s32 v54, v37  }
0x153: {  	vm0 =	vmand vm4, vm3;
	vm3 =	veq.s32 v53, v16;
	vm4 =	vlt.s32 v39, $0x208  }
0x154: {  	v55 =	vshrl.u32 v26, $0x14;
	v42 =	vsel vm0, $0x1, v8;
	vm4 =	vmand vm4, vm3  }
0x155: {  	v43 =	vshrl.u32 v31, $0x14;
	v38 =	vadd.s32 v42, v36;
	v56 =	vsel vm4, $0x1, v8  }
0x156: {  	vm7 =	veq.s32 v43, v13;
	vm10 =	vlt.s32 v38, $0x208;
	v47 =	vadd.s32 v56, v39  }
0x157: {  	vm3 =	vmand vm10, vm7;
	vm7 =	veq.s32 v55, v16;
	vm10 =	vlt.s32 v47, $0x208  }
0x158: {  	v58 =	vshrl.u32 v23, $0x14;
	v57 =	vsel vm3, $0x1, v8;
	vm10 =	vmand vm10, vm7  }
0x159: {  	[tilespmem:v41+s10+$0x0] =	vst.idx.msk vm11, v44;
	v46 =	vshrl.u32 v30, $0x14;
	v45 =	vadd.s32 v57, v38;
	v59 =	vsel vm10, $0x1, v8  }
0x15a: {  	[tilespmem:v41+s11+$0x0] =	vst.idx.msk vm11, v44;
	vm12 =	veq.s32 v46, v13;
	vm13 =	vlt.s32 v45, $0x208;
	v46 =	vadd.s32 v59, v47  }
0x15b: {  	v41 =	vld [tilespmem:$0x1FFF0];
	vm7 =	vmand vm13, vm12;
	vm12 =	veq.s32 v58, v16;
	vm13 =	vlt.s32 v46, $0x208  }
0x15c: {  	v61 =	vshrl.u32 v27, $0x14;
	v60 =	vsel vm7, $0x1, v8;
	vm14 =	vmand vm13, vm12  }
0x15d: {  	v49 =	vshrl.u32 v22, $0x14;
	v43 =	vadd.s32 v60, v45;
	v62 =	vsel vm14, $0x1, v8  }
0x15e: {  	vm15 =	veq.s32 v49, v13;
	vm8 =	vlt.s32 v43, $0x208;
	v40 =	vadd.s32 v62, v46  }
0x15f: {  	vm13 =	vmand vm8, vm15;
	vm8 =	veq.s32 v61, v16;
	vm11 =	vlt.s32 v40, $0x208  }
0x160: {  	vm8 =	vmand vm11, vm8;
	vm11 =	vnez.u8 v41;
	_ =	sdelay $0x2  }
0x161: {  	v63 =	vsel vm13, $0x1, v8  }
0x162: {  	v51 =	vshrl.u32 v24, $0x14;
	v42 =	vadd.s32 v63, v43  }
0x163: {  	vm12 =	veq.s32 v51, v13;
	vm15 =	vlt.s32 v42, $0x208  }
0x164: {  	v49 =	vshll.u32 v40, $0x5;
	vm15 =	vmand vm15, vm12;
	[tilespmem:v48+s10+$0x0] =	vst.idx.msk vm11, v50  }
0x165: {  	s17 =	simm.s32 $0x180;
	s16 =	simm.s32 $0x0;
	v41 =	vsel vm8, $0x1, v8;
	v44 =	vsel vm15, $0x1, v8;
	[tilespmem:v48+s11+$0x0] =	vst.idx.msk vm11, v50;
	v48 =	vshll.u32 v42, $0x5  }
.LBB2_14:
0x166: {  	v46 =	vshll.u32 v46, $0x5  }
0x167: {  	v41 =	vadd.s32 v41, v40;
	v42 =	vadd.s32 v44, v42;
	vm11 =	vmmov vm6  }
0x168: {  	v50 =	vld [tilespmem:s17+$0x60];
	vm6 =	vmmov vm5;
	v62 =	vimm.s32 $0x0;
	vm12 =	vmmov vm9  }
0x169: {  	v63 =	vld [tilespmem:s17+$0x70];
	v60 =	vshll.u32 v47, $0x5;
	v45 =	vshll.u32 v45, $0x5;
	v43 =	vshll.u32 v43, $0x5  }
0x16a: {  	v61 =	vld [tilespmem:s17+$0x40];
	v37 =	vshll.u32 v37, $0x5;
	v39 =	vshll.u32 v39, $0x5;
	v38 =	vshll.u32 v38, $0x5  }
0x16b: {  	v51 =	vld [tilespmem:s17+$0x50];
	v35 =	vshll.u32 v35, $0x5;
	v34 =	vshll.u32 v34, $0x5;
	v36 =	vshll.u32 v36, $0x5  }
0x16c: {  	v52 =	vld [tilespmem:s17+$0xFFFFFF80];
	v33 =	vshll.u32 v33, $0x5;
	v32 =	vshll.u32 v32, $0x5;
	v49 =	vor.u32 v0, v49  }
0x16d: {  	v54 =	vld [tilespmem:s17+$0xFFFFFF90];
	v48 =	vor.u32 v2, v48;
	v40 =	vsel vm6, $0xFFFFFFFF, v62;
	v50 =	vmul.f32 $1.442695020e+00, v50  }
0x16e: {  	v56 =	vld [tilespmem:s17+$0x20];
	v53 =	vshll.u32 v41, $0x5;
	v55 =	vshll.u32 v42, $0x5;
	[tilespmem:$0x1FFE0] =	vst v40;
	v40 =	vmul.f32 $1.442695020e+00, v63  }
0x16f: {  	v57 =	vld [tilespmem:s17+$0xFFFFFFA0];
	v46 =	vor.u32 v0, v46;
	v47 =	vmul.f32 $1.442695020e+00, v61;
	(erf) = vpow2.f32 v50  }
0x170: {  	v43 =	vor.u32 v2, v43;
	v51 =	vmul.f32 $1.442695020e+00, v51;
	v50 =	vld [tilespmem:s17+$0xFFFFFFB0];
	(erf) = vpow2.f32 v40  }
0x171: {  	v44 =	vor.u32 v0, v60;
	v62 =	vmul.f32 $1.442695020e+00, v52;
	v63 =	vld [tilespmem:s17+$0x30];
	(erf) = vpow2.f32 v47  }
0x172: {  	v39 =	vor.u32 v0, v39;
	v60 =	vmul.f32 $1.442695020e+00, v54;
	v61 =	vld [tilespmem:s17+$0x0];
	(erf) = vpow2.f32 v51  }
0x173: {  	v38 =	vor.u32 v2, v38;
	[tilespmem:v49+s10+$0x0] =	vst.idx.msk vm8, v27;
	v56 =	vmul.f32 $1.442695020e+00, v56;
	v51 =	vld [tilespmem:s17+$0xFFFFFFC0];
	(erf) = vpow2.f32 v62  }
0x174: {  	v37 =	vor.u32 v0, v37;
	[tilespmem:v49+s11+$0x0] =	vst.idx.msk vm8, v27;
	v27 =	vmul.f32 $1.442695020e+00, v57;
	v40 =	vld [tilespmem:s17+$0xFFFFFFD0];
	(erf) = vpow2.f32 v60  }
0x175: {  	v36 =	vor.u32 v2, v36;
	[tilespmem:v46+s10+$0x0] =	vst.idx.msk vm14, v23;
	v62 =	vmul.f32 $1.442695020e+00, v50;
	(erf) = vpow2.f32 v56  }
0x176: {  	vm5 =	vlt.s32 v41, $0x208;
	v49 =	vld [tilespmem:s17+$0x10];
	[tilespmem:v48+s10+$0x0] =	vst.idx.msk vm15, v24;
	v63 =	vmul.f32 $1.442695020e+00, v63;
	(erf) = vpow2.f32 v27  }
0x177: {  	vm9 =	vlt.s32 v42, $0x208;
	[tilespmem:v48+s11+$0x0] =	vst.idx.msk vm15, v24;
	v48 =	vld [tilespmem:s17+$0xFFFFFFE0];
	v61 =	vmul.f32 $1.442695020e+00, v61;
	(erf) = vpow2.f32 v62  }
0x178: {  	[tilespmem:v44+s10+$0x0] =	vst.idx.msk vm10, v26;
	v47 =	vor.u32 v2, v45;
	v60 =	vld [tilespmem:s17+$0xFFFFFFF0];
	v62 =	vmul.f32 $1.442695020e+00, v51;
	(erf) = vpow2.f32 v63;
	v27 =	vpop (erf)  }
0x179: {  	v54 =	vor.u32 v2, v34;
	[tilespmem:v46+s11+$0x0] =	vst.idx.msk vm14, v23;
	v63 =	vmul.f32 $1.442695020e+00, v40;
	(erf) = vpow2.f32 v61;
	v24 =	vpop (erf)  }
0x17a: {  	vm8 =	vmmov vm2;
	[tilespmem:v43+s10+$0x0] =	vst.idx.msk vm13, v22;
	v45 =	vor.u32 v2, v32;
	(erf) = vpow2.f32 v62;
	v23 =	vpop (erf)  }
0x17b: {  	[tilespmem:v43+s11+$0x0] =	vst.idx.msk vm13, v22;
	v43 =	vor.u32 v0, v53;
	v52 =	vmul.f32 $1.442695020e+00, v49;
	(erf) = vpow2.f32 v63;
	v22 =	vpop (erf)  }
0x17c: {  	[tilespmem:v44+s11+$0x0] =	vst.idx.msk vm10, v26;
	v50 =	vor.u32 v0, v35;
	v53 =	vmul.f32 $1.442695020e+00, v48;
	v51 =	vor.u32 v0, v33;
	v46 =	vpop (erf)  }
0x17d: {  	[tilespmem:v47+s10+$0x0] =	vst.idx.msk vm7, v30;
	v40 =	vor.u32 v2, v55;
	v55 =	vmul.f32 $1.442695020e+00, v60;
	(erf) = vpow2.f32 v52;
	v44 =	vpop (erf)  }
0x17e: {  	[tilespmem:v47+s11+$0x0] =	vst.idx.msk vm7, v30;
	v56 =	vshrl.u32 v46, $0x14;
	(erf) = vpow2.f32 v53;
	v30 =	vshrl.u32 v44, $0x14;
	v26 =	vpop (erf)  }
0x17f: {  	[tilespmem:v39+s10+$0x0] =	vst.idx.msk vm4, v28;
	vm2 =	veq.s32 v56, v16;
	(erf) = vpow2.f32 v55;
	vm6 =	veq.s32 v30, v13;
	v47 =	vpop (erf)  }
0x180: {  	[tilespmem:v39+s11+$0x0] =	vst.idx.msk vm4, v28;
	vm7 =	vmand vm5, vm2;
	vm13 =	vmand vm9, vm6;
	v57 =	vshrl.u32 v47, $0x14;
	v48 =	vpop (erf)  }
0x181: {  	[tilespmem:v38+s10+$0x0] =	vst.idx.msk vm3, v31;
	v58 =	vsel vm7, $0x1, v8;
	v59 =	vsel vm13, $0x1, v8;
	v60 =	vshrl.u32 v48, $0x14;
	v30 =	vpop (erf)  }
0x182: {  	v33 =	vadd.s32 v58, v41;
	vm2 =	veq.s32 v57, v16;
	v32 =	vadd.s32 v59, v42;
	v28 =	vpop (erf)  }
0x183: {  	[tilespmem:v38+s11+$0x0] =	vst.idx.msk vm3, v31;
	vm3 =	vlt.s32 v33, $0x208;
	vm4 =	veq.s32 v60, v13;
	vm5 =	vlt.s32 v32, $0x208;
	v61 =	vpop (erf)  }
0x184: {  	[tilespmem:v37+s10+$0x0] =	vst.idx.msk vm1, v29;
	vm6 =	vmand vm3, vm2;
	vm5 =	vmand vm5, vm4;
	v62 =	vshrl.u32 v61, $0x14;
	v63 =	vpop (erf)  }
0x185: {  	[tilespmem:v37+s11+$0x0] =	vst.idx.msk vm1, v29;
	v49 =	vsel vm6, $0x1, v8;
	v52 =	vsel vm5, $0x1, v8;
	v53 =	vshrl.u32 v63, $0x14  }
0x186: {  	v31 =	vpop (erf);
	v35 =	vadd.s32 v49, v33;
	vm1 =	veq.s32 v62, v16;
	v34 =	vadd.s32 v52, v32  }
0x187: {  	[tilespmem:v36+s10+$0x0] =	vst.idx.msk vm0, v25;
	v29 =	vpop (erf);
	vm2 =	vlt.s32 v35, $0x208;
	vm3 =	veq.s32 v53, v13;
	vm4 =	vlt.s32 v34, $0x208  }
0x188: {  	[tilespmem:v36+s11+$0x0] =	vst.idx.msk vm0, v25;
	v25 =	vpop (erf);
	vm9 =	vmand vm2, vm1;
	v55 =	vshrl.u32 v29, $0x14;
	vm2 =	vmand vm4, vm3  }
0x189: {  	[tilespmem:v50+s10+$0x0] =	vst.idx.msk vm12, v15;
	v56 =	vsel vm9, $0x1, v8;
	v58 =	vshrl.u32 v25, $0x14;
	v57 =	vsel vm2, $0x1, v8  }
0x18a: {  	vm0 =	veq.s32 v55, v16;
	v37 =	vadd.s32 v56, v35;
	v36 =	vadd.s32 v57, v34  }
0x18b: {  	[tilespmem:v50+s11+$0x0] =	vst.idx.msk vm12, v15;
	v52 =	vld [tilespmem:$0x1FFE0];
	vm3 =	veq.s32 v58, v13;
	vm1 =	vlt.s32 v37, $0x208;
	vm4 =	vlt.s32 v36, $0x208  }
0x18c: {  	[tilespmem:v54+s10+$0x0] =	vst.idx.msk vm8, v21;
	v59 =	vshrl.u32 v28, $0x14;
	vm1 =	vmand vm1, vm0;
	vm0 =	vmand vm4, vm3  }
0x18d: {  	[tilespmem:v54+s11+$0x0] =	vst.idx.msk vm8, v21;
	v15 =	vmovc v61;
	v62 =	vshrl.u32 v31, $0x14;
	v60 =	vsel vm1, $0x1, v8;
	v61 =	vsel vm0, $0x1, v8  }
0x18e: {  	vm8 =	veq.s32 v62, v13;
	v39 =	vadd.s32 v60, v37;
	v38 =	vadd.s32 v61, v36  }
0x18f: {  	vm3 =	veq.s32 v59, v16;
	vm4 =	vlt.s32 v39, $0x208;
	vm10 =	vlt.s32 v38, $0x208  }
0x190: {  	vm4 =	vmand vm4, vm3;
	vm3 =	vmand vm10, vm8;
	vm8 =	vnez.u8 v52;
	_ =	sdelay $0x3  }
0x191: {  	[tilespmem:v51+s10+$0x0] =	vst.idx.msk vm11, v20  }
0x192: {  	[tilespmem:v51+s11+$0x0] =	vst.idx.msk vm11, v20;
	v20 =	vmov v47;
	v55 =	vshrl.u32 v30, $0x14  }
0x193: {  	v21 =	vmovc v63;
	vm11 =	veq.s32 v55, v13;
	v53 =	vsel vm4, $0x1, v8;
	v54 =	vsel vm3, $0x1, v8;
	[tilespmem:v45+s10+$0x0] =	vst.idx.msk vm8, v19  }
0x194: {  	v63 =	vshrl.u32 v26, $0x14;
	v47 =	vadd.s32 v53, v39;
	[tilespmem:v45+s11+$0x0] =	vst.idx.msk vm8, v19;
	v45 =	vadd.s32 v54, v38  }
0x195: {  	[tilespmem:v43+s10+$0x0] =	vst.idx.msk vm7, v46;
	vm10 =	vlt.s32 v47, $0x208;
	vm8 =	veq.s32 v63, v16;
	vm12 =	vlt.s32 v45, $0x208  }
0x196: {  	[tilespmem:v43+s11+$0x0] =	vst.idx.msk vm7, v46;
	v56 =	vshrl.u32 v23, $0x14;
	vm10 =	vmand vm10, vm8;
	vm7 =	vmand vm12, vm11  }
0x197: {  	[tilespmem:v40+s10+$0x0] =	vst.idx.msk vm13, v44;
	v59 =	vshrl.u32 v22, $0x14;
	v57 =	vsel vm10, $0x1, v8;
	v58 =	vsel vm7, $0x1, v8  }
0x198: {  	vm8 =	veq.s32 v56, v16;
	v46 =	vadd.s32 v57, v47;
	v43 =	vadd.s32 v58, v45  }
0x199: {  	s16 =	sadd.s32 $0x8, s16;
	[tilespmem:v40+s11+$0x0] =	vst.idx.msk vm13, v44;
	vm12 =	veq.s32 v59, v13;
	vm11 =	vlt.s32 v46, $0x208;
	vm13 =	vlt.s32 v43, $0x208  }
0x19a: {  	p1 =	slt.u32 s16, $0x1F8;
	v60 =	vshrl.u32 v27, $0x14;
	vm14 =	vmand vm11, vm8;
	vm13 =	vmand vm13, vm12  }
.Ltmp5:
0x19b: {  	v63 =	vshrl.u32 v24, $0x14;
	v61 =	vsel vm14, $0x1, v8;
	v62 =	vsel vm13, $0x1, v8;
	(pc) =	sbr.rel @p1 .LBB2_14-.Ltmp5, $4  }
0x19c: {  	vm8 =	veq.s32 v60, v16;
	v40 =	vadd.s32 v61, v46;
	v42 =	vadd.s32 v62, v43  }
0x19d: {  	vm12 =	veq.s32 v63, v13;
	vm11 =	vlt.s32 v40, $0x208;
	vm15 =	vlt.s32 v42, $0x208  }
0x19e: {  	v49 =	vshll.u32 v40, $0x5;
	vm8 =	vmand vm11, vm8;
	vm15 =	vmand vm15, vm12  }
0x19f: {  	s17 =	sadd.s32 $0x100, s17;
	v19 =	vmovc v48;
	v48 =	vshll.u32 v42, $0x5;
	v41 =	vsel vm8, $0x1, v8;
	v44 =	vsel vm15, $0x1, v8  }
0x1a0: {  	v49 =	vor.u32 v0, v49  }
0x1a1: {  	v46 =	vshll.u32 v46, $0x5  }
0x1a2: {  	v46 =	vor.u32 v0, v46  }
0x1a3: {  	v48 =	vor.u32 v2, v48;
	_ =	sdelay $0x1  }
0x1a4: {  	v43 =	vshll.u32 v43, $0x5;
	[tilespmem:v49+s10+$0x0] =	vst.idx.msk vm8, v27  }
0x1a5: {  	v43 =	vor.u32 v2, v43;
	[tilespmem:v49+s11+$0x0] =	vst.idx.msk vm8, v27  }
0x1a6: {  	v58 =	vshll.u32 v47, $0x5;
	[tilespmem:v46+s10+$0x0] =	vst.idx.msk vm14, v23  }
0x1a7: {  	v27 =	vor.u32 v0, v58;
	[tilespmem:v48+s10+$0x0] =	vst.idx.msk vm15, v24  }
0x1a8: {  	v59 =	vshll.u32 v45, $0x5;
	[tilespmem:v46+s11+$0x0] =	vst.idx.msk vm14, v23  }
0x1a9: {  	v23 =	vshll.u32 v39, $0x5;
	[tilespmem:v48+s11+$0x0] =	vst.idx.msk vm15, v24;
	v24 =	vor.u32 v2, v59  }
0x1aa: {  	[tilespmem:v43+s10+$0x0] =	vst.idx.msk vm13, v22;
	v23 =	vor.u32 v0, v23  }
0x1ab: {  	[tilespmem:v43+s11+$0x0] =	vst.idx.msk vm13, v22  }
0x1ac: {  	v22 =	vshll.u32 v38, $0x5;
	[tilespmem:v27+s10+$0x0] =	vst.idx.msk vm10, v26  }
0x1ad: {  	v22 =	vor.u32 v2, v22;
	[tilespmem:v27+s11+$0x0] =	vst.idx.msk vm10, v26  }
0x1ae: {  	v60 =	vshll.u32 v37, $0x5;
	[tilespmem:v24+s10+$0x0] =	vst.idx.msk vm7, v30  }
0x1af: {  	v26 =	vor.u32 v0, v60;
	[tilespmem:v23+s10+$0x0] =	vst.idx.msk vm4, v28  }
0x1b0: {  	v61 =	vshll.u32 v36, $0x5;
	[tilespmem:v24+s11+$0x0] =	vst.idx.msk vm7, v30  }
0x1b1: {  	v24 =	vor.u32 v2, v61;
	[tilespmem:v23+s11+$0x0] =	vst.idx.msk vm4, v28  }
0x1b2: {  	v23 =	vshll.u32 v35, $0x5;
	[tilespmem:v22+s10+$0x0] =	vst.idx.msk vm3, v31  }
0x1b3: {  	v23 =	vor.u32 v0, v23;
	[tilespmem:v22+s11+$0x0] =	vst.idx.msk vm3, v31  }
0x1b4: {  	vm2 =	vmmov vm2;
	v22 =	vshll.u32 v34, $0x5;
	[tilespmem:v26+s10+$0x0] =	vst.idx.msk vm1, v29  }
0x1b5: {  	v22 =	vor.u32 v2, v22;
	[tilespmem:v26+s11+$0x0] =	vst.idx.msk vm1, v29  }
0x1b6: {  	v62 =	vshll.u32 v33, $0x5;
	[tilespmem:v24+s10+$0x0] =	vst.idx.msk vm0, v25  }
0x1b7: {  	v26 =	vor.u32 v0, v62;
	[tilespmem:v24+s11+$0x0] =	vst.idx.msk vm0, v25  }
0x1b8: {  	v63 =	vshll.u32 v32, $0x5;
	[tilespmem:v23+s10+$0x0] =	vst.idx.msk vm9, v15  }
0x1b9: {  	s15 =	sadd.s32 $0x1, s15;
	v24 =	vor.u32 v2, v63;
	[tilespmem:v23+s11+$0x0] =	vst.idx.msk vm9, v15  }
0x1ba: {  	p1 =	sne.s32 s15, $0x10;
	[tilespmem:v22+s10+$0x0] =	vst.idx.msk vm2, v21  }
.Ltmp6:
0x1bb: {  	[tilespmem:v22+s11+$0x0] =	vst.idx.msk vm2, v21;
	(pc) =	sbr.rel @p1 .LBB2_13-.Ltmp6, $4  }
0x1bc: {  	[tilespmem:v26+s10+$0x0] =	vst.idx.msk vm6, v20  }
0x1bd: {  	[tilespmem:v26+s11+$0x0] =	vst.idx.msk vm6, v20  }
0x1be: {  	vm14 =	vmmov vm6;
	vm15 =	vmmov vm5;
	[tilespmem:v24+s10+$0x0] =	vst.idx.msk vm5, v19  }
0x1bf: {  	vm13 =	vmmov vm9;
	v15 =	vadd.s32 v44, v42;
	v21 =	vadd.s32 v41, v40;
	[tilespmem:v24+s11+$0x0] =	vst.idx.msk vm5, v19  }
0x1c0: {  	s14 =	simm.s32 $0x4080  }
0x1c1: {  	[tilespmem:s14+$0xFFFFFF80] =	vst v1  }
0x1c2: {  	[tilespmem:s14+$0x60] =	vst v1  }
0x1c3: {  	[tilespmem:s14+$0x40] =	vst v1  }
0x1c4: {  	[tilespmem:s14+$0x20] =	vst v1  }
0x1c5: {  	[tilespmem:s14+$0x0] =	vst v1  }
0x1c6: {  	[tilespmem:s14+$0xFFFFFFE0] =	vst v1  }
0x1c7: {  	s15 =	simm.s32 $0x0;
	[tilespmem:s14+$0xFFFFFFC0] =	vst v1  }
.LBB2_17:
0x1c8: {  	s15 =	sadd.s32 $0x8, s15;
	[tilespmem:s14+$0xFFFFFFA0] =	vst v1;
	s14 =	sadd.s32 $0x100, s14  }
0x1c9: {  	[tilespmem:s14+$0xFFFFFF80] =	vst v1;
	p1 =	slt.u32 s15, $0x3F8  }
0x1ca: {  	[tilespmem:s14+$0x60] =	vst v1  }
.Ltmp7:
0x1cb: {  	[tilespmem:s14+$0x40] =	vst v1;
	(pc) =	sbr.rel @p1 .LBB2_17-.Ltmp7, $4  }
0x1cc: {  	[tilespmem:s14+$0x20] =	vst v1  }
0x1cd: {  	[tilespmem:s14+$0x0] =	vst v1  }
0x1ce: {  	[tilespmem:s14+$0xFFFFFFE0] =	vst v1  }
0x1cf: {  	[tilespmem:s14+$0xFFFFFFC0] =	vst v1  }
0x1d0: {  	[tilespmem:s14+$0xFFFFFFA0] =	vst v1;
	s14 =	simm.s32 $0x0  }
.LBB2_19:
0x1d1: {  	p1 =	seq.s32 s14, $0x180  }
.Ltmp8:
0x1d2: {  	_ = 	snop;
	(pc) =	sbr.rel @!p1 .LBB2_19-.Ltmp8, $3  }
0x1d3: {  	_ =	sdelay $0x1  }
0x1d4: {  	s15 =	sshra.s32 s14, $0x2  }
0x1d5: {  	s14 =	sadd.s32 $0x80, s14;
	[tilespmem:s15+$0xC000] =	vst v1  }
0x1d6: {  	v19 =	vxor.u32 $0x80000000, v21  }
0x1d7: {  	(xrf0) =	vmax.scan.msk.u32 $0xffff, v19;
	_ =	sdelay $0x5  }
0x1d8: {  	v19, _, _ =	vpop (xrf0)  }
0x1d9: {  	(v2sf) =	vpush v19, $0xF;
	_ =	sdelay $0xe  }
0x1da: {  	s14 =	spop (v2sf)  }
0x1db: {  	s14 =	sxor.u32 $0x80000000, s14  }
0x1dc: {  	p1 =	sgt.s32 s14, $0x0  }
.Ltmp9:
0x1dd: {  	_ = 	snop;
	(pc) =	sbr.rel @!p1 .LBB2_23-.Ltmp9, $1  }
0x1de: {  	_ =	sdelay $0x3  }
0x1df: {  	s17 =	simm.s32 $0x18180  }
0x1e0: {  	v19 =	vld [tilespmem:s17+$0x0];
	_ =	sdelay $0x3  }
0x1e1: {  	s16 =	simm.s32 $0x0  }
0x1e2: {  	v20 =	vmov s16;
	v19 =	vshrl.u32 v19, $0x5  }
0x1e3: {  	s15 =	simm.s32 $0x14080;
	vm0 =	vlt.s32 v20, v21;
	v19 =	vand.u32 $0x7FE0, v19  }
0x1e4: {  	p2 =	sne.s32 s14, $0x1;
	v20 =	vld [tilespmem:s15+$0x0];
	v19 =	vor.u32 v0, v19  }
.Ltmp10:
0x1e5: {  	_ = 	snop;
	(pc) =	sbr.rel @!p2 .LBB2_23-.Ltmp10, $2  }
0x1e6: {  	_ =	sdelay $0x2  }
0x1e7: {  	s16 =	simm.s32 $0x1;
	s17 =	simm.s32 $0x181A0;
	[tilespmem:v19+s9+$0x0] =	vst.idx.add.f32.msk vm0, v20  }
.LBB2_22:
0x1e8: {  	v19 =	vld [tilespmem:s17+$0x0];
	s18 =	smov.u32 s16;
	s16 =	sadd.s32 $0x1, s16  }
0x1e9: {  	p2 =	sne.s32 s14, s16;
	_ =	sdelay $0x3  }
0x1ea: {  	v20 =	vmov s18;
	v19 =	vshrl.u32 v19, $0x5  }
0x1eb: {  	s15 =	sadd.s32 $0x20, s15;
	vm0 =	vlt.s32 v20, v21;
	v19 =	vand.u32 $0x7FE0, v19  }
0x1ec: {  	v20 =	vld [tilespmem:s15+$0x0];
	v19 =	vor.u32 v0, v19  }
.Ltmp11:
0x1ed: {  	(pc) =	sbr.rel @p2 .LBB2_22-.Ltmp11, $2  }
0x1ee: {  	_ =	sdelay $0x2  }
0x1ef: {  	s17 =	sadd.s32 $0x20, s17;
	[tilespmem:v19+s9+$0x0] =	vst.idx.add.f32.msk vm0, v20  }
.LBB2_23:
0x1f0: {  	s15 =	simm.s32 $0xBF80  }
0x1f1: {  	v19 =	vld [tilespmem:s15+$0x60];
	_ =	sdelay $0x2  }
0x1f2: {  	v23 =	vld [tilespmem:s15+$0x40]  }
0x1f3: {  	v20 =	vimm.f32 $0.0e+00  }
0x1f4: {  	v19 =	vadd.f32 v19, v20;
	v20 =	vadd.f32 $0.0e+00, v18;
	v18 =	vld [tilespmem:s15+$0x20];
	_ =	sdelay $0x1  }
0x1f5: {  	v22 =	vld [tilespmem:s15+$0x0]  }
0x1f6: {  	v17 =	vadd.f32 $0.0e+00, v17;
	s16 =	simm.s32 $0x0;
	s17 =	simm.s32 $0xBF00;
	[tilespmem:s15+$0x60] =	vst v19;
	v23 =	vadd.f32 v23, v19  }
.LBB2_24:
0x1f7: {  	v19 =	vld [tilespmem:s17+$0x60];
	s16 =	sadd.s32 $0x4, s16  }
0x1f8: {  	p2 =	slt.u32 s16, $0x3FC;
	[tilespmem:s15+$0x40] =	vst v23;
	v18 =	vadd.f32 v18, v23  }
0x1f9: {  	v23 =	vld [tilespmem:s17+$0x40]  }
.Ltmp12:
0x1fa: {  	[tilespmem:s15+$0x20] =	vst v18;
	v22 =	vadd.f32 v22, v18;
	(pc) =	sbr.rel @p2 .LBB2_24-.Ltmp12, $4  }
0x1fb: {  	v18 =	vld [tilespmem:s17+$0x20]  }
0x1fc: {  	v19 =	vadd.f32 v19, v22;
	[tilespmem:s15+$0x0] =	vst v22;
	s15 =	smov.u32 s17  }
0x1fd: {  	v22 =	vld [tilespmem:s17+$0x0]  }
0x1fe: {  	s17 =	sadd.s32 $0xFFFFFF80, s17;
	[tilespmem:s15+$0x60] =	vst v19;
	v23 =	vadd.f32 v23, v19  }
0x1ff: {  	_ = 	snop  }
0x200: {  	v19 =	vor.u32 $0x4000, v0;
	v18 =	vadd.f32 v18, v23;
	_ =	sdelay $0x1  }
0x201: {  	[tilespmem:s15+$0x40] =	vst v23;
	v22 =	vadd.f32 v22, v18  }
0x202: {  	[tilespmem:s15+$0x20] =	vst v18  }
0x203: {  	[tilespmem:s15+$0x0] =	vst v22  }
0x204: {  	v18 =	vld.idx.msk [tilespmem:v19+s9+$0x0], $0xffff;
	_ =	sdelay $0x4  }
0x205: {  	v18 =	vadd.f32 v18, v20;
	_ =	sdelay $0x1  }
0x206: {  	vm0 =	vge.f32 v18, v14  }
0x207: {  	v18 =	vsel vm0, $0x200, v8  }
0x208: {  	v22 =	vsel vm0, $0x3FF, v9;
	v23 =	vor.u32 $0x1, v18  }
0x209: {  	v24 =	vadd.s32 v22, v23  }
0x20a: {  	v24 =	vshll.u32 v24, $0x4  }
0x20b: {  	v24 =	vor.u32 v0, v24;
	_ =	sdelay $0x4  }
0x20c: {  	v24 =	vld.idx.msk [tilespmem:v24+s9+$0x0], $0xffff;
	_ =	sdelay $0x2  }
0x20d: {  	v25 =	vadd.s32 $0xFFFFFFFF, v22  }
0x20e: {  	v23 =	vadd.s32 v25, v23  }
0x20f: {  	v23 =	vadd.s32 $0x1, v23;
	v24 =	vadd.f32 v24, v20  }
0x210: {  	v23 =	vshrl.u32 v23, $0x1  }
0x211: {  	v49 =	vadd.s32 $0xFFFFFFFF, v23;
	vm7 =	vge.f32 v24, v14  }
0x212: {  	v18 =	vsel vm7, v23, v18;
	v22 =	vsel vm7, v22, v49  }
0x213: {  	v23 =	vadd.s32 v18, v22  }
0x214: {  	v23 =	vadd.s32 $0x1, v23  }
0x215: {  	v23 =	vshrl.u32 v23, $0x1  }
0x216: {  	v50 =	vshll.u32 v23, $0x5  }
0x217: {  	v24 =	vor.u32 v0, v50;
	_ =	sdelay $0x4  }
0x218: {  	v24 =	vld.idx.msk [tilespmem:v24+s9+$0x0], $0xffff;
	_ =	sdelay $0x4  }
0x219: {  	v24 =	vadd.f32 v24, v20;
	_ =	sdelay $0x1  }
0x21a: {  	v51 =	vadd.s32 $0xFFFFFFFF, v23;
	vm8 =	vge.f32 v24, v14  }
0x21b: {  	v18 =	vsel vm8, v23, v18;
	v22 =	vsel vm8, v22, v51  }
0x21c: {  	v23 =	vadd.s32 v22, v18  }
0x21d: {  	v23 =	vadd.s32 $0x1, v23  }
0x21e: {  	v23 =	vshrl.u32 v23, $0x1  }
0x21f: {  	v52 =	vshll.u32 v23, $0x5  }
0x220: {  	v24 =	vor.u32 v0, v52;
	_ =	sdelay $0x4  }
0x221: {  	v24 =	vld.idx.msk [tilespmem:v24+s9+$0x0], $0xffff;
	_ =	sdelay $0x4  }
0x222: {  	v24 =	vadd.f32 v24, v20;
	_ =	sdelay $0x1  }
0x223: {  	v53 =	vadd.s32 $0xFFFFFFFF, v23;
	vm9 =	vge.f32 v24, v14  }
0x224: {  	v18 =	vsel vm9, v23, v18;
	v22 =	vsel vm9, v22, v53  }
0x225: {  	v23 =	vadd.s32 v22, v18  }
0x226: {  	v23 =	vadd.s32 $0x1, v23  }
0x227: {  	v23 =	vshrl.u32 v23, $0x1  }
0x228: {  	v54 =	vshll.u32 v23, $0x5  }
0x229: {  	v24 =	vor.u32 v0, v54;
	_ =	sdelay $0x4  }
0x22a: {  	v24 =	vld.idx.msk [tilespmem:v24+s9+$0x0], $0xffff;
	_ =	sdelay $0x4  }
0x22b: {  	v24 =	vadd.f32 v24, v20;
	_ =	sdelay $0x1  }
0x22c: {  	v55 =	vadd.s32 $0xFFFFFFFF, v23;
	vm10 =	vge.f32 v24, v14  }
0x22d: {  	v18 =	vsel vm10, v23, v18;
	v22 =	vsel vm10, v22, v55  }
0x22e: {  	v23 =	vadd.s32 v22, v18  }
0x22f: {  	v23 =	vadd.s32 $0x1, v23  }
0x230: {  	v23 =	vshrl.u32 v23, $0x1  }
0x231: {  	v56 =	vshll.u32 v23, $0x5  }
0x232: {  	v24 =	vor.u32 v0, v56;
	_ =	sdelay $0x4  }
0x233: {  	v24 =	vld.idx.msk [tilespmem:v24+s9+$0x0], $0xffff;
	_ =	sdelay $0x4  }
0x234: {  	v24 =	vadd.f32 v24, v20;
	_ =	sdelay $0x1  }
0x235: {  	v57 =	vadd.s32 $0xFFFFFFFF, v23;
	vm11 =	vge.f32 v24, v14  }
0x236: {  	v18 =	vsel vm11, v23, v18;
	v22 =	vsel vm11, v22, v57  }
0x237: {  	v23 =	vadd.s32 v22, v18  }
0x238: {  	v23 =	vadd.s32 $0x1, v23  }
0x239: {  	v23 =	vshrl.u32 v23, $0x1  }
0x23a: {  	v58 =	vshll.u32 v23, $0x5  }
0x23b: {  	v24 =	vor.u32 v0, v58;
	_ =	sdelay $0x4  }
0x23c: {  	v24 =	vld.idx.msk [tilespmem:v24+s9+$0x0], $0xffff;
	_ =	sdelay $0x4  }
0x23d: {  	v24 =	vadd.f32 v24, v20;
	_ =	sdelay $0x1  }
0x23e: {  	v59 =	vadd.s32 $0xFFFFFFFF, v23;
	vm12 =	vge.f32 v24, v14  }
0x23f: {  	v18 =	vsel vm12, v23, v18;
	v22 =	vsel vm12, v22, v59  }
0x240: {  	v23 =	vadd.s32 v22, v18  }
0x241: {  	v23 =	vadd.s32 $0x1, v23  }
0x242: {  	v23 =	vshrl.u32 v23, $0x1  }
0x243: {  	v60 =	vshll.u32 v23, $0x5  }
0x244: {  	v24 =	vor.u32 v0, v60;
	_ =	sdelay $0x4  }
0x245: {  	v24 =	vld.idx.msk [tilespmem:v24+s9+$0x0], $0xffff;
	_ =	sdelay $0x4  }
0x246: {  	v24 =	vadd.f32 v24, v20;
	_ =	sdelay $0x1  }
0x247: {  	v61 =	vadd.s32 $0xFFFFFFFF, v23;
	vm13 =	vge.f32 v24, v14  }
0x248: {  	v18 =	vsel vm13, v23, v18;
	v22 =	vsel vm13, v22, v61  }
0x249: {  	v23 =	vadd.s32 v22, v18  }
0x24a: {  	v23 =	vadd.s32 $0x1, v23  }
0x24b: {  	v23 =	vshrl.u32 v23, $0x1  }
0x24c: {  	v62 =	vshll.u32 v23, $0x5  }
0x24d: {  	v24 =	vor.u32 v0, v62;
	_ =	sdelay $0x4  }
0x24e: {  	v24 =	vld.idx.msk [tilespmem:v24+s9+$0x0], $0xffff;
	_ =	sdelay $0x4  }
0x24f: {  	v24 =	vadd.f32 v24, v20;
	_ =	sdelay $0x1  }
0x250: {  	v63 =	vadd.s32 $0xFFFFFFFF, v23;
	vm14 =	vge.f32 v24, v14  }
0x251: {  	v18 =	vsel vm14, v23, v18;
	v22 =	vsel vm14, v22, v63  }
0x252: {  	v22 =	vadd.s32 v22, v18  }
0x253: {  	v22 =	vadd.s32 $0x1, v22  }
0x254: {  	v22 =	vshrl.u32 v22, $0x1  }
0x255: {  	v23 =	vshll.u32 v22, $0x5  }
0x256: {  	v23 =	vor.u32 v0, v23;
	_ =	sdelay $0x4  }
0x257: {  	v23 =	vld.idx.msk [tilespmem:v23+s9+$0x0], $0xffff;
	_ =	sdelay $0x4  }
0x258: {  	v23 =	vadd.f32 v23, v20;
	_ =	sdelay $0x1  }
0x259: {  	vm15 =	vge.f32 v23, v14  }
0x25a: {  	v18 =	vsel vm15, v22, v18  }
0x25b: {  	v22 =	vshll.u32 v18, $0x5  }
0x25c: {  	v22 =	vadd.s32 v5, v22;
	_ =	sdelay $0x3  }
0x25d: {  	s15 =	simm.s32 $0x4080  }
0x25e: {  	v22 =	vld.idx.msk [tilespmem:v22+s9+$0x0], $0xffff;
	[tilespmem:s15+$0xFFFFFF80] =	vst v1  }
0x25f: {  	[tilespmem:s15+$0x60] =	vst v1  }
0x260: {  	[tilespmem:s15+$0x40] =	vst v1  }
0x261: {  	[tilespmem:s15+$0x20] =	vst v1  }
0x262: {  	[tilespmem:s15+$0x0] =	vst v1  }
0x263: {  	[tilespmem:s15+$0xFFFFFFE0] =	vst v1  }
0x264: {  	s16 =	simm.s32 $0x0;
	[tilespmem:s15+$0xFFFFFFC0] =	vst v1  }
.LBB2_26:
0x265: {  	s16 =	sadd.s32 $0x8, s16;
	[tilespmem:s15+$0xFFFFFFA0] =	vst v1;
	s15 =	sadd.s32 $0x100, s15  }
0x266: {  	[tilespmem:s15+$0xFFFFFF80] =	vst v1;
	p2 =	slt.u32 s16, $0x3F8  }
0x267: {  	[tilespmem:s15+$0x60] =	vst v1  }
.Ltmp13:
0x268: {  	[tilespmem:s15+$0x40] =	vst v1;
	(pc) =	sbr.rel @p2 .LBB2_26-.Ltmp13, $4  }
0x269: {  	[tilespmem:s15+$0x20] =	vst v1  }
0x26a: {  	[tilespmem:s15+$0x0] =	vst v1  }
0x26b: {  	[tilespmem:s15+$0xFFFFFFE0] =	vst v1  }
0x26c: {  	[tilespmem:s15+$0xFFFFFFC0] =	vst v1  }
0x26d: {  	[tilespmem:s15+$0xFFFFFFA0] =	vst v1;
	s15 =	simm.s32 $0x0  }
.LBB2_28:
0x26e: {  	p2 =	seq.s32 s15, $0x180  }
.Ltmp14:
0x26f: {  	_ = 	snop;
	(pc) =	sbr.rel @!p2 .LBB2_28-.Ltmp14, $3  }
0x270: {  	_ =	sdelay $0x1  }
0x271: {  	s16 =	sshra.s32 s15, $0x2  }
0x272: {  	s15 =	sadd.s32 $0x80, s15;
	[tilespmem:s16+$0xC000] =	vst v1  }
.Ltmp15:
0x273: {  	(pc) =	sbr.rel @!p1 .LBB2_32-.Ltmp15, $1  }
0x274: {  	_ =	sdelay $0x3  }
0x275: {  	s17 =	simm.s32 $0x18180  }
0x276: {  	v23 =	vld [tilespmem:s17+$0x0];
	_ =	sdelay $0x4  }
0x277: {  	s16 =	simm.s32 $0x0;
	v24 =	vshrl.u32 v23, $0xA  }
0x278: {  	v25 =	vmov s16;
	v24 =	vand.u32 $0x3FF, v24  }
0x279: {  	vm0 =	vlt.s32 v25, v21;
	v23 =	vshll.u32 v23, $0x5;
	vm1 =	veq.s32 v24, v18  }
0x27a: {  	s15 =	simm.s32 $0x14080;
	v23 =	vand.u32 $0x7FE0, v23;
	vm0 =	vmand vm0, vm1  }
0x27b: {  	p1 =	sne.s32 s14, $0x1;
	v63 =	vld [tilespmem:s15+$0x0];
	v23 =	vor.u32 v0, v23  }
.Ltmp16:
0x27c: {  	_ = 	snop;
	(pc) =	sbr.rel @!p1 .LBB2_32-.Ltmp16, $2  }
0x27d: {  	_ =	sdelay $0x2  }
0x27e: {  	s16 =	simm.s32 $0x1;
	s17 =	simm.s32 $0x181A0;
	[tilespmem:v23+s9+$0x0] =	vst.idx.add.f32.msk vm0, v63  }
.LBB2_31:
0x27f: {  	v23 =	vld [tilespmem:s17+$0x0];
	s18 =	smov.u32 s16;
	s16 =	sadd.s32 $0x1, s16  }
0x280: {  	p1 =	sne.s32 s14, s16;
	_ =	sdelay $0x3  }
0x281: {  	v24 =	vshrl.u32 v23, $0xA  }
0x282: {  	v25 =	vmov s18;
	v24 =	vand.u32 $0x3FF, v24  }
0x283: {  	vm0 =	vlt.s32 v25, v21;
	v23 =	vshll.u32 v23, $0x5;
	vm1 =	veq.s32 v24, v18  }
0x284: {  	s15 =	sadd.s32 $0x20, s15;
	v23 =	vand.u32 $0x7FE0, v23;
	vm0 =	vmand vm0, vm1  }
0x285: {  	v23 =	vor.u32 v0, v23;
	v24 =	vld [tilespmem:s15+$0x0]  }
.Ltmp17:
0x286: {  	(pc) =	sbr.rel @p1 .LBB2_31-.Ltmp17, $2  }
0x287: {  	_ =	sdelay $0x2  }
0x288: {  	s17 =	sadd.s32 $0x20, s17;
	[tilespmem:v23+s9+$0x0] =	vst.idx.add.f32.msk vm0, v24  }
.LBB2_32:
0x289: {  	s14 =	simm.s32 $0xBF80  }
0x28a: {  	v21 =	vld [tilespmem:s14+$0x60];
	_ =	sdelay $0x2  }
0x28b: {  	v23 =	vld [tilespmem:s14+$0x40]  }
0x28c: {  	v24 =	vimm.f32 $0.0e+00  }
0x28d: {  	v24 =	vadd.f32 v21, v24;
	v21 =	vld [tilespmem:s14+$0x20];
	_ =	sdelay $0x1  }
0x28e: {  	v20 =	vadd.f32 v22, v20;
	v22 =	vld [tilespmem:s14+$0x0]  }
0x28f: {  	s15 =	simm.s32 $0x0;
	s16 =	simm.s32 $0xBF00;
	[tilespmem:s14+$0x60] =	vst v24;
	v23 =	vadd.f32 v23, v24  }
.LBB2_33:
0x290: {  	v24 =	vld [tilespmem:s16+$0x60];
	s15 =	sadd.s32 $0x4, s15  }
0x291: {  	p1 =	slt.u32 s15, $0x3FC;
	[tilespmem:s14+$0x40] =	vst v23;
	v21 =	vadd.f32 v21, v23  }
0x292: {  	v23 =	vld [tilespmem:s16+$0x40]  }
.Ltmp18:
0x293: {  	[tilespmem:s14+$0x20] =	vst v21;
	v22 =	vadd.f32 v22, v21;
	(pc) =	sbr.rel @p1 .LBB2_33-.Ltmp18, $4  }
0x294: {  	v21 =	vld [tilespmem:s16+$0x20]  }
0x295: {  	v24 =	vadd.f32 v24, v22;
	[tilespmem:s14+$0x0] =	vst v22;
	s14 =	smov.u32 s16  }
0x296: {  	v22 =	vld [tilespmem:s16+$0x0]  }
0x297: {  	s16 =	sadd.s32 $0xFFFFFF80, s16;
	[tilespmem:s14+$0x60] =	vst v24;
	v23 =	vadd.f32 v23, v24  }
0x298: {  	_ = 	snop  }
0x299: {  	v21 =	vadd.f32 v21, v23;
	_ =	sdelay $0x1  }
0x29a: {  	[tilespmem:s14+$0x40] =	vst v23;
	v22 =	vadd.f32 v22, v21  }
0x29b: {  	[tilespmem:s14+$0x20] =	vst v21  }
0x29c: {  	[tilespmem:s14+$0x0] =	vst v22  }
0x29d: {  	v19 =	vld.idx.msk [tilespmem:v19+s9+$0x0], $0xffff;
	_ =	sdelay $0x4  }
0x29e: {  	v19 =	vadd.f32 v19, v20;
	_ =	sdelay $0x1  }
0x29f: {  	vm0 =	vge.f32 v19, v14  }
0x2a0: {  	v19 =	vsel vm0, $0x200, v8  }
0x2a1: {  	v21 =	vsel vm0, $0x3FF, v9;
	v22 =	vor.u32 $0x1, v19  }
0x2a2: {  	v23 =	vadd.s32 v21, v22  }
0x2a3: {  	v23 =	vshll.u32 v23, $0x4  }
0x2a4: {  	v23 =	vor.u32 v0, v23;
	_ =	sdelay $0x4  }
0x2a5: {  	v23 =	vld.idx.msk [tilespmem:v23+s9+$0x0], $0xffff;
	_ =	sdelay $0x2  }
0x2a6: {  	v24 =	vadd.s32 $0xFFFFFFFF, v21  }
0x2a7: {  	v22 =	vadd.s32 v24, v22  }
0x2a8: {  	v22 =	vadd.s32 $0x1, v22;
	v23 =	vadd.f32 v23, v20  }
0x2a9: {  	v22 =	vshrl.u32 v22, $0x1  }
0x2aa: {  	vm8 =	vge.f32 v23, v14;
	v23 =	vadd.s32 $0xFFFFFFFF, v22  }
0x2ab: {  	v19 =	vsel vm8, v22, v19;
	v21 =	vsel vm8, v21, v23  }
0x2ac: {  	v22 =	vadd.s32 v19, v21  }
0x2ad: {  	v22 =	vadd.s32 $0x1, v22  }
0x2ae: {  	v22 =	vshrl.u32 v22, $0x1  }
0x2af: {  	v23 =	vshll.u32 v22, $0x5  }
0x2b0: {  	v23 =	vor.u32 v0, v23;
	_ =	sdelay $0x4  }
0x2b1: {  	v23 =	vld.idx.msk [tilespmem:v23+s9+$0x0], $0xffff;
	_ =	sdelay $0x4  }
0x2b2: {  	v23 =	vadd.f32 v23, v20;
	_ =	sdelay $0x1  }
0x2b3: {  	vm9 =	vge.f32 v23, v14;
	v23 =	vadd.s32 $0xFFFFFFFF, v22  }
0x2b4: {  	v19 =	vsel vm9, v22, v19;
	v21 =	vsel vm9, v21, v23  }
0x2b5: {  	v22 =	vadd.s32 v21, v19  }
0x2b6: {  	v22 =	vadd.s32 $0x1, v22  }
0x2b7: {  	v22 =	vshrl.u32 v22, $0x1  }
0x2b8: {  	v23 =	vshll.u32 v22, $0x5  }
0x2b9: {  	v23 =	vor.u32 v0, v23;
	_ =	sdelay $0x4  }
0x2ba: {  	v23 =	vld.idx.msk [tilespmem:v23+s9+$0x0], $0xffff;
	_ =	sdelay $0x4  }
0x2bb: {  	v23 =	vadd.f32 v23, v20;
	_ =	sdelay $0x1  }
0x2bc: {  	vm10 =	vge.f32 v23, v14;
	v23 =	vadd.s32 $0xFFFFFFFF, v22  }
0x2bd: {  	v19 =	vsel vm10, v22, v19;
	v21 =	vsel vm10, v21, v23  }
0x2be: {  	v22 =	vadd.s32 v21, v19  }
0x2bf: {  	v22 =	vadd.s32 $0x1, v22  }
0x2c0: {  	v22 =	vshrl.u32 v22, $0x1  }
0x2c1: {  	v23 =	vshll.u32 v22, $0x5  }
0x2c2: {  	v23 =	vor.u32 v0, v23;
	_ =	sdelay $0x4  }
0x2c3: {  	v23 =	vld.idx.msk [tilespmem:v23+s9+$0x0], $0xffff;
	_ =	sdelay $0x4  }
0x2c4: {  	v23 =	vadd.f32 v23, v20;
	_ =	sdelay $0x1  }
0x2c5: {  	vm11 =	vge.f32 v23, v14;
	v23 =	vadd.s32 $0xFFFFFFFF, v22  }
0x2c6: {  	v19 =	vsel vm11, v22, v19;
	v21 =	vsel vm11, v21, v23  }
0x2c7: {  	v22 =	vadd.s32 v21, v19  }
0x2c8: {  	v22 =	vadd.s32 $0x1, v22  }
0x2c9: {  	v22 =	vshrl.u32 v22, $0x1  }
0x2ca: {  	v23 =	vshll.u32 v22, $0x5  }
0x2cb: {  	v23 =	vor.u32 v0, v23;
	_ =	sdelay $0x4  }
0x2cc: {  	v23 =	vld.idx.msk [tilespmem:v23+s9+$0x0], $0xffff;
	_ =	sdelay $0x4  }
0x2cd: {  	v23 =	vadd.f32 v23, v20;
	_ =	sdelay $0x1  }
0x2ce: {  	vm12 =	vge.f32 v23, v14;
	v23 =	vadd.s32 $0xFFFFFFFF, v22  }
0x2cf: {  	v19 =	vsel vm12, v22, v19;
	v21 =	vsel vm12, v21, v23  }
0x2d0: {  	v22 =	vadd.s32 v21, v19  }
0x2d1: {  	v22 =	vadd.s32 $0x1, v22  }
0x2d2: {  	v22 =	vshrl.u32 v22, $0x1  }
0x2d3: {  	v23 =	vshll.u32 v22, $0x5  }
0x2d4: {  	v23 =	vor.u32 v0, v23;
	_ =	sdelay $0x4  }
0x2d5: {  	v23 =	vld.idx.msk [tilespmem:v23+s9+$0x0], $0xffff;
	_ =	sdelay $0x4  }
0x2d6: {  	v23 =	vadd.f32 v23, v20;
	_ =	sdelay $0x1  }
0x2d7: {  	vm13 =	vge.f32 v23, v14;
	v23 =	vadd.s32 $0xFFFFFFFF, v22  }
0x2d8: {  	v19 =	vsel vm13, v22, v19;
	v21 =	vsel vm13, v21, v23  }
0x2d9: {  	v22 =	vadd.s32 v21, v19  }
0x2da: {  	v22 =	vadd.s32 $0x1, v22  }
0x2db: {  	v22 =	vshrl.u32 v22, $0x1  }
0x2dc: {  	v23 =	vshll.u32 v22, $0x5  }
0x2dd: {  	v23 =	vor.u32 v0, v23;
	_ =	sdelay $0x4  }
0x2de: {  	v23 =	vld.idx.msk [tilespmem:v23+s9+$0x0], $0xffff;
	_ =	sdelay $0x4  }
0x2df: {  	v23 =	vadd.f32 v23, v20;
	_ =	sdelay $0x1  }
0x2e0: {  	vm14 =	vge.f32 v23, v14;
	v23 =	vadd.s32 $0xFFFFFFFF, v22  }
0x2e1: {  	v19 =	vsel vm14, v22, v19;
	v21 =	vsel vm14, v21, v23  }
0x2e2: {  	v22 =	vadd.s32 v21, v19  }
0x2e3: {  	v22 =	vadd.s32 $0x1, v22  }
0x2e4: {  	v22 =	vshrl.u32 v22, $0x1  }
0x2e5: {  	v23 =	vshll.u32 v22, $0x5  }
0x2e6: {  	v23 =	vor.u32 v0, v23;
	_ =	sdelay $0x4  }
0x2e7: {  	v23 =	vld.idx.msk [tilespmem:v23+s9+$0x0], $0xffff;
	_ =	sdelay $0x4  }
0x2e8: {  	v23 =	vadd.f32 v23, v20;
	_ =	sdelay $0x1  }
0x2e9: {  	vm15 =	vge.f32 v23, v14;
	v23 =	vadd.s32 $0xFFFFFFFF, v22  }
0x2ea: {  	v19 =	vsel vm15, v22, v19;
	v21 =	vsel vm15, v21, v23  }
0x2eb: {  	v21 =	vadd.s32 v21, v19  }
0x2ec: {  	v21 =	vadd.s32 $0x1, v21  }
0x2ed: {  	v21 =	vshrl.u32 v21, $0x1  }
0x2ee: {  	v22 =	vshll.u32 v21, $0x5  }
0x2ef: {  	v22 =	vor.u32 v0, v22;
	_ =	sdelay $0x3  }
0x2f0: {  	s14 =	simm.s32 $0x4090  }
0x2f1: {  	v22 =	vld.idx.msk [tilespmem:v22+s9+$0x0], $0xffff;
	[tilespmem:s14+$0xFFFFFF80] =	vst v1  }
0x2f2: {  	[tilespmem:s14+$0x60] =	vst v1  }
0x2f3: {  	[tilespmem:s14+$0x40] =	vst v1  }
0x2f4: {  	[tilespmem:s14+$0x20] =	vst v1  }
0x2f5: {  	[tilespmem:s14+$0x0] =	vst v1  }
0x2f6: {  	[tilespmem:s14+$0xFFFFFFE0] =	vst v1  }
0x2f7: {  	s15 =	simm.s32 $0x0;
	[tilespmem:s14+$0xFFFFFFC0] =	vst v1  }
.LBB2_35:
0x2f8: {  	s15 =	sadd.s32 $0x8, s15;
	[tilespmem:s14+$0xFFFFFFA0] =	vst v1;
	s14 =	sadd.s32 $0x100, s14  }
0x2f9: {  	[tilespmem:s14+$0xFFFFFF80] =	vst v1;
	p1 =	slt.u32 s15, $0x3F8  }
0x2fa: {  	[tilespmem:s14+$0x60] =	vst v1  }
.Ltmp19:
0x2fb: {  	[tilespmem:s14+$0x40] =	vst v1;
	(pc) =	sbr.rel @p1 .LBB2_35-.Ltmp19, $4  }
0x2fc: {  	[tilespmem:s14+$0x20] =	vst v1  }
0x2fd: {  	[tilespmem:s14+$0x0] =	vst v1  }
0x2fe: {  	[tilespmem:s14+$0xFFFFFFE0] =	vst v1  }
0x2ff: {  	[tilespmem:s14+$0xFFFFFFC0] =	vst v1  }
0x300: {  	[tilespmem:s14+$0xFFFFFFA0] =	vst v1;
	s14 =	simm.s32 $0x0  }
.LBB2_37:
0x301: {  	p1 =	seq.s32 s14, $0x180  }
.Ltmp20:
0x302: {  	_ = 	snop;
	(pc) =	sbr.rel @!p1 .LBB2_37-.Ltmp20, $3  }
0x303: {  	_ =	sdelay $0x1  }
0x304: {  	s15 =	sshra.s32 s14, $0x2  }
0x305: {  	s14 =	sadd.s32 $0x80, s14;
	[tilespmem:s15+$0xC010] =	vst v1  }
0x306: {  	v23 =	vxor.u32 $0x80000000, v15  }
0x307: {  	(xrf0) =	vmax.scan.msk.u32 $0xffff, v23;
	_ =	sdelay $0x5  }
0x308: {  	v23, _, _ =	vpop (xrf0)  }
0x309: {  	(v2sf) =	vpush v23, $0xF;
	_ =	sdelay $0xe  }
0x30a: {  	s14 =	spop (v2sf)  }
0x30b: {  	s14 =	sxor.u32 $0x80000000, s14  }
0x30c: {  	p1 =	sgt.s32 s14, $0x0  }
.Ltmp21:
0x30d: {  	_ = 	snop;
	(pc) =	sbr.rel @!p1 .LBB2_41-.Ltmp21, $1  }
0x30e: {  	_ =	sdelay $0x3  }
0x30f: {  	s17 =	simm.s32 $0x18190  }
0x310: {  	v23 =	vld [tilespmem:s17+$0x0];
	_ =	sdelay $0x3  }
0x311: {  	s16 =	simm.s32 $0x0  }
0x312: {  	v24 =	vmov s16;
	v23 =	vshrl.u32 v23, $0x5  }
0x313: {  	s15 =	simm.s32 $0x14090;
	vm0 =	vlt.s32 v24, v15;
	v23 =	vand.u32 $0x7FE0, v23  }
0x314: {  	p2 =	sne.s32 s14, $0x1;
	v63 =	vld [tilespmem:s15+$0x0];
	v23 =	vor.u32 v2, v23  }
.Ltmp22:
0x315: {  	_ = 	snop;
	(pc) =	sbr.rel @!p2 .LBB2_41-.Ltmp22, $2  }
0x316: {  	_ =	sdelay $0x2  }
0x317: {  	s16 =	simm.s32 $0x1;
	s17 =	simm.s32 $0x181B0;
	[tilespmem:v23+s9+$0x0] =	vst.idx.add.f32.msk vm0, v63  }
.LBB2_40:
0x318: {  	v23 =	vld [tilespmem:s17+$0x0];
	s18 =	smov.u32 s16;
	s16 =	sadd.s32 $0x1, s16  }
0x319: {  	p2 =	sne.s32 s14, s16;
	_ =	sdelay $0x3  }
0x31a: {  	v24 =	vmov s18;
	v23 =	vshrl.u32 v23, $0x5  }
0x31b: {  	s15 =	sadd.s32 $0x20, s15;
	vm0 =	vlt.s32 v24, v15;
	v23 =	vand.u32 $0x7FE0, v23  }
0x31c: {  	v24 =	vld [tilespmem:s15+$0x0];
	v23 =	vor.u32 v2, v23  }
.Ltmp23:
0x31d: {  	(pc) =	sbr.rel @p2 .LBB2_40-.Ltmp23, $2  }
0x31e: {  	_ =	sdelay $0x2  }
0x31f: {  	s17 =	sadd.s32 $0x20, s17;
	[tilespmem:v23+s9+$0x0] =	vst.idx.add.f32.msk vm0, v24  }
.LBB2_41:
0x320: {  	s15 =	simm.s32 $0xBF90  }
0x321: {  	v23 =	vld [tilespmem:s15+$0x60];
	_ =	sdelay $0x1  }
0x322: {  	v20 =	vadd.f32 v22, v20;
	_ =	sdelay $0x1  }
0x323: {  	v22 =	vld [tilespmem:s15+$0x40];
	vm0 =	vge.f32 v20, v14;
	v14 =	vimm.f32 $0.0e+00  }
0x324: {  	v20 =	vadd.f32 v23, v14;
	v14 =	vshll.u32 v16, $0x14;
	v16 =	vshll.u32 v18, $0xA  }
0x325: {  	v14 =	vor.u32 v14, v16;
	v16 =	vld [tilespmem:s15+$0x20];
	_ =	sdelay $0x1  }
0x326: {  	v18 =	vsel vm0, v21, v19;
	v19 =	vld [tilespmem:s15+$0x0]  }
0x327: {  	s16 =	simm.s32 $0x0;
	s17 =	simm.s32 $0xBF10;
	v14 =	vor.u32 v18, v14;
	[tilespmem:s15+$0x60] =	vst v20;
	v20 =	vadd.f32 v22, v20  }
.LBB2_42:
0x328: {  	v18 =	vld [tilespmem:s17+$0x60];
	s16 =	sadd.s32 $0x4, s16  }
0x329: {  	p2 =	slt.u32 s16, $0x3FC;
	[tilespmem:s15+$0x40] =	vst v20;
	v16 =	vadd.f32 v16, v20  }
0x32a: {  	v20 =	vld [tilespmem:s17+$0x40]  }
.Ltmp24:
0x32b: {  	[tilespmem:s15+$0x20] =	vst v16;
	v19 =	vadd.f32 v19, v16;
	(pc) =	sbr.rel @p2 .LBB2_42-.Ltmp24, $4  }
0x32c: {  	v16 =	vld [tilespmem:s17+$0x20]  }
0x32d: {  	v18 =	vadd.f32 v18, v19;
	[tilespmem:s15+$0x0] =	vst v19;
	s15 =	smov.u32 s17  }
0x32e: {  	v19 =	vld [tilespmem:s17+$0x0]  }
0x32f: {  	s17 =	sadd.s32 $0xFFFFFF80, s17;
	[tilespmem:s15+$0x60] =	vst v18;
	v20 =	vadd.f32 v20, v18  }
0x330: {  	_ = 	snop  }
0x331: {  	v18 =	vor.u32 $0x4010, v0;
	v16 =	vadd.f32 v16, v20;
	_ =	sdelay $0x1  }
0x332: {  	[tilespmem:s15+$0x40] =	vst v20;
	v19 =	vadd.f32 v19, v16  }
0x333: {  	[tilespmem:s15+$0x20] =	vst v16  }
0x334: {  	[tilespmem:s15+$0x0] =	vst v19  }
0x335: {  	v16 =	vld.idx.msk [tilespmem:v18+s9+$0x0], $0xffff;
	_ =	sdelay $0x4  }
0x336: {  	v16 =	vadd.f32 v16, v17;
	_ =	sdelay $0x1  }
0x337: {  	vm0 =	vge.f32 v16, v12  }
0x338: {  	v16 =	vsel vm0, $0x200, v8  }
0x339: {  	v19 =	vsel vm0, $0x3FF, v9;
	v20 =	vor.u32 $0x1, v16  }
0x33a: {  	v21 =	vadd.s32 v19, v20  }
0x33b: {  	v21 =	vshll.u32 v21, $0x4  }
0x33c: {  	v21 =	vor.u32 v2, v21;
	_ =	sdelay $0x4  }
0x33d: {  	v21 =	vld.idx.msk [tilespmem:v21+s9+$0x0], $0xffff;
	_ =	sdelay $0x2  }
0x33e: {  	v22 =	vadd.s32 $0xFFFFFFFF, v19  }
0x33f: {  	v20 =	vadd.s32 v22, v20  }
0x340: {  	v20 =	vadd.s32 $0x1, v20;
	v21 =	vadd.f32 v21, v17  }
0x341: {  	v20 =	vshrl.u32 v20, $0x1  }
0x342: {  	v49 =	vadd.s32 $0xFFFFFFFF, v20;
	vm7 =	vge.f32 v21, v12  }
0x343: {  	v16 =	vsel vm7, v20, v16;
	v19 =	vsel vm7, v19, v49  }
0x344: {  	v20 =	vadd.s32 v16, v19  }
0x345: {  	v20 =	vadd.s32 $0x1, v20  }
0x346: {  	v20 =	vshrl.u32 v20, $0x1  }
0x347: {  	v50 =	vshll.u32 v20, $0x5  }
0x348: {  	v21 =	vor.u32 v2, v50;
	_ =	sdelay $0x4  }
0x349: {  	v21 =	vld.idx.msk [tilespmem:v21+s9+$0x0], $0xffff;
	_ =	sdelay $0x4  }
0x34a: {  	v21 =	vadd.f32 v21, v17;
	_ =	sdelay $0x1  }
0x34b: {  	v51 =	vadd.s32 $0xFFFFFFFF, v20;
	vm8 =	vge.f32 v21, v12  }
0x34c: {  	v16 =	vsel vm8, v20, v16;
	v19 =	vsel vm8, v19, v51  }
0x34d: {  	v20 =	vadd.s32 v19, v16  }
0x34e: {  	v20 =	vadd.s32 $0x1, v20  }
0x34f: {  	v20 =	vshrl.u32 v20, $0x1  }
0x350: {  	v52 =	vshll.u32 v20, $0x5  }
0x351: {  	v21 =	vor.u32 v2, v52;
	_ =	sdelay $0x4  }
0x352: {  	v21 =	vld.idx.msk [tilespmem:v21+s9+$0x0], $0xffff;
	_ =	sdelay $0x4  }
0x353: {  	v21 =	vadd.f32 v21, v17;
	_ =	sdelay $0x1  }
0x354: {  	v53 =	vadd.s32 $0xFFFFFFFF, v20;
	vm9 =	vge.f32 v21, v12  }
0x355: {  	v16 =	vsel vm9, v20, v16;
	v19 =	vsel vm9, v19, v53  }
0x356: {  	v20 =	vadd.s32 v19, v16  }
0x357: {  	v20 =	vadd.s32 $0x1, v20  }
0x358: {  	v20 =	vshrl.u32 v20, $0x1  }
0x359: {  	v54 =	vshll.u32 v20, $0x5  }
0x35a: {  	v21 =	vor.u32 v2, v54;
	_ =	sdelay $0x4  }
0x35b: {  	v21 =	vld.idx.msk [tilespmem:v21+s9+$0x0], $0xffff;
	_ =	sdelay $0x4  }
0x35c: {  	v21 =	vadd.f32 v21, v17;
	_ =	sdelay $0x1  }
0x35d: {  	v55 =	vadd.s32 $0xFFFFFFFF, v20;
	vm10 =	vge.f32 v21, v12  }
0x35e: {  	v16 =	vsel vm10, v20, v16;
	v19 =	vsel vm10, v19, v55  }
0x35f: {  	v20 =	vadd.s32 v19, v16  }
0x360: {  	v20 =	vadd.s32 $0x1, v20  }
0x361: {  	v20 =	vshrl.u32 v20, $0x1  }
0x362: {  	v56 =	vshll.u32 v20, $0x5  }
0x363: {  	v21 =	vor.u32 v2, v56;
	_ =	sdelay $0x4  }
0x364: {  	v21 =	vld.idx.msk [tilespmem:v21+s9+$0x0], $0xffff;
	_ =	sdelay $0x4  }
0x365: {  	v21 =	vadd.f32 v21, v17;
	_ =	sdelay $0x1  }
0x366: {  	v57 =	vadd.s32 $0xFFFFFFFF, v20;
	vm11 =	vge.f32 v21, v12  }
0x367: {  	v16 =	vsel vm11, v20, v16;
	v19 =	vsel vm11, v19, v57  }
0x368: {  	v20 =	vadd.s32 v19, v16  }
0x369: {  	v20 =	vadd.s32 $0x1, v20  }
0x36a: {  	v20 =	vshrl.u32 v20, $0x1  }
0x36b: {  	v58 =	vshll.u32 v20, $0x5  }
0x36c: {  	v21 =	vor.u32 v2, v58;
	_ =	sdelay $0x4  }
0x36d: {  	v21 =	vld.idx.msk [tilespmem:v21+s9+$0x0], $0xffff;
	_ =	sdelay $0x4  }
0x36e: {  	v21 =	vadd.f32 v21, v17;
	_ =	sdelay $0x1  }
0x36f: {  	v59 =	vadd.s32 $0xFFFFFFFF, v20;
	vm12 =	vge.f32 v21, v12  }
0x370: {  	v16 =	vsel vm12, v20, v16;
	v19 =	vsel vm12, v19, v59  }
0x371: {  	v20 =	vadd.s32 v19, v16  }
0x372: {  	v20 =	vadd.s32 $0x1, v20  }
0x373: {  	v20 =	vshrl.u32 v20, $0x1  }
0x374: {  	v60 =	vshll.u32 v20, $0x5  }
0x375: {  	v21 =	vor.u32 v2, v60;
	_ =	sdelay $0x4  }
0x376: {  	v21 =	vld.idx.msk [tilespmem:v21+s9+$0x0], $0xffff;
	_ =	sdelay $0x4  }
0x377: {  	v21 =	vadd.f32 v21, v17;
	_ =	sdelay $0x1  }
0x378: {  	v61 =	vadd.s32 $0xFFFFFFFF, v20;
	vm13 =	vge.f32 v21, v12  }
0x379: {  	v16 =	vsel vm13, v20, v16;
	v19 =	vsel vm13, v19, v61  }
0x37a: {  	v20 =	vadd.s32 v19, v16  }
0x37b: {  	v20 =	vadd.s32 $0x1, v20  }
0x37c: {  	v20 =	vshrl.u32 v20, $0x1  }
0x37d: {  	v62 =	vshll.u32 v20, $0x5  }
0x37e: {  	v21 =	vor.u32 v2, v62;
	_ =	sdelay $0x4  }
0x37f: {  	v21 =	vld.idx.msk [tilespmem:v21+s9+$0x0], $0xffff;
	_ =	sdelay $0x4  }
0x380: {  	v21 =	vadd.f32 v21, v17;
	_ =	sdelay $0x1  }
0x381: {  	v63 =	vadd.s32 $0xFFFFFFFF, v20;
	vm14 =	vge.f32 v21, v12  }
0x382: {  	v16 =	vsel vm14, v20, v16;
	v19 =	vsel vm14, v19, v63  }
0x383: {  	v19 =	vadd.s32 v19, v16  }
0x384: {  	v19 =	vadd.s32 $0x1, v19  }
0x385: {  	v19 =	vshrl.u32 v19, $0x1  }
0x386: {  	v20 =	vshll.u32 v19, $0x5  }
0x387: {  	v20 =	vor.u32 v2, v20;
	_ =	sdelay $0x4  }
0x388: {  	v20 =	vld.idx.msk [tilespmem:v20+s9+$0x0], $0xffff;
	_ =	sdelay $0x4  }
0x389: {  	v20 =	vadd.f32 v20, v17;
	_ =	sdelay $0x1  }
0x38a: {  	vm15 =	vge.f32 v20, v12  }
0x38b: {  	v16 =	vsel vm15, v19, v16  }
0x38c: {  	v19 =	vshll.u32 v16, $0x5  }
0x38d: {  	v19 =	vadd.s32 v7, v19;
	_ =	sdelay $0x3  }
0x38e: {  	s15 =	simm.s32 $0x4090  }
0x38f: {  	v19 =	vld.idx.msk [tilespmem:v19+s9+$0x0], $0xffff;
	[tilespmem:s15+$0xFFFFFF80] =	vst v1  }
0x390: {  	[tilespmem:s15+$0x60] =	vst v1  }
0x391: {  	[tilespmem:s15+$0x40] =	vst v1  }
0x392: {  	[tilespmem:s15+$0x20] =	vst v1  }
0x393: {  	[tilespmem:s15+$0x0] =	vst v1  }
0x394: {  	[tilespmem:s15+$0xFFFFFFE0] =	vst v1  }
0x395: {  	s16 =	simm.s32 $0x0;
	[tilespmem:s15+$0xFFFFFFC0] =	vst v1  }
.LBB2_44:
0x396: {  	s16 =	sadd.s32 $0x8, s16;
	[tilespmem:s15+$0xFFFFFFA0] =	vst v1;
	s15 =	sadd.s32 $0x100, s15  }
0x397: {  	[tilespmem:s15+$0xFFFFFF80] =	vst v1;
	p2 =	slt.u32 s16, $0x3F8  }
0x398: {  	[tilespmem:s15+$0x60] =	vst v1  }
.Ltmp25:
0x399: {  	[tilespmem:s15+$0x40] =	vst v1;
	(pc) =	sbr.rel @p2 .LBB2_44-.Ltmp25, $4  }
0x39a: {  	[tilespmem:s15+$0x20] =	vst v1  }
0x39b: {  	[tilespmem:s15+$0x0] =	vst v1  }
0x39c: {  	[tilespmem:s15+$0xFFFFFFE0] =	vst v1  }
0x39d: {  	[tilespmem:s15+$0xFFFFFFC0] =	vst v1  }
0x39e: {  	[tilespmem:s15+$0xFFFFFFA0] =	vst v1;
	s15 =	simm.s32 $0x0  }
.LBB2_46:
0x39f: {  	p2 =	seq.s32 s15, $0x180  }
.Ltmp26:
0x3a0: {  	_ = 	snop;
	(pc) =	sbr.rel @!p2 .LBB2_46-.Ltmp26, $3  }
0x3a1: {  	_ =	sdelay $0x1  }
0x3a2: {  	s16 =	sshra.s32 s15, $0x2  }
0x3a3: {  	s15 =	sadd.s32 $0x80, s15;
	[tilespmem:s16+$0xC010] =	vst v1  }
.Ltmp27:
0x3a4: {  	(pc) =	sbr.rel @!p1 .LBB2_50-.Ltmp27, $1  }
0x3a5: {  	_ =	sdelay $0x3  }
0x3a6: {  	s17 =	simm.s32 $0x18190  }
0x3a7: {  	v20 =	vld [tilespmem:s17+$0x0];
	_ =	sdelay $0x4  }
0x3a8: {  	s16 =	simm.s32 $0x0;
	v21 =	vshrl.u32 v20, $0xA  }
0x3a9: {  	v22 =	vmov s16;
	v21 =	vand.u32 $0x3FF, v21  }
0x3aa: {  	vm0 =	vlt.s32 v22, v15;
	v20 =	vshll.u32 v20, $0x5;
	vm1 =	veq.s32 v21, v16  }
0x3ab: {  	s15 =	simm.s32 $0x14090;
	v20 =	vand.u32 $0x7FE0, v20;
	vm0 =	vmand vm0, vm1  }
0x3ac: {  	p1 =	sne.s32 s14, $0x1;
	v63 =	vld [tilespmem:s15+$0x0];
	v20 =	vor.u32 v2, v20  }
.Ltmp28:
0x3ad: {  	_ = 	snop;
	(pc) =	sbr.rel @!p1 .LBB2_50-.Ltmp28, $2  }
0x3ae: {  	_ =	sdelay $0x2  }
0x3af: {  	s16 =	simm.s32 $0x1;
	s17 =	simm.s32 $0x181B0;
	[tilespmem:v20+s9+$0x0] =	vst.idx.add.f32.msk vm0, v63  }
.LBB2_49:
0x3b0: {  	v20 =	vld [tilespmem:s17+$0x0];
	s18 =	smov.u32 s16;
	s16 =	sadd.s32 $0x1, s16  }
0x3b1: {  	p1 =	sne.s32 s14, s16;
	_ =	sdelay $0x3  }
0x3b2: {  	v21 =	vshrl.u32 v20, $0xA  }
0x3b3: {  	v22 =	vmov s18;
	v21 =	vand.u32 $0x3FF, v21  }
0x3b4: {  	vm0 =	vlt.s32 v22, v15;
	v20 =	vshll.u32 v20, $0x5;
	vm1 =	veq.s32 v21, v16  }
0x3b5: {  	s15 =	sadd.s32 $0x20, s15;
	v20 =	vand.u32 $0x7FE0, v20;
	vm0 =	vmand vm0, vm1  }
0x3b6: {  	v20 =	vor.u32 v2, v20;
	v21 =	vld [tilespmem:s15+$0x0]  }
.Ltmp29:
0x3b7: {  	(pc) =	sbr.rel @p1 .LBB2_49-.Ltmp29, $2  }
0x3b8: {  	_ =	sdelay $0x2  }
0x3b9: {  	s17 =	sadd.s32 $0x20, s17;
	[tilespmem:v20+s9+$0x0] =	vst.idx.add.f32.msk vm0, v21  }
.LBB2_50:
0x3ba: {  	s14 =	simm.s32 $0xBF90  }
0x3bb: {  	v15 =	vld [tilespmem:s14+$0x60];
	_ =	sdelay $0x2  }
0x3bc: {  	v21 =	vld [tilespmem:s14+$0x40]  }
0x3bd: {  	v20 =	vimm.f32 $0.0e+00  }
0x3be: {  	v22 =	vadd.f32 v15, v20;
	v20 =	vld [tilespmem:s14+$0x20];
	_ =	sdelay $0x1  }
0x3bf: {  	v15 =	vadd.f32 v19, v17;
	v17 =	vld [tilespmem:s14+$0x0]  }
0x3c0: {  	s15 =	simm.s32 $0x0;
	s16 =	simm.s32 $0xBF10;
	[tilespmem:s14+$0x60] =	vst v22;
	v19 =	vadd.f32 v21, v22  }
.LBB2_51:
0x3c1: {  	v21 =	vld [tilespmem:s16+$0x60];
	s15 =	sadd.s32 $0x4, s15  }
0x3c2: {  	p1 =	slt.u32 s15, $0x3FC;
	[tilespmem:s14+$0x40] =	vst v19;
	v19 =	vadd.f32 v20, v19  }
0x3c3: {  	v22 =	vld [tilespmem:s16+$0x40]  }
.Ltmp30:
0x3c4: {  	[tilespmem:s14+$0x20] =	vst v19;
	v17 =	vadd.f32 v17, v19;
	(pc) =	sbr.rel @p1 .LBB2_51-.Ltmp30, $4  }
0x3c5: {  	v20 =	vld [tilespmem:s16+$0x20]  }
0x3c6: {  	v19 =	vadd.f32 v21, v17;
	[tilespmem:s14+$0x0] =	vst v17;
	s14 =	smov.u32 s16  }
0x3c7: {  	v17 =	vld [tilespmem:s16+$0x0]  }
0x3c8: {  	s16 =	sadd.s32 $0xFFFFFF80, s16;
	[tilespmem:s14+$0x60] =	vst v19;
	v19 =	vadd.f32 v22, v19  }
0x3c9: {  	_ = 	snop  }
0x3ca: {  	v20 =	vadd.f32 v20, v19;
	_ =	sdelay $0x1  }
0x3cb: {  	[tilespmem:s14+$0x40] =	vst v19;
	v17 =	vadd.f32 v17, v20  }
0x3cc: {  	[tilespmem:s14+$0x20] =	vst v20  }
0x3cd: {  	[tilespmem:s14+$0x0] =	vst v17  }
0x3ce: {  	v17 =	vld.idx.msk [tilespmem:v18+s9+$0x0], $0xffff;
	_ =	sdelay $0x4  }
0x3cf: {  	v17 =	vadd.f32 v17, v15;
	_ =	sdelay $0x1  }
0x3d0: {  	vm0 =	vge.f32 v17, v12  }
0x3d1: {  	v17 =	vsel vm0, $0x200, v8  }
0x3d2: {  	v36 =	vsel vm0, $0x3FF, v9;
	v37 =	vor.u32 $0x1, v17  }
0x3d3: {  	v38 =	vadd.s32 v36, v37  }
0x3d4: {  	v20 =	vshll.u32 v38, $0x4  }
0x3d5: {  	v20 =	vor.u32 v2, v20;
	_ =	sdelay $0x4  }
0x3d6: {  	v20 =	vld.idx.msk [tilespmem:v20+s9+$0x0], $0xffff;
	_ =	sdelay $0x2  }
0x3d7: {  	v21 =	vadd.s32 $0xFFFFFFFF, v36  }
0x3d8: {  	v19 =	vadd.s32 v21, v37  }
0x3d9: {  	v19 =	vadd.s32 $0x1, v19;
	v20 =	vadd.f32 v20, v15  }
0x3da: {  	v19 =	vshrl.u32 v19, $0x1  }
0x3db: {  	v39 =	vadd.s32 $0xFFFFFFFF, v19;
	vm7 =	vge.f32 v20, v12  }
0x3dc: {  	v17 =	vsel vm7, v19, v17;
	v18 =	vsel vm7, v36, v39  }
0x3dd: {  	v19 =	vadd.s32 v17, v18  }
0x3de: {  	v19 =	vadd.s32 $0x1, v19  }
0x3df: {  	v19 =	vshrl.u32 v19, $0x1  }
0x3e0: {  	v40 =	vshll.u32 v19, $0x5  }
0x3e1: {  	v20 =	vor.u32 v2, v40;
	_ =	sdelay $0x4  }
0x3e2: {  	v20 =	vld.idx.msk [tilespmem:v20+s9+$0x0], $0xffff;
	_ =	sdelay $0x4  }
0x3e3: {  	v20 =	vadd.f32 v20, v15;
	_ =	sdelay $0x1  }
0x3e4: {  	v41 =	vadd.s32 $0xFFFFFFFF, v19;
	vm8 =	vge.f32 v20, v12  }
0x3e5: {  	v17 =	vsel vm8, v19, v17;
	v18 =	vsel vm8, v18, v41  }
0x3e6: {  	v19 =	vadd.s32 v18, v17  }
0x3e7: {  	v19 =	vadd.s32 $0x1, v19  }
0x3e8: {  	v19 =	vshrl.u32 v19, $0x1  }
0x3e9: {  	v42 =	vshll.u32 v19, $0x5  }
0x3ea: {  	v20 =	vor.u32 v2, v42;
	_ =	sdelay $0x4  }
0x3eb: {  	v20 =	vld.idx.msk [tilespmem:v20+s9+$0x0], $0xffff;
	_ =	sdelay $0x4  }
0x3ec: {  	v20 =	vadd.f32 v20, v15;
	_ =	sdelay $0x1  }
0x3ed: {  	v43 =	vadd.s32 $0xFFFFFFFF, v19;
	vm9 =	vge.f32 v20, v12  }
0x3ee: {  	v17 =	vsel vm9, v19, v17;
	v18 =	vsel vm9, v18, v43  }
0x3ef: {  	v19 =	vadd.s32 v18, v17  }
0x3f0: {  	v19 =	vadd.s32 $0x1, v19  }
0x3f1: {  	v19 =	vshrl.u32 v19, $0x1  }
0x3f2: {  	v44 =	vshll.u32 v19, $0x5  }
0x3f3: {  	v20 =	vor.u32 v2, v44;
	_ =	sdelay $0x4  }
0x3f4: {  	v20 =	vld.idx.msk [tilespmem:v20+s9+$0x0], $0xffff;
	_ =	sdelay $0x4  }
0x3f5: {  	v20 =	vadd.f32 v20, v15;
	_ =	sdelay $0x1  }
0x3f6: {  	v45 =	vadd.s32 $0xFFFFFFFF, v19;
	vm10 =	vge.f32 v20, v12  }
0x3f7: {  	v17 =	vsel vm10, v19, v17;
	v18 =	vsel vm10, v18, v45  }
0x3f8: {  	v19 =	vadd.s32 v18, v17  }
0x3f9: {  	v19 =	vadd.s32 $0x1, v19  }
0x3fa: {  	v19 =	vshrl.u32 v19, $0x1  }
0x3fb: {  	v46 =	vshll.u32 v19, $0x5  }
0x3fc: {  	v20 =	vor.u32 v2, v46;
	_ =	sdelay $0x4  }
0x3fd: {  	v20 =	vld.idx.msk [tilespmem:v20+s9+$0x0], $0xffff;
	_ =	sdelay $0x4  }
0x3fe: {  	v20 =	vadd.f32 v20, v15;
	_ =	sdelay $0x1  }
0x3ff: {  	v47 =	vadd.s32 $0xFFFFFFFF, v19;
	vm11 =	vge.f32 v20, v12  }
0x400: {  	v17 =	vsel vm11, v19, v17;
	v18 =	vsel vm11, v18, v47  }
0x401: {  	v19 =	vadd.s32 v18, v17  }
0x402: {  	v19 =	vadd.s32 $0x1, v19  }
0x403: {  	v19 =	vshrl.u32 v19, $0x1  }
0x404: {  	v48 =	vshll.u32 v19, $0x5  }
0x405: {  	v20 =	vor.u32 v2, v48;
	_ =	sdelay $0x4  }
0x406: {  	v20 =	vld.idx.msk [tilespmem:v20+s9+$0x0], $0xffff;
	_ =	sdelay $0x4  }
0x407: {  	v20 =	vadd.f32 v20, v15;
	_ =	sdelay $0x1  }
0x408: {  	v49 =	vadd.s32 $0xFFFFFFFF, v19;
	vm12 =	vge.f32 v20, v12  }
0x409: {  	v17 =	vsel vm12, v19, v17;
	v18 =	vsel vm12, v18, v49  }
0x40a: {  	v19 =	vadd.s32 v18, v17  }
0x40b: {  	v19 =	vadd.s32 $0x1, v19  }
0x40c: {  	v19 =	vshrl.u32 v19, $0x1  }
0x40d: {  	v50 =	vshll.u32 v19, $0x5  }
0x40e: {  	v20 =	vor.u32 v2, v50;
	_ =	sdelay $0x4  }
0x40f: {  	v20 =	vld.idx.msk [tilespmem:v20+s9+$0x0], $0xffff;
	_ =	sdelay $0x4  }
0x410: {  	v20 =	vadd.f32 v20, v15;
	_ =	sdelay $0x1  }
0x411: {  	v51 =	vadd.s32 $0xFFFFFFFF, v19;
	vm13 =	vge.f32 v20, v12  }
0x412: {  	v52 =	vand.u32 $0x7FFFFF, v11;
	v17 =	vsel vm13, v19, v17;
	v18 =	vsel vm13, v18, v51  }
0x413: {  	v53 =	vand.u32 $0x7FFFFF, v10;
	v19 =	vor.u32 $0x3F800000, v52;
	v20 =	vadd.s32 v18, v17  }
0x414: {  	v21 =	vor.u32 $0x3F800000, v53;
	v22 =	vadd.f32 $1.000000000e+00, v19;
	v20 =	vadd.s32 $0x1, v20  }
0x415: {  	v23 =	vadd.f32 $1.000000000e+00, v21;
	v20 =	vshrl.u32 v20, $0x1  }
0x416: {  	(erf) = vrcp.f32 v22;
	v24 =	vshll.u32 v20, $0x5  }
0x417: {  	(erf) = vrcp.f32 v23;
	v54 =	vor.u32 v2, v24;
	_ =	sdelay $0x4  }
0x418: {  	v22 =	vld.idx.msk [tilespmem:v54+s9+$0x0], $0xffff;
	_ =	sdelay $0x1  }
0x419: {  	v19 =	vadd.f32 $-1.000000000e+00, v19  }
0x41a: {  	v21 =	vadd.f32 $-1.000000000e+00, v21;
	v55 =	vpop (erf)  }
0x41b: {  	v19 =	vmul.f32 v55, v19;
	v56 =	vpop (erf)  }
0x41c: {  	v21 =	vmul.f32 v56, v21;
	v22 =	vadd.f32 v22, v15  }
0x41d: {  	v57 =	vmul.f32 v19, v19  }
0x41e: {  	v58 =	vadd.s32 $0xFFFFFFFF, v20;
	v59 =	vmul.f32 v21, v21;
	vm14 =	vge.f32 v22, v12  }
0x41f: {  	v60 =	vmul.f32 $0.0e+00, v57;
	v17 =	vsel vm14, v20, v17;
	v18 =	vsel vm14, v18, v58  }
0x420: {  	v61 =	vmul.f32 $0.0e+00, v59;
	v18 =	vadd.s32 v18, v17  }
0x421: {  	v20 =	vadd.f32 $1.111111120e-01, v60;
	v18 =	vadd.s32 $0x1, v18  }
0x422: {  	v22 =	vadd.f32 $1.111111120e-01, v61;
	v18 =	vshrl.u32 v18, $0x1  }
0x423: {  	v20 =	vmul.f32 v20, v57;
	v25 =	vshll.u32 v18, $0x5  }
0x424: {  	v22 =	vmul.f32 v22, v59;
	v25 =	vor.u32 v2, v25  }
0x425: {  	v20 =	vadd.f32 $1.428571490e-01, v20  }
0x426: {  	v22 =	vadd.f32 $1.428571490e-01, v22  }
0x427: {  	v20 =	vmul.f32 v20, v57  }
0x428: {  	v22 =	vmul.f32 v22, v59  }
0x429: {  	v20 =	vadd.f32 $2.000000030e-01, v20;
	v25 =	vld.idx.msk [tilespmem:v25+s9+$0x0], $0xffff  }
0x42a: {  	v22 =	vadd.f32 $2.000000030e-01, v22  }
0x42b: {  	v20 =	vmul.f32 v20, v57  }
0x42c: {  	v22 =	vmul.f32 v22, v59  }
0x42d: {  	v11 =	vshrl.u32 v11, $0x17;
	v10 =	vshrl.u32 v10, $0x17;
	v20 =	vadd.f32 $3.333333430e-01, v20  }
0x42e: {  	v11 =	vadd.s32 $0xFFFFFF81, v11;
	v22 =	vadd.f32 $3.333333430e-01, v22;
	v15 =	vadd.f32 v25, v15  }
0x42f: {  	v10 =	vadd.s32 $0xFFFFFF81, v10;
	v11 =	vcvt.s32.f32 v11  }
0x430: {  	v20 =	vmul.f32 v20, v57;
	vm15 =	vge.f32 v15, v12;
	v12 =	vmul.f32 v22, v59  }
0x431: {  	v10 =	vcvt.s32.f32 v10;
	v19 =	vadd.f32 v19, v19;
	v62 =	vadd.f32 v21, v21  }
0x432: {  	v15 =	vadd.f32 $1.000000000e+00, v20;
	v12 =	vadd.f32 $1.000000000e+00, v12  }
0x433: {  	v13 =	vshll.u32 v13, $0x14;
	v11 =	vmul.f32 $6.931471820e-01, v11;
	v63 =	vmul.f32 $6.931471820e-01, v10  }
0x434: {  	v16 =	vshll.u32 v16, $0xA;
	v15 =	vmul.f32 v15, v19;
	v12 =	vmul.f32 v12, v62  }
0x435: {  	v13 =	vor.u32 v13, v16;
	v10 =	vsel vm15, v18, v17  }
0x436: {  	s14 =	simm.s32 $0x0;
	v10 =	vor.u32 v10, v13;
	v11 =	vadd.f32 v15, v11;
	v12 =	vadd.f32 v12, v63  }
.LBB2_53:
0x437: {  	s15 =	sshll.u32 s14, $0xB  }
0x438: {  	s15 =	sadd.s32 s13, s15  }
0x439: {  	s16 =	sadd.s32 s1, s15  }
0x43a: {  	[tilespmem:s2], [sflag:$0x1] =	stream.linear.gather [hbm4b:s16+s2], $0x4000, $0x38;
	[tilespmem:$0x1C280] =	vst v63  }
0x43b: {  	_ =	swait.ge [sflag:s8], $0x4000  }
0x43c: {  	[sflag:s8] =	ssyncset.done $0x0  }
0x43d: {  	s31 =	simm.s32 $0x80;
	[sflag:s8] =	ssyncadd.s32 $0xFFFFC000  }
0x43e: {  	v13 =	vld [tilespmem:s31+$0x70]  }
0x43f: {  	v15 =	vld [tilespmem:s31+$0xFFFFFF90]  }
0x440: {  	v16 =	vld [tilespmem:s31+$0xFFFFFFA0]  }
0x441: {  	v18 =	vld [tilespmem:s31+$0xFFFFFFC0]  }
0x442: {  	v19 =	vld [tilespmem:s31+$0xFFFFFFD0]  }
0x443: {  	v22 =	vld [tilespmem:s31+$0xFFFFFFE0]  }
0x444: {  	v24 =	vld [tilespmem:s31+$0xFFFFFFF0]  }
0x445: {  	s17 =	simm.s32 $0x180;
	v17 =	vld [tilespmem:s31+$0xFFFFFFB0]  }
0x446: {  	v63 =	vld [tilespmem:s17+$0xFFFFFF90];
	v20 =	vmul.f32 $1.442695020e+00, v13;
	v21 =	vmul.f32 $1.442695020e+00, v15  }
0x447: {  	v48 =	vld [tilespmem:s17+$0xFFFFFFA0];
	v23 =	vmul.f32 $1.442695020e+00, v16;
	v25 =	vmul.f32 $1.442695020e+00, v18  }
0x448: {  	v40 =	vld [tilespmem:s17+$0xFFFFFFF0];
	v26 =	vmul.f32 $1.442695020e+00, v19;
	v27 =	vmul.f32 $1.442695020e+00, v22  }
0x449: {  	v41 =	vld [tilespmem:s17+$0x0];
	v15 =	vsub.f32 v15, v12;
	v28 =	vmul.f32 $1.442695020e+00, v24;
	(erf) = vpow2.f32 v20  }
0x44a: {  	v16 =	vsub.f32 v16, v11;
	v20 =	vmul.f32 $1.442695020e+00, v17;
	(erf) = vpow2.f32 v21;
	v21 =	vld [tilespmem:s31+$0x0]  }
0x44b: {  	v18 =	vsub.f32 v18, v11;
	v38 =	vmul.f32 $1.442695020e+00, v63;
	(erf) = vpow2.f32 v23;
	v23 =	vld [tilespmem:s31+$0x10]  }
0x44c: {  	v19 =	vsub.f32 v19, v12;
	v50 =	vmul.f32 $1.442695020e+00, v48;
	(erf) = vpow2.f32 v20;
	v20 =	vld [tilespmem:s31+$0x20]  }
0x44d: {  	v22 =	vsub.f32 v22, v11;
	v55 =	vmul.f32 $1.442695020e+00, v40;
	(erf) = vpow2.f32 v25;
	v25 =	vld [tilespmem:s31+$0x30]  }
0x44e: {  	v24 =	vsub.f32 v24, v12;
	v57 =	vmul.f32 $1.442695020e+00, v41;
	(erf) = vpow2.f32 v26;
	v26 =	vld [tilespmem:s31+$0x40]  }
0x44f: {  	v29 =	vld [tilespmem:s31+$0x50];
	v13 =	vsub.f32 v13, v12;
	(erf) = vpow2.f32 v27;
	v27 =	vmul.f32 $1.442695020e+00, v21  }
0x450: {  	v17 =	vsub.f32 v17, v12;
	v21 =	vsub.f32 v21, v11;
	v30 =	vmul.f32 $1.442695020e+00, v23  }
0x451: {  	(erf) = vpow2.f32 v28;
	v28 =	vld [tilespmem:s31+$0xFFFFFF80];
	v23 =	vsub.f32 v23, v12;
	v31 =	vmul.f32 $1.442695020e+00, v20  }
0x452: {  	v20 =	vsub.f32 v20, v11;
	(erf) = vpow2.f32 v27;
	v32 =	vmul.f32 $1.442695020e+00, v25  }
0x453: {  	(erf) = vpow2.f32 v30;
	v25 =	vsub.f32 v25, v12;
	v27 =	vpop (erf);
	v33 =	vmul.f32 $1.442695020e+00, v26  }
0x454: {  	(erf) = vpow2.f32 v31;
	v31 =	vmul.f32 $1.442695020e+00, v29;
	v26 =	vsub.f32 v26, v11;
	v30 =	vpop (erf)  }
0x455: {  	v43 =	vld [tilespmem:s17+$0x10];
	v29 =	vsub.f32 v29, v12;
	vm0 =	vge.f32 v27, v10;
	(erf) = vpow2.f32 v32;
	v27 =	vpop (erf)  }
0x456: {  	v35 =	vld [tilespmem:s31+$0x60];
	v32 =	vsub.f32 v63, v12;
	v34 =	vnsel vm0, $0xC28C0000, v13;
	v61 =	vmul.f32 $1.442695020e+00, v28;
	v13 =	vpop (erf)  }
0x457: {  	v44 =	vld [tilespmem:s17+$0x20];
	v28 =	vsub.f32 v28, v11;
	(erf) = vpow2.f32 v33;
	vm0 =	vge.f32 v30, v10;
	v62 =	vpop (erf)  }
0x458: {  	v33 =	vsub.f32 v48, v11;
	(erf) = vpow2.f32 v31;
	vm1 =	vge.f32 v27, v14;
	v31 =	vpop (erf)  }
0x459: {  	s16 =	simm.s32 $0x14100;
	v56 =	vld [tilespmem:s17+$0x40];
	v15 =	vnsel vm0, $0xC28C0000, v15;
	vm2 =	vge.f32 v13, v10;
	v16 =	vnsel vm1, $0xC28C0000, v16;
	v30 =	vpop (erf)  }
0x45a: {  	v27 =	vld [tilespmem:s17+$0x70];
	[tilespmem:s16+$0xFFFFFF90] =	vst v15;
	v15 =	vmul.f32 $1.442695020e+00, v43;
	(erf) = vpow2.f32 v61;
	vm3 =	vge.f32 v62, v14;
	v13 =	vpop (erf)  }
0x45b: {  	vm4 =	vge.f32 v31, v10;
	vm5 =	vge.f32 v30, v14;
	v30 =	vmul.f32 $1.442695020e+00, v35;
	v31 =	vpop (erf)  }
0x45c: {  	v58 =	vld [tilespmem:s17+$0xFFFFFF80];
	v17 =	vnsel vm2, $0xC28C0000, v17;
	[tilespmem:s16+$0xFFFFFFA0] =	vst v16;
	v16 =	vmul.f32 $1.442695020e+00, v44;
	vm0 =	vge.f32 v31, v14;
	v31 =	vpop (erf)  }
0x45d: {  	v18 =	vnsel vm3, $0xC28C0000, v18;
	(erf) = vpow2.f32 v30;
	v30 =	vld [tilespmem:s17+$0xFFFFFFB0];
	vm1 =	vge.f32 v31, v10;
	v31 =	vpop (erf)  }
0x45e: {  	v49 =	vld [tilespmem:s17+$0xFFFFFFC0];
	v19 =	vnsel vm4, $0xC28C0000, v19;
	[tilespmem:s16+$0xFFFFFFC0] =	vst v18;
	v18 =	vmul.f32 $1.442695020e+00, v56;
	vm2 =	vge.f32 v31, v14;
	v31 =	vpop (erf)  }
0x45f: {  	vm6 =	vge.f32 v13, v10;
	v36 =	vmul.f32 $1.442695020e+00, v27;
	vm3 =	vge.f32 v31, v10;
	v31 =	vld [tilespmem:s17+$0xFFFFFFD0]  }
0x460: {  	v39 =	vld [tilespmem:s17+$0xFFFFFFE0];
	v13 =	vsub.f32 v35, v11;
	v22 =	vnsel vm5, $0xC28C0000, v22;
	[tilespmem:s16+$0xFFFFFFD0] =	vst v19;
	v24 =	vnsel vm6, $0xC28C0000, v24  }
0x461: {  	v19 =	vsub.f32 v40, v12;
	[tilespmem:s16+$0xFFFFFFF0] =	vst v24;
	v24 =	vmul.f32 $1.442695020e+00, v58;
	v37 =	vpop (erf);
	(erf) = vpow2.f32 v36  }
0x462: {  	v51 =	vnsel vm2, $0xC28C0000, v20;
	(erf) = vpow2.f32 v38;
	v20 =	vmul.f32 $1.442695020e+00, v30  }
0x463: {  	v42 =	vnsel vm3, $0xC28C0000, v25;
	v25 =	vmul.f32 $1.442695020e+00, v49;
	(erf) = vpow2.f32 v50  }
0x464: {  	v27 =	vsub.f32 v27, v12;
	(erf) = vpow2.f32 v20;
	v54 =	vmul.f32 $1.442695020e+00, v31  }
0x465: {  	v21 =	vnsel vm0, $0xC28C0000, v21;
	v20 =	vmul.f32 $1.442695020e+00, v39;
	(erf) = vpow2.f32 v25  }
0x466: {  	v23 =	vnsel vm1, $0xC28C0000, v23;
	[tilespmem:s16+$0x0] =	vst v21;
	v21 =	vsub.f32 v44, v11;
	v52 =	vpop (erf);
	v25 =	vld [tilespmem:s17+$0x30];
	(erf) = vpow2.f32 v54  }
0x467: {  	v45 =	vld [tilespmem:s17+$0x50];
	[tilespmem:s16+$0x10] =	vst v23;
	v23 =	vsub.f32 v56, v11;
	vm1 =	vge.f32 v37, v14;
	v53 =	vpop (erf);
	(erf) = vpow2.f32 v20  }
0x468: {  	vm0 =	vge.f32 v52, v10;
	vm2 =	vge.f32 v53, v14;
	(erf) = vpow2.f32 v55  }
0x469: {  	v26 =	vnsel vm1, $0xC28C0000, v26;
	v28 =	vnsel vm2, $0xC28C0000, v28;
	(erf) = vpow2.f32 v57  }
0x46a: {  	v30 =	vsub.f32 v30, v12;
	[tilespmem:s16+$0xFFFFFF80] =	vst v28;
	v28 =	vnsel vm0, $0xC28C0000, v29;
	v59 =	vpop (erf);
	(erf) = vpow2.f32 v15  }
0x46b: {  	[tilespmem:s16+$0xFFFFFFB0] =	vst v17;
	v17 =	vmul.f32 $1.442695020e+00, v25;
	(erf) = vpow2.f32 v16;
	v16 =	vsub.f32 v31, v12;
	v31 =	vpop (erf)  }
0x46c: {  	[tilespmem:s16+$0xFFFFFFE0] =	vst v22;
	v20 =	vmul.f32 $1.442695020e+00, v45;
	v25 =	vsub.f32 v25, v12;
	v15 =	vsub.f32 v49, v11;
	v22 =	vpop (erf)  }
0x46d: {  	(erf) = vpow2.f32 v17;
	v17 =	vsub.f32 v39, v11;
	vm0 =	vge.f32 v31, v10;
	v60 =	vpop (erf)  }
0x46e: {  	v29 =	vld [tilespmem:s17+$0x60];
	(erf) = vpow2.f32 v18;
	v18 =	vsub.f32 v41, v11;
	vm5 =	vge.f32 v22, v10;
	v31 =	vpop (erf)  }
0x46f: {  	[tilespmem:s16+$0x70] =	vst v34;
	v27 =	vnsel vm0, $0xC28C0000, v27;
	v22 =	vsub.f32 v58, v11;
	(erf) = vpow2.f32 v20;
	v61 =	vpop (erf)  }
0x470: {  	[tilespmem:s16+$0x20] =	vst v51;
	s17 =	simm.s32 $0x14200;
	vm0 =	vge.f32 v59, v14;
	v20 =	vsub.f32 v43, v12;
	(erf) = vpow2.f32 v24;
	v62 =	vpop (erf)  }
0x471: {  	vm6 =	vge.f32 v60, v14;
	[tilespmem:s17+$0x70] =	vst v27;
	v27 =	vnsel vm5, $0xC28C0000, v32;
	vm7 =	vge.f32 v31, v10;
	v31 =	vpop (erf)  }
0x472: {  	[tilespmem:s16+$0x40] =	vst v26;
	v24 =	vsub.f32 v45, v12;
	vm3 =	vge.f32 v61, v14;
	vm4 =	vge.f32 v62, v10;
	v26 =	vpop (erf)  }
0x473: {  	[tilespmem:s16+$0x50] =	vst v28;
	vm1 =	vge.f32 v31, v14;
	v31 =	vmul.f32 $1.442695020e+00, v29;
	vm2 =	vge.f32 v26, v10;
	v28 =	vpop (erf)  }
0x474: {  	[tilespmem:s16+$0x30] =	vst v42;
	v26 =	vsub.f32 v29, v11;
	v29 =	vnsel vm6, $0xC28C0000, v33;
	vm5 =	vge.f32 v28, v14;
	v63 =	vpop (erf)  }
0x475: {  	s18 =	simm.s32 $0x8;
	s19 =	simm.s32 $0x280;
	[tilespmem:s17+$0xFFFFFF90] =	vst v27;
	v28 =	vnsel vm7, $0xC28C0000, v30;
	vm6 =	vge.f32 v63, v10;
	v27 =	vpop (erf);
	(erf) = vpow2.f32 v31  }
.LBB2_54:
0x476: {  	v30 =	vld [tilespmem:s19+$0x70];
	s18 =	sadd.s32 $0x8, s18;
	[tilespmem:s17+$0xFFFFFFA0] =	vst v29;
	v15 =	vnsel vm3, $0xC28C0000, v15;
	v16 =	vnsel vm4, $0xC28C0000, v16;
	vm3 =	vge.f32 v27, v14;
	v27 =	vpop (erf)  }
0x477: {  	v17 =	vnsel vm1, $0xC28C0000, v17;
	v19 =	vnsel vm2, $0xC28C0000, v19;
	v29 =	vld [tilespmem:s19+$0xFFFFFF90];
	p1 =	slt.u32 s18, $0x1F8;
	[tilespmem:s17+$0xFFFFFFB0] =	vst v28;
	vm1 =	vge.f32 v27, v10;
	v27 =	vpop (erf)  }
0x478: {  	v28 =	vld [tilespmem:s19+$0xFFFFFFA0];
	[tilespmem:s17+$0xFFFFFFC0] =	vst v15;
	v15 =	vnsel vm5, $0xC28C0000, v18;
	v18 =	vnsel vm6, $0xC28C0000, v20;
	vm2 =	vge.f32 v27, v14;
	v20 =	vpop (erf)  }
0x479: {  	v27 =	vld [tilespmem:s19+$0xFFFFFFB0];
	[tilespmem:s17+$0xFFFFFFD0] =	vst v16;
	v16 =	vnsel vm3, $0xC28C0000, v21;
	v21 =	vnsel vm1, $0xC28C0000, v25;
	vm1 =	vge.f32 v20, v10;
	v20 =	vpop (erf)  }
0x47a: {  	v25 =	vld [tilespmem:s19+$0xFFFFFFC0];
	vm3 =	vge.f32 v20, v14;
	[tilespmem:s17+$0xFFFFFFE0] =	vst v17;
	v20 =	vnsel vm2, $0xC28C0000, v23;
	v23 =	vnsel vm1, $0xC28C0000, v24  }
0x47b: {  	v31 =	vnsel vm0, $0xC28C0000, v13;
	v13 =	vmovc v26;
	v17 =	vld [tilespmem:s19+$0xFFFFFFD0];
	v24 =	vmul.f32 $1.442695020e+00, v30;
	v22 =	vnsel vm3, $0xC28C0000, v22;
	[tilespmem:s17+$0xFFFFFFF0] =	vst v19  }
0x47c: {  	v19 =	vmul.f32 $1.442695020e+00, v29;
	v29 =	vsub.f32 v29, v12;
	v26 =	vld [tilespmem:s19+$0xFFFFFFE0];
	[tilespmem:s17+$0xFFFFFF80] =	vst v22  }
0x47d: {  	v22 =	vmul.f32 $1.442695020e+00, v28;
	v28 =	vsub.f32 v28, v11;
	v32 =	vld [tilespmem:s19+$0xFFFFFFF0];
	(erf) = vpow2.f32 v24;
	[tilespmem:s17+$0x0] =	vst v15  }
0x47e: {  	v24 =	vmul.f32 $1.442695020e+00, v27;
	v27 =	vsub.f32 v27, v12;
	v33 =	vld [tilespmem:s19+$0x0];
	(erf) = vpow2.f32 v19;
	[tilespmem:s17+$0x10] =	vst v18;
	v34 =	vpop (erf)  }
0x47f: {  	v18 =	vmul.f32 $1.442695020e+00, v25;
	v15 =	vsub.f32 v25, v11;
	v25 =	vld [tilespmem:s19+$0x10];
	(erf) = vpow2.f32 v22;
	[tilespmem:s17+$0x20] =	vst v16  }
0x480: {  	v22 =	vmul.f32 $1.442695020e+00, v17;
	v16 =	vsub.f32 v17, v12;
	v35 =	vld [tilespmem:s19+$0x20];
	(erf) = vpow2.f32 v24;
	[tilespmem:s17+$0x30] =	vst v21  }
0x481: {  	v21 =	vmul.f32 $1.442695020e+00, v26;
	v17 =	vsub.f32 v26, v11;
	v24 =	vld [tilespmem:s19+$0x30];
	(erf) = vpow2.f32 v18;
	[tilespmem:s17+$0x40] =	vst v20  }
0x482: {  	v26 =	vmul.f32 $1.442695020e+00, v32;
	v19 =	vsub.f32 v32, v12;
	v32 =	vld [tilespmem:s19+$0x40];
	(erf) = vpow2.f32 v22;
	[tilespmem:s17+$0x50] =	vst v23  }
0x483: {  	v22 =	vmul.f32 $1.442695020e+00, v33;
	v18 =	vsub.f32 v33, v11;
	v33 =	vld [tilespmem:s19+$0x50];
	(erf) = vpow2.f32 v21;
	[tilespmem:s16+$0x60] =	vst v31;
	s16 =	smov.u32 s17  }
0x484: {  	v23 =	vld [tilespmem:s19+$0xFFFFFF80];
	v31 =	vmul.f32 $1.442695020e+00, v25;
	v20 =	vsub.f32 v25, v12;
	(erf) = vpow2.f32 v26  }
0x485: {  	v25 =	vmul.f32 $1.442695020e+00, v35;
	v21 =	vsub.f32 v35, v11;
	(erf) = vpow2.f32 v22  }
0x486: {  	v36 =	vsub.f32 v30, v12;
	v22 =	vmul.f32 $1.442695020e+00, v24;
	(erf) = vpow2.f32 v31;
	v30 =	vpop (erf)  }
0x487: {  	v39 =	vmul.f32 $1.442695020e+00, v32;
	vm0 =	vge.f32 v30, v10;
	v30 =	vpop (erf);
	(erf) = vpow2.f32 v25  }
0x488: {  	s17 =	sadd.s32 $0x100, s17;
	v35 =	vmul.f32 $1.442695020e+00, v33;
	v25 =	vnsel vm0, $0xC28C0000, v36;
	v26 =	vpop (erf);
	(erf) = vpow2.f32 v22  }
0x489: {  	v36 =	vmul.f32 $1.442695020e+00, v23;
	v22 =	vsub.f32 v23, v11;
	v37 =	vld [tilespmem:s19+$0x60];
	[tilespmem:s17+$0x70] =	vst v25;
	v38 =	vpop (erf);
	(erf) = vpow2.f32 v39  }
0x48a: {  	v25 =	vsub.f32 v24, v12;
	v23 =	vsub.f32 v32, v11;
	v31 =	vpop (erf);
	(erf) = vpow2.f32 v35  }
0x48b: {  	vm5 =	vge.f32 v30, v10;
	v24 =	vsub.f32 v33, v12;
	(erf) = vpow2.f32 v36;
	v30 =	vpop (erf)  }
.Ltmp31:
0x48c: {  	vm6 =	vge.f32 v26, v14;
	vm7 =	vge.f32 v38, v10;
	vm3 =	vge.f32 v31, v14;
	v26 =	vpop (erf);
	(pc) =	sbr.rel @p1 .LBB2_54-.Ltmp31, $4  }
0x48d: {  	vm0 =	vge.f32 v34, v14;
	vm4 =	vge.f32 v30, v10;
	vm1 =	vge.f32 v26, v14;
	v26 =	vpop (erf)  }
0x48e: {  	vm2 =	vge.f32 v26, v10;
	v30 =	vmul.f32 $1.442695020e+00, v37;
	v26 =	vsub.f32 v37, v11;
	v31 =	vpop (erf)  }
0x48f: {  	v32 =	vnsel vm5, $0xC28C0000, v29;
	v29 =	vnsel vm6, $0xC28C0000, v28;
	vm5 =	vge.f32 v31, v14;
	v31 =	vpop (erf)  }
0x490: {  	s19 =	sadd.s32 $0x100, s19;
	v28 =	vnsel vm7, $0xC28C0000, v27;
	[tilespmem:s17+$0xFFFFFF90] =	vst v32;
	vm6 =	vge.f32 v31, v10;
	v27 =	vpop (erf);
	(erf) = vpow2.f32 v30  }
0x491: {  	[tilespmem:s17+$0xFFFFFFA0] =	vst v29  }
0x492: {  	v15 =	vnsel vm3, $0xC28C0000, v15;
	[tilespmem:s17+$0xFFFFFFB0] =	vst v28  }
0x493: {  	v16 =	vnsel vm4, $0xC28C0000, v16;
	[tilespmem:s17+$0xFFFFFFC0] =	vst v15  }
0x494: {  	v17 =	vnsel vm1, $0xC28C0000, v17;
	[tilespmem:s17+$0xFFFFFFD0] =	vst v16  }
0x495: {  	v19 =	vnsel vm2, $0xC28C0000, v19;
	[tilespmem:s17+$0xFFFFFFE0] =	vst v17  }
0x496: {  	v58 =	vnsel vm5, $0xC28C0000, v18;
	[tilespmem:s17+$0xFFFFFFF0] =	vst v19  }
0x497: {  	v59 =	vnsel vm6, $0xC28C0000, v20;
	[tilespmem:s17+$0x0] =	vst v58  }
0x498: {  	v55 =	vpop (erf);
	vm11 =	vge.f32 v27, v14;
	v13 =	vnsel vm0, $0xC28C0000, v13;
	[tilespmem:s17+$0x10] =	vst v59  }
0x499: {  	v56 =	vpop (erf);
	vm12 =	vge.f32 v55, v10;
	v60 =	vnsel vm11, $0xC28C0000, v21;
	[tilespmem:s16+$0x60] =	vst v13  }
0x49a: {  	vm13 =	vge.f32 v56, v14;
	v61 =	vnsel vm12, $0xC28C0000, v25;
	[tilespmem:s17+$0x20] =	vst v60;
	v15 =	vpop (erf)  }
0x49b: {  	[tilespmem:s17+$0x30] =	vst v61;
	v57 =	vpop (erf);
	vm14 =	vge.f32 v15, v10;
	v15 =	vnsel vm13, $0xC28C0000, v23  }
0x49c: {  	vm10 =	vge.f32 v57, v14;
	v62 =	vnsel vm14, $0xC28C0000, v24;
	[tilespmem:s17+$0x40] =	vst v15;
	v63 =	vpop (erf)  }
0x49d: {  	s14 =	sadd.s32 $0x1, s14;
	v16 =	vnsel vm10, $0xC28C0000, v22;
	[tilespmem:s17+$0x50] =	vst v62;
	vm15 =	vge.f32 v63, v14  }
0x49e: {  	p1 =	sne.s32 s14, $0x10;
	[tilespmem:s17+$0xFFFFFF80] =	vst v16;
	v13 =	vnsel vm15, $0xC28C0000, v26  }
.Ltmp32:
0x49f: {  	s15 =	sadd.s32 s5, s15;
	[tilespmem:s17+$0x60] =	vst v13;
	(pc) =	sbr.rel @p1 .LBB2_53-.Ltmp32, $4  }
0x4a0: {  	[hbm4b:s15+s2] =	stream.linear.scatter [tilespmem:s10], [sflag:$0x1], $0x4000, $0x38;
	[tilespmem:$0x1C280] =	vst v63  }
0x4a1: {  	_ =	swait.ge [sflag:s8], $0x4000  }
0x4a2: {  	[sflag:s8] =	ssyncset.done $0x0  }
0x4a3: {  	[sflag:s8] =	ssyncadd.s32 $0xFFFFC000  }
.Ltmp33:
0x4a4: {  	(pc) =	sbr.rel @p0 .LBB2_2-.Ltmp33, $2  }
0x4a5: {  	_ =	sdelay $0x2  }
0x4a6: {  	s13 =	simm.s32 $0x20;
	p1 =	por $0x0, $0x0  }
0x4a7: {  	s12 =	sadd.s32 $0x1, s12  }
0x4a8: {  	p0 =	sne.s32 s12, s7  }
.Ltmp34:
0x4a9: {  	_ = 	snop;
	(pc) =	sbr.rel @p0 .LBB2_1-.Ltmp34, $1  }
0x4aa: {  	_ =	sdelay $0x3  }
0x4ab: {  	_ =	sfence.sel $0x180000  }
0x4ac: {  	[bflag:$0x0] =	sbarrier.arrive $0xFFFF  }
0x4ad: {  	p0 =	sne.s32 s3, $0x0;
	_ =	strace $0x90000047  }
0x4ae: {  	s0 =	sadd.s32 @!p0 $0x100000, s0;
	[bflag:$0x2] =	sbarrier.arrive $0xFFFF  }
0x4af: {  	[sflag:s0] =	ssyncadd.tile.s32 @!p0 $0x1;
	_ =	shalt  }
.Lfunc_end2:
_tile_overlayer_lowered:
.L_overlay_start_2:
0x4b0: {  	(tag) =	ssettag $0x2  }
0x4b1: {  	s0 =	rddreg [dreg:$0x0];
	s2 =	stileid.u32  }
0x4b2: {  	s1 =	rddreg [dreg:$0x1];
	p0 =	sne.s32 s2, $0x0  }
0x4b3: {  	s3 =	rddreg [dreg:$0x2];
	[bflag:$0x3] =	sbarrier.arrive $0xFFFF;
	s2 =	simm.s32 @!p0 $0x1C01  }
0x4b4: {  	[timem:s3], [sflag:s2] =	dma.local @!p0 [hbm:s0], s1  }
0x4b5: {  	s0 =	simm.s32 @!p0 $0x1  }
0x4b6: {  	_ =	swait.ge @!p0 [sflag:s0], s1  }
0x4b7: {  	s1 =	ssub.s32 @!p0 $0x0, s1;
	[sflag:s0] =	ssyncset.done @!p0 $0x0  }
0x4b8: {  	[sflag:s0] =	ssyncadd.s32 @!p0 s1  }
0x4b9: {  	[bflag:$0x3] =	sbarrier.arrive $0xFFFF  }
0x4ba: {  	_ =	shalt  }

// kernel: sparse-core-data-format-call.cloned.1.call-start
scs
called_computation_lowered:
.L_overlay_start_0:
0x0: {  	s2 =	sld [smem:$0x3FD9]  }
0x1: {  	s3 =	sld [smem:$0x3FFE];
	_ =	sdelay $0x1  }
0x2: {  	s1 =	srdreg.scid  }
0x3: {  	s0 =	sand.u32 $0x1, s1  }
0x4: {  	s18 =	sshll.u32 s0, $0xA;
	s2 =	sadd.s32 s3, s2  }
0x5: {  	s2 =	sadd.s32 s2, s18  }
0x6: {  	[smem:$0x3FC7] =	sst s2  }
0x7: {  	_ = 	snop  }
0x8: {  	s2 =	sld [smem:$0x3FD0];
	(tm) =	ssettm $0x1  }
0x9: {  	s19 =	sld [smem:$0x3FFB];
	_ =	sdelay $0x3  }
0xa: {  	_ =	strace s19  }
0xb: {  	s3 =	sld [smem:$0x3FFC];
	_ =	sdelay $0x3  }
0xc: {  	_ =	strace s3  }
0xd: {  	s3 =	sld [smem:$0x3FFD];
	_ =	sdelay $0x3  }
0xe: {  	_ =	strace s3  }
0xf: {  	_ =	strace $0x8FFFFFFF  }
0x10: {  	s20 =	sld [smem:$0x3FDB];
	_ =	sdelay $0x1  }
0x11: {  	s4 =	simm.s32 $_scs_section_size  }
0x12: {  	s5 =	simm.s32 $_size__tile_overlayer_lowered;
	s6 =	simm.s32 $_tile_overlayer_lowered  }
0x13: {  	s23 =	simm.s32 $0x1BFF;
	s22 =	sshll.u32 s6, $0x1;
	s3 =	sadd.s32 s4, s20  }
0x14: {  	s7 =	simm.s32 $0x0;
	s21 =	sshll.u32 s5, $0x1;
	s5 =	sadd.s32 s22, s3  }
0x15: {  	[timem:s7], [sflag:s23] =	dma.local [hbm:s5], s21  }
0x16: {  	_ =	swait.ge [sflag:s23], s21  }
0x17: {  	s4 =	ssub.s32 $0x0, s21;
	[sflag:s23] =	ssyncset.done $0x0  }
0x18: {  	[sflag:s23] =	ssyncadd.s32 s4;
	_ =	sdelay $0x1  }
0x19: {  	s24 =	simm.s32 $0x1B8B  }
0x1a: {  	_ =	swait.ge [sflag:s24], $0x1  }
0x1b: {  	[sflag:s24] =	ssyncset.done $0x0  }
0x1c: {  	s26 =	simm.s32 $0x1B8E;
	s25 =	sld [smem:$0x3FFE];
	[sflag:s24] =	ssyncadd.s32 $0xFFFFFFFF  }
0x1d: {  	s27 =	simm.s32 $execute0_lowered;
	[smem:$0x3FD2] =	sst s26  }
0x1e: {  	s5 =	sshll.u32 s27, $0x1;
	_ =	strace $0x80000049;
	[dreg:$0x1] =	wrdreg $0xFFFFFFFF  }
0x1f: {  	s28 =	simm.s32 $_size_execute0_lowered;
	s3 =	sadd.s32 s3, s5;
	[dreg:$0x0] =	wrdreg $0x0  }
0x20: {  	s5 =	sshll.u32 s28, $0x1;
	[dreg:$0x2] =	wrdreg s3  }
0x21: {  	[dreg:$0x3] =	wrdreg s5  }
0x22: {  	[dreg:$0x4] =	wrdreg $0xC0  }
0x23: {  	_ =	task [dreg:s7], $0x5FFFF  }
0x24: {  	[dreg:$0x1] =	wrdreg $0xFFFFFFFF  }
0x25: {  	[dreg:$0x0] =	wrdreg $0x60  }
0x26: {  	[dreg:$0x2] =	wrdreg s25  }
0x27: {  	[dreg:$0x3] =	wrdreg s2  }
0x28: {  	[dreg:$0x4] =	wrdreg $0x9  }
0x29: {  	_ =	task.clear_ibuf [dreg:s7], $0x5FFFF;
	_ =	strace $0x90000049  }
0x2a: {  	s29 =	simm.s32 $0x9;
	_ =	strace $0x8000004B  }
0x2b: {  	_ =	swait.ge [sflag:s29], $0x1  }
0x2c: {  	[sflag:s29] =	ssyncadd.s32 $0xFFFFFFFF  }
0x2d: {  	_ =	strace $0x9000004B  }
0x2e: {  	_ =	sfence  }
0x2f: {  	s30 =	sld [smem:$0x0];
	_ =	sdelay $0x2  }
0x30: {  	s31 =	sshll.u32 s1, $0xD;
	s1 =	sshrl.u32 s1, $0x2  }
0x31: {  	s3 =	sand.u32 $0x4000, s31;
	s1 =	sadd.s32 s1, s30  }
0x32: {  	s0 =	sor.u32 s3, s0;
	s1 =	sshll.u32 s1, $0x11  }
0x33: {  	s0 =	sor.u32 s1, s0  }
0x34: {  	s0 =	sadd.s32 $0x8F2B, s0  }
0x35: {  	[sflag:s0] =	ssyncadd.remote.s32 $0x1  }
0x36: {  	_ =	sfence.sel $0xFFFF  }
0x37: {  	[dreg:$0x0] =	wrdreg $0xFFFFFFFF;
	(pc) =	sbr.abs _section_cstart, $3  }
0x38: {  	[dreg:$0x1] =	wrdreg $0xFFFFFFFF  }
0x39: {  	_ =	task.clear_ibuf [dreg:s7], $0x2FFFF;
	_ =	strace $0x9FFFFFFF  }
0x3a: {  	(tm) =	ssettm $0x7FFFFFFF  }
0x3b: {  	_ =	shalt  }
tec
execute0_lowered:
.L_overlay_start_1:
0x0: {  	(tag) =	ssettag $0x1  }
0x1: {  	s10 =	rddreg [dreg:$0x0]  }
0x2: {  	s2 =	rddreg [dreg:$0x1]  }
0x3: {  	s0 =	rddreg [dreg:$0x2]  }
0x4: {  	_ =	strace $0x8000004A;
	s1 =	stileid.u32;
	s5 =	srdreg.scid  }
0x5: {  	s6 =	simm.s32 $0x1;
	s31 =	simm.s32 $0x2;
	s16 =	simm.s32 $0x0  }
0x6: {  	s12 =	simm.s32 $0x10000;
	s17 =	simm.s32 $0x0;
	s4 =	sshll.u32 s1, $0x2  }
0x7: {  	s15 =	simm.s32 $0x0;
	s5 =	sshll.u32 s5, $0x7;
	s7 =	ssub.s32 $0x40, s4  }
0x8: {  	s5 =	sand.u32 $0x80, s5;
	s8 =	sshrl.u32 s7, $0x6;
	s7 =	sand.u32 $0x3C, s7  }
0x9: {  	s3 =	sadd.s32 $0x200800, s10;
	s9 =	ssub.s32 $0x2000, s5;
	p0 =	sne.s32 s7, $0x0  }
0xa: {  	s7 =	simm.s32 $0x1;
	s11 =	sshrl.u32 s9, $0x7;
	s9 =	sshrl.u32 s9, $0x8  }
.Ltmp0:
0xb: {  	s7 =	simm.s32 @!p0 $0x0;
	s11 =	sand.u32 $0x1, s11;
	(pc) =	sbr.rel .LBB1_1-.Ltmp0, $4  }
0xc: {  	[sflag:s6] =	ssyncpa.u1 $0x0;
	s7 =	sadd.s32 s7, s8;
	s30 =	sadd.s32 s9, s11  }
0xd: {  	[sflag:s31] =	ssyncpa.u1 $0x0;
	s14 =	smov.u32 s4;
	s7 =	smul.u32 s7, s30  }
0xe: {  	s13 =	smov.u32 s5;
	p0 =	por $0x0, $0x0;
	s8 =	sadd.s32 $0x220800, s10  }
0xf: {  	s9 =	sadd.s32 $0x240800, s10;
	s10 =	sadd.s32 $0x260800, s10;
	s11 =	sadd.s32 $0x1, s7  }
.LBB1_7:
0x10: {  	s18 =	sadd.s32 $0x100, s13  }
0x11: {  	s16 =	sadd.s32 $0x40, s14;
	s20 =	smov.u32 s14;
	p2 =	sgt.s32 s18, $0x1FFF  }
0x12: {  	s20 =	smov.u32 @p2 s16  }
0x13: {  	s18 =	smov.u32 @p2 s5;
	p2 =	sgt.s32 s20, $0x3F  }
0x14: {  	s20 =	smov.u32 @p2 s4;
	p2 =	sne.s32 s15, s11  }
.Ltmp1:
0x15: {  	p1 =	slt.u32 s15, $0x2;
	(pc) =	sbr.rel @!p2 .LBB1_8-.Ltmp1, $4  }
0x16: {  	s19 =	simm.s32 @!p1 $0x2  }
0x17: {  	s17 =	smov.u32 s14;
	p0 =	por !p0, !p0;
	_ =	swait.ge @!p1 [sflag:s19], $0x4000  }
0x18: {  	s16 =	smov.u32 s13;
	[sflag:s19] =	ssyncset.done @!p1 $0x0;
	s13 =	smov.u32 s18  }
0x19: {  	s15 =	sadd.s32 $0x1, s15;
	[sflag:s19] =	ssyncadd.s32 @!p1 $0xFFFFC000;
	s14 =	smov.u32 s20  }
.LBB1_1:
0x1a: {  	p1 =	sge.u32 s15, s7  }
0x1b: {  	s18 =	sxor.u32 @!p1 $0xFFFFFFFF, s15  }
0x1c: {  	s19 =	sshll.u32 @!p1 s14, $0x11;
	s20 =	sshll.u32 @!p1 s13, $0x4;
	s22 =	simm.s32 @!p1 $0x20  }
0x1d: {  	s18 =	sshll.u32 @!p1 s18, $0xE;
	s20 =	sand.u32 @!p1 $0x1FFF0, s20;
	s21 =	sadd.s32 @!p1 s3, s19  }
0x1e: {  	s23 =	simm.s32 @!p1 $0x80;
	s18 =	sand.u32 @!p1 $0x4000, s18;
	s21 =	sadd.s32 @!p1 s20, s21  }
0x1f: {  	[tilespmem:s18], [sflag:$0x1] =	stream.strided.gather @!p1 [hbm4b:s21+s22], $0x1000, s23, s22, $0x38;
	[tilespmem:$0x10100] =	vst v63  }
0x20: {  	s21 =	sadd.s32 @!p1 s19, s8  }
0x21: {  	s24 =	sor.u32 @!p1 $0x1000, s18;
	s21 =	sadd.s32 @!p1 s20, s21  }
0x22: {  	[tilespmem:s24], [sflag:$0x1] =	stream.strided.gather @!p1 [hbm4b:s21+s22], $0x1000, s23, s22, $0x38;
	[tilespmem:$0x10100] =	vst v63  }
0x23: {  	s21 =	sadd.s32 @!p1 s19, s9  }
0x24: {  	s24 =	sor.u32 @!p1 $0x2000, s18;
	s19 =	sadd.s32 @!p1 s19, s10;
	s21 =	sadd.s32 @!p1 s20, s21  }
0x25: {  	[tilespmem:s24], [sflag:$0x1] =	stream.strided.gather @!p1 [hbm4b:s21+s22], $0x1000, s23, s22, $0x38;
	[tilespmem:$0x10100] =	vst v63  }
0x26: {  	s31 =	sadd.s32 $0xFFFFFFFF, s15;
	s18 =	sor.u32 @!p1 $0x3000, s18;
	s19 =	sadd.s32 @!p1 s20, s19  }
0x27: {  	[tilespmem:s18], [sflag:$0x1] =	stream.strided.gather @!p1 [hbm4b:s19+s22], $0x1000, s23, s22, $0x38;
	[tilespmem:$0x10100] =	vst v63  }
0x28: {  	p1 =	sge.u32 s31, s7  }
.Ltmp2:
0x29: {  	_ = 	snop;
	(pc) =	sbr.rel @p1 .LBB1_7-.Ltmp2, $1  }
0x2a: {  	_ =	sdelay $0x3  }
0x2b: {  	s18 =	simm.s32 $0x1;
	s20 =	sand.u32 $0x1, s15  }
0x2c: {  	_ =	swait.ge [sflag:s6], $0x4000;
	s18 =	simm.s32 @!p0 $0x0;
	s21 =	smul.u32 $0x10200, s20  }
0x2d: {  	[sflag:s6] =	ssyncset.done $0x0;
	s19 =	smul.u32 $0x10200, s18  }
0x2e: {  	s18 =	sshll.u32 s18, $0xE;
	[sflag:s6] =	ssyncadd.s32 $0xFFFFC000  }
0x2f: {  	s20 =	sor.u32 $0x10, s18;
	s31 =	sshrl.u32 s21, $0x2;
	s19 =	sshrl.u32 s19, $0x2  }
0x30: {  	s21 =	simm.s32 $0x0;
	s18 =	sor.u32 $0x8000, s31;
	s19 =	sor.u32 $0x8000, s19  }
.LBB1_3:
0x31: {  	v1 =	vld [tilespmem:s20+$0x0]  }
0x32: {  	v0 =	vld [tilespmem:s20+$0xFFFFFFF0];
	_ =	sdelay $0x2  }
0x33: {  	s24 =	sadd.s32 $0x0, s19  }
0x34: {  	s22 =	simm.s32 $0x4;
	s23 =	sadd.s32 $0x20, s20;
	[tilespmem:s24+$0x810 ss:$0x81] =	vst.msk $0xffff, v1  }
.LBB1_4:
0x35: {  	v1 =	vld [tilespmem:s23+$0x0];
	p1 =	sne.s32 s22, $0x1FC;
	[tilespmem:s24+$0x0 ss:$0x81] =	vst.msk $0xffff, v0;
	s24 =	smov.u32 s22;
	s22 =	sadd.s32 $0x4, s22  }
.Ltmp3:
0x36: {  	v0 =	vld [tilespmem:s23+$0xFFFFFFF0];
	(pc) =	sbr.rel @p1 .LBB1_4-.Ltmp3, $4  }
0x37: {  	_ = 	snop  }
0x38: {  	s24 =	sshra.s32 s24, $0x2  }
0x39: {  	s24 =	sadd.s32 s24, s19  }
0x3a: {  	s23 =	sadd.s32 $0x20, s23;
	[tilespmem:s24+$0x810 ss:$0x81] =	vst.msk $0xffff, v1  }
0x3b: {  	s21 =	sadd.s32 $0x1, s21  }
0x3c: {  	p1 =	sne.s32 s21, $0x4  }
.Ltmp4:
0x3d: {  	_ = 	snop;
	(pc) =	sbr.rel @p1 .LBB1_3-.Ltmp4, $2  }
0x3e: {  	_ =	sdelay $0x2  }
0x3f: {  	[tilespmem:s24+$0x0 ss:$0x81] =	vst.msk $0xffff, v0;
	s19 =	sadd.s32 $0x1020, s19;
	s20 =	sadd.s32 $0x1000, s20  }
0x40: {  	s19 =	sshll.u32 s16, $0x3;
	s20 =	sand.u32 $0x78, s16;
	s17 =	sshll.u32 s17, $0xF  }
.Ltmp5:
0x41: {  	s30 =	sand.u32 $0x7C00, s16;
	s19 =	sand.u32 $0x1C00, s19;
	(pc) =	sbr.rel .LBB1_7-.Ltmp5, $4  }
0x42: {  	s31 =	sand.u32 $0x7, s16;
	s17 =	sadd.s32 s2, s17;
	s19 =	sor.u32 s20, s19  }
0x43: {  	s16 =	sshll.u32 s31, $0x12;
	s17 =	sadd.s32 s30, s17;
	s19 =	sshrl.u32 s19, $0x3  }
0x44: {  	s16 =	sor.u32 $0x400, s16;
	s17 =	sadd.s32 s19, s17  }
0x45: {  	[hbm4b:s17+s16] =	stream.strided.scatter [tilespmem:s18], [sflag:$0x2], $0x4000, s12, s16, $0x20;
	[tilespmem:$0x10100] =	vst v63  }
.LBB1_8:
0x46: {  	_ =	sfence.sel $0x180000  }
0x47: {  	s2 =	simm.s32 $0x1;
	[bflag:$0x0] =	sbarrier.arrive $0xFFFF  }
0x48: {  	s31 =	simm.s32 $0x2;
	[sflag:s2] =	ssyncpa.u1 $0x1  }
0x49: {  	[sflag:s31] =	ssyncpa.u1 $0x1  }
0x4a: {  	p0 =	sne.s32 s1, $0x0;
	_ =	strace $0x9000004A  }
0x4b: {  	s0 =	sadd.s32 @!p0 $0x100000, s0;
	[bflag:$0x2] =	sbarrier.arrive $0xFFFF  }
0x4c: {  	[sflag:s0] =	ssyncadd.tile.s32 @!p0 $0x1;
	_ =	shalt  }
.Lfunc_end1:
_tile_overlayer_lowered:
.L_overlay_start_2:
0x4d: {  	(tag) =	ssettag $0x2  }
0x4e: {  	s0 =	rddreg [dreg:$0x0];
	s2 =	stileid.u32  }
0x4f: {  	s1 =	rddreg [dreg:$0x1];
	p0 =	sne.s32 s2, $0x0  }
0x50: {  	s3 =	rddreg [dreg:$0x2];
	[bflag:$0x3] =	sbarrier.arrive $0xFFFF;
	s2 =	simm.s32 @!p0 $0x1C01  }
0x51: {  	[timem:s3], [sflag:s2] =	dma.local @!p0 [hbm:s0], s1  }
0x52: {  	s0 =	simm.s32 @!p0 $0x1  }
0x53: {  	_ =	swait.ge @!p0 [sflag:s0], s1  }
0x54: {  	s1 =	ssub.s32 @!p0 $0x0, s1;
	[sflag:s0] =	ssyncset.done @!p0 $0x0  }
0x55: {  	[sflag:s0] =	ssyncadd.s32 @!p0 s1  }
0x56: {  	[bflag:$0x3] =	sbarrier.arrive $0xFFFF  }
0x57: {  	_ =	shalt  }

</sc_bundles>
